<compile_context>
chip_gen: v7x
topology: tpu7x:2x2x1
jax: 0.10.2.dev20260603
libtpu: 0.0.44.dev20260713+nightly
codegen_flags: <defaults>
</compile_context>

<pallas_src>
import functools

import jax
import jax.numpy as jnp
from jax import lax
from jax.experimental import pallas as pl
from jax.experimental.pallas import tpu as pltpu
from jax.experimental.pallas import tpu_sc as plsc

E = 16
EP1 = E + 1
D = 768
F = 256
T = 2048
LANES = 128
NT = T // LANES + EP1
NTOT = NT * LANES
TRASH = T
NC, NS = 2, 16


def _router_body(x_ref, wr_ref, mask_ref,
                 logits_ref, sel_ref, ids_ref, gs_ref, te_ref):
    x = x_ref[...]
    lm = jnp.dot(x, wr_ref[...], preferred_element_type=jnp.float32)
    lm = lm * mask_ref[...]
    col = lax.broadcasted_iota(jnp.int32, (T, LANES), 1)
    valid = col < EP1
    lmask = jnp.where(valid, lm, jnp.float32(-1e30))
    rowmax = jnp.max(lmask, axis=1, keepdims=True)
    ex = jnp.where(valid, jnp.exp(lmask - rowmax), 0.0)
    probs = ex / jnp.sum(ex, axis=1, keepdims=True)
    maxp = jnp.max(probs, axis=1, keepdims=True)
    sel = jnp.min(jnp.where(probs == maxp, col, LANES), axis=1, keepdims=True)
    gate = jnp.where(sel == E, 0.0, maxp)
    ohf = (col == sel).astype(jnp.float32)

    r = lax.broadcasted_iota(jnp.int32, (LANES, LANES), 0)
    c = lax.broadcasted_iota(jnp.int32, (LANES, LANES), 1)
    tril = (r >= c).astype(jnp.float32)
    carry = jnp.zeros((1, LANES), jnp.float32)
    incl_rows = []
    for b in range(T // LANES):
        blk = ohf[b * LANES:(b + 1) * LANES, :]
        incl_rows.append(
            jnp.dot(tril, blk, preferred_element_type=jnp.float32) + carry)
        carry = carry + jnp.sum(blk, axis=0, keepdims=True)
    incl = jnp.concatenate(incl_rows, axis=0)
    counts = carry

    lane = lax.broadcasted_iota(jnp.int32, (1, LANES), 1)
    pcounts = jnp.where(lane < EP1,
                        jnp.ceil(counts / float(LANES)) * float(LANES), 0.0)
    sut = (r < c).astype(jnp.float32)
    offs = jnp.dot(pcounts, sut, preferred_element_type=jnp.float32,
                   precision=lax.Precision.HIGHEST)
    rank = jnp.sum(incl * ohf, axis=1, keepdims=True) - 1.0
    base = jnp.sum(offs * ohf, axis=1, keepdims=True)
    pos = (base + rank).astype(jnp.int32)

    ends = offs + pcounts
    rowj = r.astype(jnp.float32) * float(LANES)
    filled = (jnp.broadcast_to(ends, (LANES, LANES)) <= rowj) & (c < EP1)
    te = jnp.sum(filled.astype(jnp.int32), axis=1, keepdims=True)
    te = jnp.minimum(te, E - 1)

    lane = lax.broadcasted_iota(jnp.int32, (1, LANES), 1)
    pos_j = pos // LANES
    pos_l = pos - pos_j * LANES
    af = (pos_j == lane).astype(jnp.float32)
    indl = (pos_l == lane).astype(jnp.float32)
    tcol = lax.broadcasted_iota(jnp.int32, (T, 1), 0)
    thi = (tcol // 16).astype(jnp.float32)
    tlo = (tcol - (tcol // 16) * 16).astype(jnp.float32)
    g1 = gate.astype(jnp.bfloat16).astype(jnp.float32)
    g2 = gate - g1
    dn = (((0,), (0,)), ((), ()))
    hi_g = lax.dot_general(af, indl * thi, dn,
                           preferred_element_type=jnp.float32)
    lo_g = lax.dot_general(af, indl * tlo, dn,
                           preferred_element_type=jnp.float32)
    cov_g = lax.dot_general(af, indl, dn,
                            preferred_element_type=jnp.float32)
    gs1_g = lax.dot_general(af, indl * g1, dn,
                            preferred_element_type=jnp.float32)
    gs2_g = lax.dot_general(af, indl * g2, dn,
                            preferred_element_type=jnp.float32)
    ids_g = hi_g * 16.0 + lo_g + float(TRASH) * (1.0 - cov_g)
    gs_g = gs1_g + gs2_g
    ids_ref[...] = ids_g.astype(jnp.int32)
    gs_ref[...] = gs_g

    logits_ref[...] = lm
    sel_ref[...] = sel
    te_ref[...] = te


NSTREAM = 8
IPS = LANES // NSTREAM


def _gather_body(xpad_hbm, ids_hbm, xs_hbm, idx8, rows, sem):
    wid = lax.axis_index("s") * NC + lax.axis_index("c")

    def do_chunk(chunk):
        pltpu.sync_copy(ids_hbm.at[pl.ds(chunk * NSTREAM, NSTREAM)], idx8)
        copies = [
            pltpu.async_copy(xpad_hbm.at[idx8.at[i]],
                             rows.at[pl.ds(i * IPS, IPS)], sem)
            for i in range(NSTREAM)
        ]
        for cp in copies:
            cp.wait()
        pltpu.sync_copy(rows, xs_hbm.at[pl.ds(chunk * LANES, LANES)])

    do_chunk(wid)

    @pl.when(wid == 0)
    def _():
        do_chunk(jnp.int32(NT - 1))


def _scatter_body(ys_hbm, ids_hbm, out_hbm, idx8, rows, sem):
    wid = lax.axis_index("s") * NC + lax.axis_index("c")

    def do_chunk(chunk):
        pltpu.sync_copy(ids_hbm.at[pl.ds(chunk * NSTREAM, NSTREAM)], idx8)
        pltpu.sync_copy(ys_hbm.at[pl.ds(chunk * LANES, LANES)], rows)
        copies = [
            pltpu.async_copy(rows.at[pl.ds(i * IPS, IPS)],
                             out_hbm.at[idx8.at[i]], sem)
            for i in range(NSTREAM)
        ]
        for cp in copies:
            cp.wait()

    do_chunk(wid)

    @pl.when(wid == 0)
    def _():
        do_chunk(jnp.int32(NT - 1))


def _mlp_body(te_ref, x_ref, w1_ref, w2_ref, g_ref, y_ref):
    x = x_ref[...]
    h = jax.nn.gelu(jnp.dot(x, w1_ref[0], preferred_element_type=jnp.float32))
    y = jnp.dot(h, w2_ref[0], preferred_element_type=jnp.float32)
    y_ref[...] = y * g_ref[0]


def kernel(inputs, masks, W_router, W1, W2):
    x = inputs.reshape(T, D)
    wr_pad = jnp.zeros((D, LANES), jnp.float32).at[:, :EP1].set(W_router)
    masks_pad = jnp.concatenate(
        [masks, jnp.ones((T, 1), masks.dtype),
         jnp.zeros((T, LANES - EP1), masks.dtype)], axis=1)
    x_pad = jnp.concatenate([x, jnp.zeros((1, D), x.dtype)], axis=0)

    logits, sel, ids2d, gs2d, te = pl.pallas_call(
        _router_body,
        out_shape=(
            jax.ShapeDtypeStruct((T, LANES), jnp.float32),
            jax.ShapeDtypeStruct((T, 1), jnp.int32),
            jax.ShapeDtypeStruct((LANES, LANES), jnp.int32),
            jax.ShapeDtypeStruct((LANES, LANES), jnp.float32),
            jax.ShapeDtypeStruct((LANES, 1), jnp.int32),
        ),
    )(x, wr_pad, masks_pad)
    ids = ids2d.reshape(LANES * LANES)[:NTOT].reshape(NTOT // IPS, IPS)
    gs = gs2d.reshape(LANES * LANES)[:NTOT]

    mesh2 = plsc.VectorSubcoreMesh(core_axis_name="c", subcore_axis_name="s")
    gather = pl.kernel(
        _gather_body,
        out_type=jax.ShapeDtypeStruct((NTOT, D), jnp.float32),
        mesh=mesh2,
        scratch_types=[
            pltpu.VMEM((NSTREAM, IPS), jnp.int32),
            pltpu.VMEM((LANES, D), jnp.float32),
            pltpu.SemaphoreType.DMA,
        ],
    )
    xs = gather(x_pad, ids)

    grid_spec = pltpu.PrefetchScalarGridSpec(
        num_scalar_prefetch=1,
        grid=(NT,),
        in_specs=[
            pl.BlockSpec((LANES, D), lambda j, te: (j, 0)),
            pl.BlockSpec((1, D, F), lambda j, te: (te[j], 0, 0)),
            pl.BlockSpec((1, F, D), lambda j, te: (te[j], 0, 0)),
            pl.BlockSpec((1, LANES, 1), lambda j, te: (j, 0, 0)),
        ],
        out_specs=pl.BlockSpec((LANES, D), lambda j, te: (j, 0)),
    )
    ys = pl.pallas_call(
        _mlp_body,
        grid_spec=grid_spec,
        out_shape=jax.ShapeDtypeStruct((NTOT, D), jnp.float32),
    )(te.reshape(LANES), xs, W1, W2, gs.reshape(NT, LANES, 1))

    scatter = pl.kernel(
        _scatter_body,
        out_type=jax.ShapeDtypeStruct((T + 1, D), jnp.float32),
        mesh=mesh2,
        scratch_types=[
            pltpu.VMEM((NSTREAM, IPS), jnp.int32),
            pltpu.VMEM((LANES, D), jnp.float32),
            pltpu.SemaphoreType.DMA,
        ],
    )
    out = scatter(ys, ids)

    results = out[:T].reshape(inputs.shape)
    router_logits = logits[:, :EP1]
    return results, router_logits, sel

# --- scband reference (transcript-rebuilt; emitter-appended) ---
"""Pipeline reference for scband-masked-mo-e2-30897994727627 (READ-ONLY COPY).

The authoritative reference and input builder live on the scoring server;
editing this copy changes nothing except your own understanding.
"""

import jax, jax.numpy as jnp
import numpy as np

E = 16       # moe_num_experts (plus 1 dummy expert appended by MaskedMoE2)
TOPK = 1     # moe_num_experts_per_tok
D = 768      # n_embd
F = 256      # expert MLP hidden dim
B, S = 1, 2048
T = B * S


def setup_inputs(seed: int = 0) -> dict:
    key = jax.random.key(seed)
    k1, k2, k3, k4, k5 = jax.random.split(key, 5)
    inputs = jax.random.normal(k1, (B, S, D), dtype=jnp.float32)
    masks = jax.random.uniform(k2, (T, E), dtype=jnp.float32)
    # learned params: router is Linear(n_embd, E+1, bias=False)
    W_router = jax.random.normal(k3, (D, E + 1), dtype=jnp.float32) * 0.02
    # E real experts, each a 2-layer GELU MLP; dummy expert (index E) outputs zeros
    W1 = jax.random.normal(k4, (E, D, F), dtype=jnp.float32) * 0.02
    W2 = jax.random.normal(k5, (E, F, D), dtype=jnp.float32) * 0.02
    return {"inputs": inputs, "masks": masks, "W_router": W_router, "W1": W1, "W2": W2}


def reference(inputs, masks, W_router, W1, W2):
    x = inputs.reshape(-1, inputs.shape[-1])                       # [T, D]
    router_logits = x @ W_router                                    # [T, E+1]
    masks_full = jnp.concatenate(
        [masks, jnp.ones((masks.shape[0], 1), dtype=masks.dtype)], axis=1)
    router_logits = router_logits * masks_full
    # softmax_order == 'softmax_topk'
    all_probs = jax.nn.softmax(router_logits, axis=1)
    weights, selected_experts = jax.lax.top_k(all_probs, TOPK)      # [T, k]
    # per-token gate for each expert (equivalent to the torch.where loop:
    # gate is zero for unselected experts so weighting expert_i(x) by it
    # reproduces results[batch_idx] += weights[batch_idx, nth_expert]*out)
    onehot = jax.nn.one_hot(selected_experts, E + 1, dtype=x.dtype)  # [T, k, E+1]
    gates = jnp.einsum('tke,tk->te', onehot, weights)                # [T, E+1]
    results = jnp.zeros_like(x)
    for i in range(E):
        h = jax.nn.gelu(x @ W1[i])
        out = h @ W2[i]
        results = results + gates[:, i:i + 1] * out
    # dummy expert (index E) returns zeros -> contributes nothing
    results = results.reshape(inputs.shape)
    return results, router_logits, selected_experts

if __name__ == "__main__":
    import jax
    _d = setup_inputs()
    print(jax.jit(kernel)(*tuple(_d.values())))

</pallas_src>

<mosaic_0001>
#map = affine_map<(d0, d1) -> (0, 0)>
module attributes {stable_mosaic.version = 14 : i64} {
  func.func @_scatter_body(%arg0: i32, %arg1: i32, %arg2: memref<4224x768xf32, #tpu.memory_space<hbm>>, %arg3: memref<264x16xi32, #tpu.memory_space<hbm>>, %arg4: memref<2049x768xf32, #tpu.memory_space<hbm>>, %arg5: memref<8x16xi32, #tpu.memory_space<vmem>>, %arg6: memref<128x768xf32, #tpu.memory_space<vmem>>, %arg7: memref<!tpu.dma_semaphore, #tpu.memory_space<semaphore_mem>>) attributes {dimension_semantics = [#tpu.dimension_semantics<core_parallel>, #tpu.dimension_semantics<subcore_parallel>], iteration_bounds = array<i64: 2, 16>, scalar_prefetch = 0 : i64, scratch_operands = 3 : i64, tpu.core_type = #tpu.core_type<sc_vector_subcore>, window_params = [{transform_indices = #map}, {transform_indices = #map}, {transform_indices = #map}]} {
    %mul3A = arith.constant 2 : i32
    %mul3A_0 = arith.muli %arg1, %mul3A : i32
    %add3A = arith.addi %mul3A_0, %arg0 : i32
    %mul3A_1 = arith.constant 8 : i32
    %mul3A_2 = arith.muli %add3A, %mul3A_1 : i32
    "tpu.region"() ({
      %run_scoped3A = tpu.sem_alloc : memref<!tpu.dma_semaphore, #tpu.memory_space<semaphore_mem>>
      %dma_start3A_165 = arith.constant 0 : i32
      %dma_start3A_166 = tpu.memref_slice %arg3[%mul3A_2, %dma_start3A_165] : memref<264x16xi32, #tpu.memory_space<hbm>> -> memref<8x16xi32, #tpu.memory_space<hbm>>
      %dma_start3A_167 = arith.constant 0 : i32
      %dma_start3A_168 = tpu.memref_slice %arg3[%mul3A_2, %dma_start3A_167] : memref<264x16xi32, #tpu.memory_space<hbm>> -> memref<8x16xi32, #tpu.memory_space<hbm>>
      tpu.enqueue_dma source(%dma_start3A_168 : memref<8x16xi32, #tpu.memory_space<hbm>>) target(%arg5 : memref<8x16xi32, #tpu.memory_space<vmem>>) target_semaphore(%run_scoped3A : memref<!tpu.dma_semaphore, #tpu.memory_space<semaphore_mem>>)
      %dma_wait3A_169 = arith.constant 0 : i32
      %dma_wait3A_170 = tpu.memref_slice %arg3[%mul3A_2, %dma_wait3A_169] : memref<264x16xi32, #tpu.memory_space<hbm>> -> memref<8x16xi32, #tpu.memory_space<hbm>>
      %dma_wait3A_171 = arith.constant 0 : i32
      %dma_wait3A_172 = tpu.memref_slice %arg3[%mul3A_2, %dma_wait3A_171] : memref<264x16xi32, #tpu.memory_space<hbm>> -> memref<8x16xi32, #tpu.memory_space<hbm>>
      tpu.wait_dma2 semaphore(%run_scoped3A : memref<!tpu.dma_semaphore, #tpu.memory_space<semaphore_mem>>) src(%dma_wait3A_172 : memref<8x16xi32, #tpu.memory_space<hbm>>) dst(%arg5 : memref<8x16xi32, #tpu.memory_space<vmem>>)
      tpu.yield
    }) : () -> ()
    %mul3A_3 = arith.constant 128 : i32
    %mul3A_4 = arith.muli %add3A, %mul3A_3 : i32
    "tpu.region"() ({
      %run_scoped3A = tpu.sem_alloc : memref<!tpu.dma_semaphore, #tpu.memory_space<semaphore_mem>>
      %dma_start3A_165 = arith.constant 0 : i32
      %dma_start3A_166 = tpu.memref_slice %arg2[%mul3A_4, %dma_start3A_165] : memref<4224x768xf32, #tpu.memory_space<hbm>> -> memref<128x768xf32, #tpu.memory_space<hbm>>
      %dma_start3A_167 = arith.constant 0 : i32
      %dma_start3A_168 = tpu.memref_slice %arg2[%mul3A_4, %dma_start3A_167] : memref<4224x768xf32, #tpu.memory_space<hbm>> -> memref<128x768xf32, #tpu.memory_space<hbm>>
      tpu.enqueue_dma source(%dma_start3A_168 : memref<128x768xf32, #tpu.memory_space<hbm>>) target(%arg6 : memref<128x768xf32, #tpu.memory_space<vmem>>) target_semaphore(%run_scoped3A : memref<!tpu.dma_semaphore, #tpu.memory_space<semaphore_mem>>)
      %dma_wait3A_169 = arith.constant 0 : i32
      %dma_wait3A_170 = tpu.memref_slice %arg2[%mul3A_4, %dma_wait3A_169] : memref<4224x768xf32, #tpu.memory_space<hbm>> -> memref<128x768xf32, #tpu.memory_space<hbm>>
      %dma_wait3A_171 = arith.constant 0 : i32
      %dma_wait3A_172 = tpu.memref_slice %arg2[%mul3A_4, %dma_wait3A_171] : memref<4224x768xf32, #tpu.memory_space<hbm>> -> memref<128x768xf32, #tpu.memory_space<hbm>>
      tpu.wait_dma2 semaphore(%run_scoped3A : memref<!tpu.dma_semaphore, #tpu.memory_space<semaphore_mem>>) src(%dma_wait3A_172 : memref<128x768xf32, #tpu.memory_space<hbm>>) dst(%arg6 : memref<128x768xf32, #tpu.memory_space<vmem>>)
      tpu.yield
    }) : () -> ()
    %dma_start3A = arith.constant 0 : i32
    %dma_start3A_5 = arith.constant 0 : i32
    %dma_start3A_6 = arith.constant 0 : i32
    %dma_start3A_7 = tpu.memref_slice %arg6[%dma_start3A_5, %dma_start3A_6] : memref<128x768xf32, #tpu.memory_space<vmem>> -> memref<16x768xf32, #tpu.memory_space<vmem>>
    %dma_start3A_8 = arith.constant 0 : i32
    %dma_start3A_9 = tpu.memref_slice %arg5[%dma_start3A, %dma_start3A_8] : memref<8x16xi32, #tpu.memory_space<vmem>> -> memref<1x16xi32, #tpu.memory_space<vmem>>
    %dma_start3A_10 = tpu.memref_squeeze %dma_start3A_9 : memref<1x16xi32, #tpu.memory_space<vmem>> -> memref<16xi32, #tpu.memory_space<vmem>>
    %dma_start3A_11 = arith.constant 0 : i32
    %dma_start3A_12 = arith.constant 0 : i32
    %dma_start3A_13 = tpu.memref_slice %arg4[%dma_start3A_11, %dma_start3A_12] : memref<2049x768xf32, #tpu.memory_space<hbm>> -> memref<2049x768xf32, #tpu.memory_space<hbm>>
    tpu.enqueue_indirect_dma source(%dma_start3A_7 : memref<16x768xf32, #tpu.memory_space<vmem>>) target(%dma_start3A_13 : memref<2049x768xf32, #tpu.memory_space<hbm>>) offsets(%dma_start3A_10 : memref<16xi32, #tpu.memory_space<vmem>>) semaphore(%arg7 : memref<!tpu.dma_semaphore, #tpu.memory_space<semaphore_mem>>)
    %dma_start3A_14 = arith.constant 1 : i32
    %dma_start3A_15 = arith.constant 16 : i32
    %dma_start3A_16 = arith.constant 0 : i32
    %dma_start3A_17 = tpu.memref_slice %arg6[%dma_start3A_15, %dma_start3A_16] : memref<128x768xf32, #tpu.memory_space<vmem>> -> memref<16x768xf32, #tpu.memory_space<vmem>>
    %dma_start3A_18 = arith.constant 0 : i32
    %dma_start3A_19 = tpu.memref_slice %arg5[%dma_start3A_14, %dma_start3A_18] : memref<8x16xi32, #tpu.memory_space<vmem>> -> memref<1x16xi32, #tpu.memory_space<vmem>>
    %dma_start3A_20 = tpu.memref_squeeze %dma_start3A_19 : memref<1x16xi32, #tpu.memory_space<vmem>> -> memref<16xi32, #tpu.memory_space<vmem>>
    %dma_start3A_21 = arith.constant 0 : i32
    %dma_start3A_22 = arith.constant 0 : i32
    %dma_start3A_23 = tpu.memref_slice %arg4[%dma_start3A_21, %dma_start3A_22] : memref<2049x768xf32, #tpu.memory_space<hbm>> -> memref<2049x768xf32, #tpu.memory_space<hbm>>
    tpu.enqueue_indirect_dma source(%dma_start3A_17 : memref<16x768xf32, #tpu.memory_space<vmem>>) target(%dma_start3A_23 : memref<2049x768xf32, #tpu.memory_space<hbm>>) offsets(%dma_start3A_20 : memref<16xi32, #tpu.memory_space<vmem>>) semaphore(%arg7 : memref<!tpu.dma_semaphore, #tpu.memory_space<semaphore_mem>>)
    %dma_start3A_24 = arith.constant 2 : i32
    %dma_start3A_25 = arith.constant 32 : i32
    %dma_start3A_26 = arith.constant 0 : i32
    %dma_start3A_27 = tpu.memref_slice %arg6[%dma_start3A_25, %dma_start3A_26] : memref<128x768xf32, #tpu.memory_space<vmem>> -> memref<16x768xf32, #tpu.memory_space<vmem>>
    %dma_start3A_28 = arith.constant 0 : i32
    %dma_start3A_29 = tpu.memref_slice %arg5[%dma_start3A_24, %dma_start3A_28] : memref<8x16xi32, #tpu.memory_space<vmem>> -> memref<1x16xi32, #tpu.memory_space<vmem>>
    %dma_start3A_30 = tpu.memref_squeeze %dma_start3A_29 : memref<1x16xi32, #tpu.memory_space<vmem>> -> memref<16xi32, #tpu.memory_space<vmem>>
    %dma_start3A_31 = arith.constant 0 : i32
    %dma_start3A_32 = arith.constant 0 : i32
    %dma_start3A_33 = tpu.memref_slice %arg4[%dma_start3A_31, %dma_start3A_32] : memref<2049x768xf32, #tpu.memory_space<hbm>> -> memref<2049x768xf32, #tpu.memory_space<hbm>>
    tpu.enqueue_indirect_dma source(%dma_start3A_27 : memref<16x768xf32, #tpu.memory_space<vmem>>) target(%dma_start3A_33 : memref<2049x768xf32, #tpu.memory_space<hbm>>) offsets(%dma_start3A_30 : memref<16xi32, #tpu.memory_space<vmem>>) semaphore(%arg7 : memref<!tpu.dma_semaphore, #tpu.memory_space<semaphore_mem>>)
    %dma_start3A_34 = arith.constant 3 : i32
    %dma_start3A_35 = arith.constant 48 : i32
    %dma_start3A_36 = arith.constant 0 : i32
    %dma_start3A_37 = tpu.memref_slice %arg6[%dma_start3A_35, %dma_start3A_36] : memref<128x768xf32, #tpu.memory_space<vmem>> -> memref<16x768xf32, #tpu.memory_space<vmem>>
    %dma_start3A_38 = arith.constant 0 : i32
    %dma_start3A_39 = tpu.memref_slice %arg5[%dma_start3A_34, %dma_start3A_38] : memref<8x16xi32, #tpu.memory_space<vmem>> -> memref<1x16xi32, #tpu.memory_space<vmem>>
    %dma_start3A_40 = tpu.memref_squeeze %dma_start3A_39 : memref<1x16xi32, #tpu.memory_space<vmem>> -> memref<16xi32, #tpu.memory_space<vmem>>
    %dma_start3A_41 = arith.constant 0 : i32
    %dma_start3A_42 = arith.constant 0 : i32
    %dma_start3A_43 = tpu.memref_slice %arg4[%dma_start3A_41, %dma_start3A_42] : memref<2049x768xf32, #tpu.memory_space<hbm>> -> memref<2049x768xf32, #tpu.memory_space<hbm>>
    tpu.enqueue_indirect_dma source(%dma_start3A_37 : memref<16x768xf32, #tpu.memory_space<vmem>>) target(%dma_start3A_43 : memref<2049x768xf32, #tpu.memory_space<hbm>>) offsets(%dma_start3A_40 : memref<16xi32, #tpu.memory_space<vmem>>) semaphore(%arg7 : memref<!tpu.dma_semaphore, #tpu.memory_space<semaphore_mem>>)
    %dma_start3A_44 = arith.constant 4 : i32
    %dma_start3A_45 = arith.constant 64 : i32
    %dma_start3A_46 = arith.constant 0 : i32
    %dma_start3A_47 = tpu.memref_slice %arg6[%dma_start3A_45, %dma_start3A_46] : memref<128x768xf32, #tpu.memory_space<vmem>> -> memref<16x768xf32, #tpu.memory_space<vmem>>
    %dma_start3A_48 = arith.constant 0 : i32
    %dma_start3A_49 = tpu.memref_slice %arg5[%dma_start3A_44, %dma_start3A_48] : memref<8x16xi32, #tpu.memory_space<vmem>> -> memref<1x16xi32, #tpu.memory_space<vmem>>
    %dma_start3A_50 = tpu.memref_squeeze %dma_start3A_49 : memref<1x16xi32, #tpu.memory_space<vmem>> -> memref<16xi32, #tpu.memory_space<vmem>>
    %dma_start3A_51 = arith.constant 0 : i32
    %dma_start3A_52 = arith.constant 0 : i32
    %dma_start3A_53 = tpu.memref_slice %arg4[%dma_start3A_51, %dma_start3A_52] : memref<2049x768xf32, #tpu.memory_space<hbm>> -> memref<2049x768xf32, #tpu.memory_space<hbm>>
    tpu.enqueue_indirect_dma source(%dma_start3A_47 : memref<16x768xf32, #tpu.memory_space<vmem>>) target(%dma_start3A_53 : memref<2049x768xf32, #tpu.memory_space<hbm>>) offsets(%dma_start3A_50 : memref<16xi32, #tpu.memory_space<vmem>>) semaphore(%arg7 : memref<!tpu.dma_semaphore, #tpu.memory_space<semaphore_mem>>)
    %dma_start3A_54 = arith.constant 5 : i32
    %dma_start3A_55 = arith.constant 80 : i32
    %dma_start3A_56 = arith.constant 0 : i32
    %dma_start3A_57 = tpu.memref_slice %arg6[%dma_start3A_55, %dma_start3A_56] : memref<128x768xf32, #tpu.memory_space<vmem>> -> memref<16x768xf32, #tpu.memory_space<vmem>>
    %dma_start3A_58 = arith.constant 0 : i32
    %dma_start3A_59 = tpu.memref_slice %arg5[%dma_start3A_54, %dma_start3A_58] : memref<8x16xi32, #tpu.memory_space<vmem>> -> memref<1x16xi32, #tpu.memory_space<vmem>>
    %dma_start3A_60 = tpu.memref_squeeze %dma_start3A_59 : memref<1x16xi32, #tpu.memory_space<vmem>> -> memref<16xi32, #tpu.memory_space<vmem>>
    %dma_start3A_61 = arith.constant 0 : i32
    %dma_start3A_62 = arith.constant 0 : i32
    %dma_start3A_63 = tpu.memref_slice %arg4[%dma_start3A_61, %dma_start3A_62] : memref<2049x768xf32, #tpu.memory_space<hbm>> -> memref<2049x768xf32, #tpu.memory_space<hbm>>
    tpu.enqueue_indirect_dma source(%dma_start3A_57 : memref<16x768xf32, #tpu.memory_space<vmem>>) target(%dma_start3A_63 : memref<2049x768xf32, #tpu.memory_space<hbm>>) offsets(%dma_start3A_60 : memref<16xi32, #tpu.memory_space<vmem>>) semaphore(%arg7 : memref<!tpu.dma_semaphore, #tpu.memory_space<semaphore_mem>>)
    %dma_start3A_64 = arith.constant 6 : i32
    %dma_start3A_65 = arith.constant 96 : i32
    %dma_start3A_66 = arith.constant 0 : i32
    %dma_start3A_67 = tpu.memref_slice %arg6[%dma_start3A_65, %dma_start3A_66] : memref<128x768xf32, #tpu.memory_space<vmem>> -> memref<16x768xf32, #tpu.memory_space<vmem>>
    %dma_start3A_68 = arith.constant 0 : i32
    %dma_start3A_69 = tpu.memref_slice %arg5[%dma_start3A_64, %dma_start3A_68] : memref<8x16xi32, #tpu.memory_space<vmem>> -> memref<1x16xi32, #tpu.memory_space<vmem>>
    %dma_start3A_70 = tpu.memref_squeeze %dma_start3A_69 : memref<1x16xi32, #tpu.memory_space<vmem>> -> memref<16xi32, #tpu.memory_space<vmem>>
    %dma_start3A_71 = arith.constant 0 : i32
    %dma_start3A_72 = arith.constant 0 : i32
    %dma_start3A_73 = tpu.memref_slice %arg4[%dma_start3A_71, %dma_start3A_72] : memref<2049x768xf32, #tpu.memory_space<hbm>> -> memref<2049x768xf32, #tpu.memory_space<hbm>>
    tpu.enqueue_indirect_dma source(%dma_start3A_67 : memref<16x768xf32, #tpu.memory_space<vmem>>) target(%dma_start3A_73 : memref<2049x768xf32, #tpu.memory_space<hbm>>) offsets(%dma_start3A_70 : memref<16xi32, #tpu.memory_space<vmem>>) semaphore(%arg7 : memref<!tpu.dma_semaphore, #tpu.memory_space<semaphore_mem>>)
    %dma_start3A_74 = arith.constant 7 : i32
    %dma_start3A_75 = arith.constant 112 : i32
    %dma_start3A_76 = arith.constant 0 : i32
    %dma_start3A_77 = tpu.memref_slice %arg6[%dma_start3A_75, %dma_start3A_76] : memref<128x768xf32, #tpu.memory_space<vmem>> -> memref<16x768xf32, #tpu.memory_space<vmem>>
    %dma_start3A_78 = arith.constant 0 : i32
    %dma_start3A_79 = tpu.memref_slice %arg5[%dma_start3A_74, %dma_start3A_78] : memref<8x16xi32, #tpu.memory_space<vmem>> -> memref<1x16xi32, #tpu.memory_space<vmem>>
    %dma_start3A_80 = tpu.memref_squeeze %dma_start3A_79 : memref<1x16xi32, #tpu.memory_space<vmem>> -> memref<16xi32, #tpu.memory_space<vmem>>
    %dma_start3A_81 = arith.constant 0 : i32
    %dma_start3A_82 = arith.constant 0 : i32
    %dma_start3A_83 = tpu.memref_slice %arg4[%dma_start3A_81, %dma_start3A_82] : memref<2049x768xf32, #tpu.memory_space<hbm>> -> memref<2049x768xf32, #tpu.memory_space<hbm>>
    tpu.enqueue_indirect_dma source(%dma_start3A_77 : memref<16x768xf32, #tpu.memory_space<vmem>>) target(%dma_start3A_83 : memref<2049x768xf32, #tpu.memory_space<hbm>>) offsets(%dma_start3A_80 : memref<16xi32, #tpu.memory_space<vmem>>) semaphore(%arg7 : memref<!tpu.dma_semaphore, #tpu.memory_space<semaphore_mem>>)
    %dma_wait3A = arith.constant 0 : i32
    %dma_wait3A_84 = arith.constant 0 : i32
    %dma_wait3A_85 = arith.constant 0 : i32
    %dma_wait3A_86 = tpu.memref_slice %arg6[%dma_wait3A_84, %dma_wait3A_85] : memref<128x768xf32, #tpu.memory_space<vmem>> -> memref<16x768xf32, #tpu.memory_space<vmem>>
    %dma_wait3A_87 = arith.constant 0 : i32
    %dma_wait3A_88 = tpu.memref_slice %arg5[%dma_wait3A, %dma_wait3A_87] : memref<8x16xi32, #tpu.memory_space<vmem>> -> memref<1x16xi32, #tpu.memory_space<vmem>>
    %dma_wait3A_89 = tpu.memref_squeeze %dma_wait3A_88 : memref<1x16xi32, #tpu.memory_space<vmem>> -> memref<16xi32, #tpu.memory_space<vmem>>
    %dma_wait3A_90 = arith.constant 0 : i32
    %dma_wait3A_91 = arith.constant 0 : i32
    %dma_wait3A_92 = tpu.memref_slice %arg4[%dma_wait3A_90, %dma_wait3A_91] : memref<2049x768xf32, #tpu.memory_space<hbm>> -> memref<2049x768xf32, #tpu.memory_space<hbm>>
    tpu.wait_indirect_dma semaphore(%arg7 : memref<!tpu.dma_semaphore, #tpu.memory_space<semaphore_mem>>) src(%dma_wait3A_86 : memref<16x768xf32, #tpu.memory_space<vmem>>) dst(%dma_wait3A_92 : memref<2049x768xf32, #tpu.memory_space<hbm>>)
    %dma_wait3A_93 = arith.constant 1 : i32
    %dma_wait3A_94 = arith.constant 16 : i32
    %dma_wait3A_95 = arith.constant 0 : i32
    %dma_wait3A_96 = tpu.memref_slice %arg6[%dma_wait3A_94, %dma_wait3A_95] : memref<128x768xf32, #tpu.memory_space<vmem>> -> memref<16x768xf32, #tpu.memory_space<vmem>>
    %dma_wait3A_97 = arith.constant 0 : i32
    %dma_wait3A_98 = tpu.memref_slice %arg5[%dma_wait3A_93, %dma_wait3A_97] : memref<8x16xi32, #tpu.memory_space<vmem>> -> memref<1x16xi32, #tpu.memory_space<vmem>>
    %dma_wait3A_99 = tpu.memref_squeeze %dma_wait3A_98 : memref<1x16xi32, #tpu.memory_space<vmem>> -> memref<16xi32, #tpu.memory_space<vmem>>
    %dma_wait3A_100 = arith.constant 0 : i32
    %dma_wait3A_101 = arith.constant 0 : i32
    %dma_wait3A_102 = tpu.memref_slice %arg4[%dma_wait3A_100, %dma_wait3A_101] : memref<2049x768xf32, #tpu.memory_space<hbm>> -> memref<2049x768xf32, #tpu.memory_space<hbm>>
    tpu.wait_indirect_dma semaphore(%arg7 : memref<!tpu.dma_semaphore, #tpu.memory_space<semaphore_mem>>) src(%dma_wait3A_96 : memref<16x768xf32, #tpu.memory_space<vmem>>) dst(%dma_wait3A_102 : memref<2049x768xf32, #tpu.memory_space<hbm>>)
    %dma_wait3A_103 = arith.constant 2 : i32
    %dma_wait3A_104 = arith.constant 32 : i32
    %dma_wait3A_105 = arith.constant 0 : i32
    %dma_wait3A_106 = tpu.memref_slice %arg6[%dma_wait3A_104, %dma_wait3A_105] : memref<128x768xf32, #tpu.memory_space<vmem>> -> memref<16x768xf32, #tpu.memory_space<vmem>>
    %dma_wait3A_107 = arith.constant 0 : i32
    %dma_wait3A_108 = tpu.memref_slice %arg5[%dma_wait3A_103, %dma_wait3A_107] : memref<8x16xi32, #tpu.memory_space<vmem>> -> memref<1x16xi32, #tpu.memory_space<vmem>>
    %dma_wait3A_109 = tpu.memref_squeeze %dma_wait3A_108 : memref<1x16xi32, #tpu.memory_space<vmem>> -> memref<16xi32, #tpu.memory_space<vmem>>
    %dma_wait3A_110 = arith.constant 0 : i32
    %dma_wait3A_111 = arith.constant 0 : i32
    %dma_wait3A_112 = tpu.memref_slice %arg4[%dma_wait3A_110, %dma_wait3A_111] : memref<2049x768xf32, #tpu.memory_space<hbm>> -> memref<2049x768xf32, #tpu.memory_space<hbm>>
    tpu.wait_indirect_dma semaphore(%arg7 : memref<!tpu.dma_semaphore, #tpu.memory_space<semaphore_mem>>) src(%dma_wait3A_106 : memref<16x768xf32, #tpu.memory_space<vmem>>) dst(%dma_wait3A_112 : memref<2049x768xf32, #tpu.memory_space<hbm>>)
    %dma_wait3A_113 = arith.constant 3 : i32
    %dma_wait3A_114 = arith.constant 48 : i32
    %dma_wait3A_115 = arith.constant 0 : i32
    %dma_wait3A_116 = tpu.memref_slice %arg6[%dma_wait3A_114, %dma_wait3A_115] : memref<128x768xf32, #tpu.memory_space<vmem>> -> memref<16x768xf32, #tpu.memory_space<vmem>>
    %dma_wait3A_117 = arith.constant 0 : i32
    %dma_wait3A_118 = tpu.memref_slice %arg5[%dma_wait3A_113, %dma_wait3A_117] : memref<8x16xi32, #tpu.memory_space<vmem>> -> memref<1x16xi32, #tpu.memory_space<vmem>>
    %dma_wait3A_119 = tpu.memref_squeeze %dma_wait3A_118 : memref<1x16xi32, #tpu.memory_space<vmem>> -> memref<16xi32, #tpu.memory_space<vmem>>
    %dma_wait3A_120 = arith.constant 0 : i32
    %dma_wait3A_121 = arith.constant 0 : i32
    %dma_wait3A_122 = tpu.memref_slice %arg4[%dma_wait3A_120, %dma_wait3A_121] : memref<2049x768xf32, #tpu.memory_space<hbm>> -> memref<2049x768xf32, #tpu.memory_space<hbm>>
    tpu.wait_indirect_dma semaphore(%arg7 : memref<!tpu.dma_semaphore, #tpu.memory_space<semaphore_mem>>) src(%dma_wait3A_116 : memref<16x768xf32, #tpu.memory_space<vmem>>) dst(%dma_wait3A_122 : memref<2049x768xf32, #tpu.memory_space<hbm>>)
    %dma_wait3A_123 = arith.constant 4 : i32
    %dma_wait3A_124 = arith.constant 64 : i32
    %dma_wait3A_125 = arith.constant 0 : i32
    %dma_wait3A_126 = tpu.memref_slice %arg6[%dma_wait3A_124, %dma_wait3A_125] : memref<128x768xf32, #tpu.memory_space<vmem>> -> memref<16x768xf32, #tpu.memory_space<vmem>>
    %dma_wait3A_127 = arith.constant 0 : i32
    %dma_wait3A_128 = tpu.memref_slice %arg5[%dma_wait3A_123, %dma_wait3A_127] : memref<8x16xi32, #tpu.memory_space<vmem>> -> memref<1x16xi32, #tpu.memory_space<vmem>>
    %dma_wait3A_129 = tpu.memref_squeeze %dma_wait3A_128 : memref<1x16xi32, #tpu.memory_space<vmem>> -> memref<16xi32, #tpu.memory_space<vmem>>
    %dma_wait3A_130 = arith.constant 0 : i32
    %dma_wait3A_131 = arith.constant 0 : i32
    %dma_wait3A_132 = tpu.memref_slice %arg4[%dma_wait3A_130, %dma_wait3A_131] : memref<2049x768xf32, #tpu.memory_space<hbm>> -> memref<2049x768xf32, #tpu.memory_space<hbm>>
    tpu.wait_indirect_dma semaphore(%arg7 : memref<!tpu.dma_semaphore, #tpu.memory_space<semaphore_mem>>) src(%dma_wait3A_126 : memref<16x768xf32, #tpu.memory_space<vmem>>) dst(%dma_wait3A_132 : memref<2049x768xf32, #tpu.memory_space<hbm>>)
    %dma_wait3A_133 = arith.constant 5 : i32
    %dma_wait3A_134 = arith.constant 80 : i32
    %dma_wait3A_135 = arith.constant 0 : i32
    %dma_wait3A_136 = tpu.memref_slice %arg6[%dma_wait3A_134, %dma_wait3A_135] : memref<128x768xf32, #tpu.memory_space<vmem>> -> memref<16x768xf32, #tpu.memory_space<vmem>>
    %dma_wait3A_137 = arith.constant 0 : i32
    %dma_wait3A_138 = tpu.memref_slice %arg5[%dma_wait3A_133, %dma_wait3A_137] : memref<8x16xi32, #tpu.memory_space<vmem>> -> memref<1x16xi32, #tpu.memory_space<vmem>>
    %dma_wait3A_139 = tpu.memref_squeeze %dma_wait3A_138 : memref<1x16xi32, #tpu.memory_space<vmem>> -> memref<16xi32, #tpu.memory_space<vmem>>
    %dma_wait3A_140 = arith.constant 0 : i32
    %dma_wait3A_141 = arith.constant 0 : i32
    %dma_wait3A_142 = tpu.memref_slice %arg4[%dma_wait3A_140, %dma_wait3A_141] : memref<2049x768xf32, #tpu.memory_space<hbm>> -> memref<2049x768xf32, #tpu.memory_space<hbm>>
    tpu.wait_indirect_dma semaphore(%arg7 : memref<!tpu.dma_semaphore, #tpu.memory_space<semaphore_mem>>) src(%dma_wait3A_136 : memref<16x768xf32, #tpu.memory_space<vmem>>) dst(%dma_wait3A_142 : memref<2049x768xf32, #tpu.memory_space<hbm>>)
    %dma_wait3A_143 = arith.constant 6 : i32
    %dma_wait3A_144 = arith.constant 96 : i32
    %dma_wait3A_145 = arith.constant 0 : i32
    %dma_wait3A_146 = tpu.memref_slice %arg6[%dma_wait3A_144, %dma_wait3A_145] : memref<128x768xf32, #tpu.memory_space<vmem>> -> memref<16x768xf32, #tpu.memory_space<vmem>>
    %dma_wait3A_147 = arith.constant 0 : i32
    %dma_wait3A_148 = tpu.memref_slice %arg5[%dma_wait3A_143, %dma_wait3A_147] : memref<8x16xi32, #tpu.memory_space<vmem>> -> memref<1x16xi32, #tpu.memory_space<vmem>>
    %dma_wait3A_149 = tpu.memref_squeeze %dma_wait3A_148 : memref<1x16xi32, #tpu.memory_space<vmem>> -> memref<16xi32, #tpu.memory_space<vmem>>
    %dma_wait3A_150 = arith.constant 0 : i32
    %dma_wait3A_151 = arith.constant 0 : i32
    %dma_wait3A_152 = tpu.memref_slice %arg4[%dma_wait3A_150, %dma_wait3A_151] : memref<2049x768xf32, #tpu.memory_space<hbm>> -> memref<2049x768xf32, #tpu.memory_space<hbm>>
    tpu.wait_indirect_dma semaphore(%arg7 : memref<!tpu.dma_semaphore, #tpu.memory_space<semaphore_mem>>) src(%dma_wait3A_146 : memref<16x768xf32, #tpu.memory_space<vmem>>) dst(%dma_wait3A_152 : memref<2049x768xf32, #tpu.memory_space<hbm>>)
    %dma_wait3A_153 = arith.constant 7 : i32
    %dma_wait3A_154 = arith.constant 112 : i32
    %dma_wait3A_155 = arith.constant 0 : i32
    %dma_wait3A_156 = tpu.memref_slice %arg6[%dma_wait3A_154, %dma_wait3A_155] : memref<128x768xf32, #tpu.memory_space<vmem>> -> memref<16x768xf32, #tpu.memory_space<vmem>>
    %dma_wait3A_157 = arith.constant 0 : i32
    %dma_wait3A_158 = tpu.memref_slice %arg5[%dma_wait3A_153, %dma_wait3A_157] : memref<8x16xi32, #tpu.memory_space<vmem>> -> memref<1x16xi32, #tpu.memory_space<vmem>>
    %dma_wait3A_159 = tpu.memref_squeeze %dma_wait3A_158 : memref<1x16xi32, #tpu.memory_space<vmem>> -> memref<16xi32, #tpu.memory_space<vmem>>
    %dma_wait3A_160 = arith.constant 0 : i32
    %dma_wait3A_161 = arith.constant 0 : i32
    %dma_wait3A_162 = tpu.memref_slice %arg4[%dma_wait3A_160, %dma_wait3A_161] : memref<2049x768xf32, #tpu.memory_space<hbm>> -> memref<2049x768xf32, #tpu.memory_space<hbm>>
    tpu.wait_indirect_dma semaphore(%arg7 : memref<!tpu.dma_semaphore, #tpu.memory_space<semaphore_mem>>) src(%dma_wait3A_156 : memref<16x768xf32, #tpu.memory_space<vmem>>) dst(%dma_wait3A_162 : memref<2049x768xf32, #tpu.memory_space<hbm>>)
    %eq3A = arith.constant 0 : i32
    %eq3A_163 = arith.cmpi eq, %add3A, %eq3A : i32
    %convert_element_type3A = arith.extui %eq3A_163 : i1 to i32
    %cond3A = arith.constant 0 : i32
    %cond3A_164 = arith.cmpi ne, %convert_element_type3A, %cond3A : i32
    scf.if %cond3A_164 {
      %mul3A_165 = arith.constant 32 : i32
      %mul3A_166 = arith.constant 8 : i32
      %mul3A_167 = arith.muli %mul3A_165, %mul3A_166 : i32
      "tpu.region"() ({
        %run_scoped3A = tpu.sem_alloc : memref<!tpu.dma_semaphore, #tpu.memory_space<semaphore_mem>>
        %dma_start3A_331 = arith.constant 0 : i32
        %dma_start3A_332 = tpu.memref_slice %arg3[%mul3A_167, %dma_start3A_331] : memref<264x16xi32, #tpu.memory_space<hbm>> -> memref<8x16xi32, #tpu.memory_space<hbm>>
        %dma_start3A_333 = arith.constant 0 : i32
        %dma_start3A_334 = tpu.memref_slice %arg3[%mul3A_167, %dma_start3A_333] : memref<264x16xi32, #tpu.memory_space<hbm>> -> memref<8x16xi32, #tpu.memory_space<hbm>>
        tpu.enqueue_dma source(%dma_start3A_334 : memref<8x16xi32, #tpu.memory_space<hbm>>) target(%arg5 : memref<8x16xi32, #tpu.memory_space<vmem>>) target_semaphore(%run_scoped3A : memref<!tpu.dma_semaphore, #tpu.memory_space<semaphore_mem>>)
        %dma_wait3A_335 = arith.constant 0 : i32
        %dma_wait3A_336 = tpu.memref_slice %arg3[%mul3A_167, %dma_wait3A_335] : memref<264x16xi32, #tpu.memory_space<hbm>> -> memref<8x16xi32, #tpu.memory_space<hbm>>
        %dma_wait3A_337 = arith.constant 0 : i32
        %dma_wait3A_338 = tpu.memref_slice %arg3[%mul3A_167, %dma_wait3A_337] : memref<264x16xi32, #tpu.memory_space<hbm>> -> memref<8x16xi32, #tpu.memory_space<hbm>>
        tpu.wait_dma2 semaphore(%run_scoped3A : memref<!tpu.dma_semaphore, #tpu.memory_space<semaphore_mem>>) src(%dma_wait3A_338 : memref<8x16xi32, #tpu.memory_space<hbm>>) dst(%arg5 : memref<8x16xi32, #tpu.memory_space<vmem>>)
        tpu.yield
      }) : () -> ()
      %mul3A_168 = arith.constant 32 : i32
      %mul3A_169 = arith.constant 128 : i32
      %mul3A_170 = arith.muli %mul3A_168, %mul3A_169 : i32
      "tpu.region"() ({
        %run_scoped3A = tpu.sem_alloc : memref<!tpu.dma_semaphore, #tpu.memory_space<semaphore_mem>>
        %dma_start3A_331 = arith.constant 0 : i32
        %dma_start3A_332 = tpu.memref_slice %arg2[%mul3A_170, %dma_start3A_331] : memref<4224x768xf32, #tpu.memory_space<hbm>> -> memref<128x768xf32, #tpu.memory_space<hbm>>
        %dma_start3A_333 = arith.constant 0 : i32
        %dma_start3A_334 = tpu.memref_slice %arg2[%mul3A_170, %dma_start3A_333] : memref<4224x768xf32, #tpu.memory_space<hbm>> -> memref<128x768xf32, #tpu.memory_space<hbm>>
        tpu.enqueue_dma source(%dma_start3A_334 : memref<128x768xf32, #tpu.memory_space<hbm>>) target(%arg6 : memref<128x768xf32, #tpu.memory_space<vmem>>) target_semaphore(%run_scoped3A : memref<!tpu.dma_semaphore, #tpu.memory_space<semaphore_mem>>)
        %dma_wait3A_335 = arith.constant 0 : i32
        %dma_wait3A_336 = tpu.memref_slice %arg2[%mul3A_170, %dma_wait3A_335] : memref<4224x768xf32, #tpu.memory_space<hbm>> -> memref<128x768xf32, #tpu.memory_space<hbm>>
        %dma_wait3A_337 = arith.constant 0 : i32
        %dma_wait3A_338 = tpu.memref_slice %arg2[%mul3A_170, %dma_wait3A_337] : memref<4224x768xf32, #tpu.memory_space<hbm>> -> memref<128x768xf32, #tpu.memory_space<hbm>>
        tpu.wait_dma2 semaphore(%run_scoped3A : memref<!tpu.dma_semaphore, #tpu.memory_space<semaphore_mem>>) src(%dma_wait3A_338 : memref<128x768xf32, #tpu.memory_space<hbm>>) dst(%arg6 : memref<128x768xf32, #tpu.memory_space<vmem>>)
        tpu.yield
      }) : () -> ()
      %dma_start3A_171 = arith.constant 0 : i32
      %dma_start3A_172 = arith.constant 0 : i32
      %dma_start3A_173 = arith.constant 0 : i32
      %dma_start3A_174 = tpu.memref_slice %arg6[%dma_start3A_172, %dma_start3A_173] : memref<128x768xf32, #tpu.memory_space<vmem>> -> memref<16x768xf32, #tpu.memory_space<vmem>>
      %dma_start3A_175 = arith.constant 0 : i32
      %dma_start3A_176 = tpu.memref_slice %arg5[%dma_start3A_171, %dma_start3A_175] : memref<8x16xi32, #tpu.memory_space<vmem>> -> memref<1x16xi32, #tpu.memory_space<vmem>>
      %dma_start3A_177 = tpu.memref_squeeze %dma_start3A_176 : memref<1x16xi32, #tpu.memory_space<vmem>> -> memref<16xi32, #tpu.memory_space<vmem>>
      %dma_start3A_178 = arith.constant 0 : i32
      %dma_start3A_179 = arith.constant 0 : i32
      %dma_start3A_180 = tpu.memref_slice %arg4[%dma_start3A_178, %dma_start3A_179] : memref<2049x768xf32, #tpu.memory_space<hbm>> -> memref<2049x768xf32, #tpu.memory_space<hbm>>
      tpu.enqueue_indirect_dma source(%dma_start3A_174 : memref<16x768xf32, #tpu.memory_space<vmem>>) target(%dma_start3A_180 : memref<2049x768xf32, #tpu.memory_space<hbm>>) offsets(%dma_start3A_177 : memref<16xi32, #tpu.memory_space<vmem>>) semaphore(%arg7 : memref<!tpu.dma_semaphore, #tpu.memory_space<semaphore_mem>>)
      %dma_start3A_181 = arith.constant 1 : i32
      %dma_start3A_182 = arith.constant 16 : i32
      %dma_start3A_183 = arith.constant 0 : i32
      %dma_start3A_184 = tpu.memref_slice %arg6[%dma_start3A_182, %dma_start3A_183] : memref<128x768xf32, #tpu.memory_space<vmem>> -> memref<16x768xf32, #tpu.memory_space<vmem>>
      %dma_start3A_185 = arith.constant 0 : i32
      %dma_start3A_186 = tpu.memref_slice %arg5[%dma_start3A_181, %dma_start3A_185] : memref<8x16xi32, #tpu.memory_space<vmem>> -> memref<1x16xi32, #tpu.memory_space<vmem>>
      %dma_start3A_187 = tpu.memref_squeeze %dma_start3A_186 : memref<1x16xi32, #tpu.memory_space<vmem>> -> memref<16xi32, #tpu.memory_space<vmem>>
      %dma_start3A_188 = arith.constant 0 : i32
      %dma_start3A_189 = arith.constant 0 : i32
      %dma_start3A_190 = tpu.memref_slice %arg4[%dma_start3A_188, %dma_start3A_189] : memref<2049x768xf32, #tpu.memory_space<hbm>> -> memref<2049x768xf32, #tpu.memory_space<hbm>>
      tpu.enqueue_indirect_dma source(%dma_start3A_184 : memref<16x768xf32, #tpu.memory_space<vmem>>) target(%dma_start3A_190 : memref<2049x768xf32, #tpu.memory_space<hbm>>) offsets(%dma_start3A_187 : memref<16xi32, #tpu.memory_space<vmem>>) semaphore(%arg7 : memref<!tpu.dma_semaphore, #tpu.memory_space<semaphore_mem>>)
      %dma_start3A_191 = arith.constant 2 : i32
      %dma_start3A_192 = arith.constant 32 : i32
      %dma_start3A_193 = arith.constant 0 : i32
      %dma_start3A_194 = tpu.memref_slice %arg6[%dma_start3A_192, %dma_start3A_193] : memref<128x768xf32, #tpu.memory_space<vmem>> -> memref<16x768xf32, #tpu.memory_space<vmem>>
      %dma_start3A_195 = arith.constant 0 : i32
      %dma_start3A_196 = tpu.memref_slice %arg5[%dma_start3A_191, %dma_start3A_195] : memref<8x16xi32, #tpu.memory_space<vmem>> -> memref<1x16xi32, #tpu.memory_space<vmem>>
      %dma_start3A_197 = tpu.memref_squeeze %dma_start3A_196 : memref<1x16xi32, #tpu.memory_space<vmem>> -> memref<16xi32, #tpu.memory_space<vmem>>
      %dma_start3A_198 = arith.constant 0 : i32
      %dma_start3A_199 = arith.constant 0 : i32
      %dma_start3A_200 = tpu.memref_slice %arg4[%dma_start3A_198, %dma_start3A_199] : memref<2049x768xf32, #tpu.memory_space<hbm>> -> memref<2049x768xf32, #tpu.memory_space<hbm>>
      tpu.enqueue_indirect_dma source(%dma_start3A_194 : memref<16x768xf32, #tpu.memory_space<vmem>>) target(%dma_start3A_200 : memref<2049x768xf32, #tpu.memory_space<hbm>>) offsets(%dma_start3A_197 : memref<16xi32, #tpu.memory_space<vmem>>) semaphore(%arg7 : memref<!tpu.dma_semaphore, #tpu.memory_space<semaphore_mem>>)
      %dma_start3A_201 = arith.constant 3 : i32
      %dma_start3A_202 = arith.constant 48 : i32
      %dma_start3A_203 = arith.constant 0 : i32
      %dma_start3A_204 = tpu.memref_slice %arg6[%dma_start3A_202, %dma_start3A_203] : memref<128x768xf32, #tpu.memory_space<vmem>> -> memref<16x768xf32, #tpu.memory_space<vmem>>
      %dma_start3A_205 = arith.constant 0 : i32
      %dma_start3A_206 = tpu.memref_slice %arg5[%dma_start3A_201, %dma_start3A_205] : memref<8x16xi32, #tpu.memory_space<vmem>> -> memref<1x16xi32, #tpu.memory_space<vmem>>
      %dma_start3A_207 = tpu.memref_squeeze %dma_start3A_206 : memref<1x16xi32, #tpu.memory_space<vmem>> -> memref<16xi32, #tpu.memory_space<vmem>>
      %dma_start3A_208 = arith.constant 0 : i32
      %dma_start3A_209 = arith.constant 0 : i32
      %dma_start3A_210 = tpu.memref_slice %arg4[%dma_start3A_208, %dma_start3A_209] : memref<2049x768xf32, #tpu.memory_space<hbm>> -> memref<2049x768xf32, #tpu.memory_space<hbm>>
      tpu.enqueue_indirect_dma source(%dma_start3A_204 : memref<16x768xf32, #tpu.memory_space<vmem>>) target(%dma_start3A_210 : memref<2049x768xf32, #tpu.memory_space<hbm>>) offsets(%dma_start3A_207 : memref<16xi32, #tpu.memory_space<vmem>>) semaphore(%arg7 : memref<!tpu.dma_semaphore, #tpu.memory_space<semaphore_mem>>)
      %dma_start3A_211 = arith.constant 4 : i32
      %dma_start3A_212 = arith.constant 64 : i32
      %dma_start3A_213 = arith.constant 0 : i32
      %dma_start3A_214 = tpu.memref_slice %arg6[%dma_start3A_212, %dma_start3A_213] : memref<128x768xf32, #tpu.memory_space<vmem>> -> memref<16x768xf32, #tpu.memory_space<vmem>>
      %dma_start3A_215 = arith.constant 0 : i32
      %dma_start3A_216 = tpu.memref_slice %arg5[%dma_start3A_211, %dma_start3A_215] : memref<8x16xi32, #tpu.memory_space<vmem>> -> memref<1x16xi32, #tpu.memory_space<vmem>>
      %dma_start3A_217 = tpu.memref_squeeze %dma_start3A_216 : memref<1x16xi32, #tpu.memory_space<vmem>> -> memref<16xi32, #tpu.memory_space<vmem>>
      %dma_start3A_218 = arith.constant 0 : i32
      %dma_start3A_219 = arith.constant 0 : i32
      %dma_start3A_220 = tpu.memref_slice %arg4[%dma_start3A_218, %dma_start3A_219] : memref<2049x768xf32, #tpu.memory_space<hbm>> -> memref<2049x768xf32, #tpu.memory_space<hbm>>
      tpu.enqueue_indirect_dma source(%dma_start3A_214 : memref<16x768xf32, #tpu.memory_space<vmem>>) target(%dma_start3A_220 : memref<2049x768xf32, #tpu.memory_space<hbm>>) offsets(%dma_start3A_217 : memref<16xi32, #tpu.memory_space<vmem>>) semaphore(%arg7 : memref<!tpu.dma_semaphore, #tpu.memory_space<semaphore_mem>>)
      %dma_start3A_221 = arith.constant 5 : i32
      %dma_start3A_222 = arith.constant 80 : i32
      %dma_start3A_223 = arith.constant 0 : i32
      %dma_start3A_224 = tpu.memref_slice %arg6[%dma_start3A_222, %dma_start3A_223] : memref<128x768xf32, #tpu.memory_space<vmem>> -> memref<16x768xf32, #tpu.memory_space<vmem>>
      %dma_start3A_225 = arith.constant 0 : i32
      %dma_start3A_226 = tpu.memref_slice %arg5[%dma_start3A_221, %dma_start3A_225] : memref<8x16xi32, #tpu.memory_space<vmem>> -> memref<1x16xi32, #tpu.memory_space<vmem>>
      %dma_start3A_227 = tpu.memref_squeeze %dma_start3A_226 : memref<1x16xi32, #tpu.memory_space<vmem>> -> memref<16xi32, #tpu.memory_space<vmem>>
      %dma_start3A_228 = arith.constant 0 : i32
      %dma_start3A_229 = arith.constant 0 : i32
      %dma_start3A_230 = tpu.memref_slice %arg4[%dma_start3A_228, %dma_start3A_229] : memref<2049x768xf32, #tpu.memory_space<hbm>> -> memref<2049x768xf32, #tpu.memory_space<hbm>>
      tpu.enqueue_indirect_dma source(%dma_start3A_224 : memref<16x768xf32, #tpu.memory_space<vmem>>) target(%dma_start3A_230 : memref<2049x768xf32, #tpu.memory_space<hbm>>) offsets(%dma_start3A_227 : memref<16xi32, #tpu.memory_space<vmem>>) semaphore(%arg7 : memref<!tpu.dma_semaphore, #tpu.memory_space<semaphore_mem>>)
      %dma_start3A_231 = arith.constant 6 : i32
      %dma_start3A_232 = arith.constant 96 : i32
      %dma_start3A_233 = arith.constant 0 : i32
      %dma_start3A_234 = tpu.memref_slice %arg6[%dma_start3A_232, %dma_start3A_233] : memref<128x768xf32, #tpu.memory_space<vmem>> -> memref<16x768xf32, #tpu.memory_space<vmem>>
      %dma_start3A_235 = arith.constant 0 : i32
      %dma_start3A_236 = tpu.memref_slice %arg5[%dma_start3A_231, %dma_start3A_235] : memref<8x16xi32, #tpu.memory_space<vmem>> -> memref<1x16xi32, #tpu.memory_space<vmem>>
      %dma_start3A_237 = tpu.memref_squeeze %dma_start3A_236 : memref<1x16xi32, #tpu.memory_space<vmem>> -> memref<16xi32, #tpu.memory_space<vmem>>
      %dma_start3A_238 = arith.constant 0 : i32
      %dma_start3A_239 = arith.constant 0 : i32
      %dma_start3A_240 = tpu.memref_slice %arg4[%dma_start3A_238, %dma_start3A_239] : memref<2049x768xf32, #tpu.memory_space<hbm>> -> memref<2049x768xf32, #tpu.memory_space<hbm>>
      tpu.enqueue_indirect_dma source(%dma_start3A_234 : memref<16x768xf32, #tpu.memory_space<vmem>>) target(%dma_start3A_240 : memref<2049x768xf32, #tpu.memory_space<hbm>>) offsets(%dma_start3A_237 : memref<16xi32, #tpu.memory_space<vmem>>) semaphore(%arg7 : memref<!tpu.dma_semaphore, #tpu.memory_space<semaphore_mem>>)
      %dma_start3A_241 = arith.constant 7 : i32
      %dma_start3A_242 = arith.constant 112 : i32
      %dma_start3A_243 = arith.constant 0 : i32
      %dma_start3A_244 = tpu.memref_slice %arg6[%dma_start3A_242, %dma_start3A_243] : memref<128x768xf32, #tpu.memory_space<vmem>> -> memref<16x768xf32, #tpu.memory_space<vmem>>
      %dma_start3A_245 = arith.constant 0 : i32
      %dma_start3A_246 = tpu.memref_slice %arg5[%dma_start3A_241, %dma_start3A_245] : memref<8x16xi32, #tpu.memory_space<vmem>> -> memref<1x16xi32, #tpu.memory_space<vmem>>
      %dma_start3A_247 = tpu.memref_squeeze %dma_start3A_246 : memref<1x16xi32, #tpu.memory_space<vmem>> -> memref<16xi32, #tpu.memory_space<vmem>>
      %dma_start3A_248 = arith.constant 0 : i32
      %dma_start3A_249 = arith.constant 0 : i32
      %dma_start3A_250 = tpu.memref_slice %arg4[%dma_start3A_248, %dma_start3A_249] : memref<2049x768xf32, #tpu.memory_space<hbm>> -> memref<2049x768xf32, #tpu.memory_space<hbm>>
      tpu.enqueue_indirect_dma source(%dma_start3A_244 : memref<16x768xf32, #tpu.memory_space<vmem>>) target(%dma_start3A_250 : memref<2049x768xf32, #tpu.memory_space<hbm>>) offsets(%dma_start3A_247 : memref<16xi32, #tpu.memory_space<vmem>>) semaphore(%arg7 : memref<!tpu.dma_semaphore, #tpu.memory_space<semaphore_mem>>)
      %dma_wait3A_251 = arith.constant 0 : i32
      %dma_wait3A_252 = arith.constant 0 : i32
      %dma_wait3A_253 = arith.constant 0 : i32
      %dma_wait3A_254 = tpu.memref_slice %arg6[%dma_wait3A_252, %dma_wait3A_253] : memref<128x768xf32, #tpu.memory_space<vmem>> -> memref<16x768xf32, #tpu.memory_space<vmem>>
      %dma_wait3A_255 = arith.constant 0 : i32
      %dma_wait3A_256 = tpu.memref_slice %arg5[%dma_wait3A_251, %dma_wait3A_255] : memref<8x16xi32, #tpu.memory_space<vmem>> -> memref<1x16xi32, #tpu.memory_space<vmem>>
      %dma_wait3A_257 = tpu.memref_squeeze %dma_wait3A_256 : memref<1x16xi32, #tpu.memory_space<vmem>> -> memref<16xi32, #tpu.memory_space<vmem>>
      %dma_wait3A_258 = arith.constant 0 : i32
      %dma_wait3A_259 = arith.constant 0 : i32
      %dma_wait3A_260 = tpu.memref_slice %arg4[%dma_wait3A_258, %dma_wait3A_259] : memref<2049x768xf32, #tpu.memory_space<hbm>> -> memref<2049x768xf32, #tpu.memory_space<hbm>>
      tpu.wait_indirect_dma semaphore(%arg7 : memref<!tpu.dma_semaphore, #tpu.memory_space<semaphore_mem>>) src(%dma_wait3A_254 : memref<16x768xf32, #tpu.memory_space<vmem>>) dst(%dma_wait3A_260 : memref<2049x768xf32, #tpu.memory_space<hbm>>)
      %dma_wait3A_261 = arith.constant 1 : i32
      %dma_wait3A_262 = arith.constant 16 : i32
      %dma_wait3A_263 = arith.constant 0 : i32
      %dma_wait3A_264 = tpu.memref_slice %arg6[%dma_wait3A_262, %dma_wait3A_263] : memref<128x768xf32, #tpu.memory_space<vmem>> -> memref<16x768xf32, #tpu.memory_space<vmem>>
      %dma_wait3A_265 = arith.constant 0 : i32
      %dma_wait3A_266 = tpu.memref_slice %arg5[%dma_wait3A_261, %dma_wait3A_265] : memref<8x16xi32, #tpu.memory_space<vmem>> -> memref<1x16xi32, #tpu.memory_space<vmem>>
      %dma_wait3A_267 = tpu.memref_squeeze %dma_wait3A_266 : memref<1x16xi32, #tpu.memory_space<vmem>> -> memref<16xi32, #tpu.memory_space<vmem>>
      %dma_wait3A_268 = arith.constant 0 : i32
      %dma_wait3A_269 = arith.constant 0 : i32
      %dma_wait3A_270 = tpu.memref_slice %arg4[%dma_wait3A_268, %dma_wait3A_269] : memref<2049x768xf32, #tpu.memory_space<hbm>> -> memref<2049x768xf32, #tpu.memory_space<hbm>>
      tpu.wait_indirect_dma semaphore(%arg7 : memref<!tpu.dma_semaphore, #tpu.memory_space<semaphore_mem>>) src(%dma_wait3A_264 : memref<16x768xf32, #tpu.memory_space<vmem>>) dst(%dma_wait3A_270 : memref<2049x768xf32, #tpu.memory_space<hbm>>)
      %dma_wait3A_271 = arith.constant 2 : i32
      %dma_wait3A_272 = arith.constant 32 : i32
      %dma_wait3A_273 = arith.constant 0 : i32
      %dma_wait3A_274 = tpu.memref_slice %arg6[%dma_wait3A_272, %dma_wait3A_273] : memref<128x768xf32, #tpu.memory_space<vmem>> -> memref<16x768xf32, #tpu.memory_space<vmem>>
      %dma_wait3A_275 = arith.constant 0 : i32
      %dma_wait3A_276 = tpu.memref_slice %arg5[%dma_wait3A_271, %dma_wait3A_275] : memref<8x16xi32, #tpu.memory_space<vmem>> -> memref<1x16xi32, #tpu.memory_space<vmem>>
      %dma_wait3A_277 = tpu.memref_squeeze %dma_wait3A_276 : memref<1x16xi32, #tpu.memory_space<vmem>> -> memref<16xi32, #tpu.memory_space<vmem>>
      %dma_wait3A_278 = arith.constant 0 : i32
      %dma_wait3A_279 = arith.constant 0 : i32
      %dma_wait3A_280 = tpu.memref_slice %arg4[%dma_wait3A_278, %dma_wait3A_279] : memref<2049x768xf32, #tpu.memory_space<hbm>> -> memref<2049x768xf32, #tpu.memory_space<hbm>>
      tpu.wait_indirect_dma semaphore(%arg7 : memref<!tpu.dma_semaphore, #tpu.memory_space<semaphore_mem>>) src(%dma_wait3A_274 : memref<16x768xf32, #tpu.memory_space<vmem>>) dst(%dma_wait3A_280 : memref<2049x768xf32, #tpu.memory_space<hbm>>)
      %dma_wait3A_281 = arith.constant 3 : i32
      %dma_wait3A_282 = arith.constant 48 : i32
      %dma_wait3A_283 = arith.constant 0 : i32
      %dma_wait3A_284 = tpu.memref_slice %arg6[%dma_wait3A_282, %dma_wait3A_283] : memref<128x768xf32, #tpu.memory_space<vmem>> -> memref<16x768xf32, #tpu.memory_space<vmem>>
      %dma_wait3A_285 = arith.constant 0 : i32
      %dma_wait3A_286 = tpu.memref_slice %arg5[%dma_wait3A_281, %dma_wait3A_285] : memref<8x16xi32, #tpu.memory_space<vmem>> -> memref<1x16xi32, #tpu.memory_space<vmem>>
      %dma_wait3A_287 = tpu.memref_squeeze %dma_wait3A_286 : memref<1x16xi32, #tpu.memory_space<vmem>> -> memref<16xi32, #tpu.memory_space<vmem>>
      %dma_wait3A_288 = arith.constant 0 : i32
      %dma_wait3A_289 = arith.constant 0 : i32
      %dma_wait3A_290 = tpu.memref_slice %arg4[%dma_wait3A_288, %dma_wait3A_289] : memref<2049x768xf32, #tpu.memory_space<hbm>> -> memref<2049x768xf32, #tpu.memory_space<hbm>>
      tpu.wait_indirect_dma semaphore(%arg7 : memref<!tpu.dma_semaphore, #tpu.memory_space<semaphore_mem>>) src(%dma_wait3A_284 : memref<16x768xf32, #tpu.memory_space<vmem>>) dst(%dma_wait3A_290 : memref<2049x768xf32, #tpu.memory_space<hbm>>)
      %dma_wait3A_291 = arith.constant 4 : i32
      %dma_wait3A_292 = arith.constant 64 : i32
      %dma_wait3A_293 = arith.constant 0 : i32
      %dma_wait3A_294 = tpu.memref_slice %arg6[%dma_wait3A_292, %dma_wait3A_293] : memref<128x768xf32, #tpu.memory_space<vmem>> -> memref<16x768xf32, #tpu.memory_space<vmem>>
      %dma_wait3A_295 = arith.constant 0 : i32
      %dma_wait3A_296 = tpu.memref_slice %arg5[%dma_wait3A_291, %dma_wait3A_295] : memref<8x16xi32, #tpu.memory_space<vmem>> -> memref<1x16xi32, #tpu.memory_space<vmem>>
      %dma_wait3A_297 = tpu.memref_squeeze %dma_wait3A_296 : memref<1x16xi32, #tpu.memory_space<vmem>> -> memref<16xi32, #tpu.memory_space<vmem>>
      %dma_wait3A_298 = arith.constant 0 : i32
      %dma_wait3A_299 = arith.constant 0 : i32
      %dma_wait3A_300 = tpu.memref_slice %arg4[%dma_wait3A_298, %dma_wait3A_299] : memref<2049x768xf32, #tpu.memory_space<hbm>> -> memref<2049x768xf32, #tpu.memory_space<hbm>>
      tpu.wait_indirect_dma semaphore(%arg7 : memref<!tpu.dma_semaphore, #tpu.memory_space<semaphore_mem>>) src(%dma_wait3A_294 : memref<16x768xf32, #tpu.memory_space<vmem>>) dst(%dma_wait3A_300 : memref<2049x768xf32, #tpu.memory_space<hbm>>)
      %dma_wait3A_301 = arith.constant 5 : i32
      %dma_wait3A_302 = arith.constant 80 : i32
      %dma_wait3A_303 = arith.constant 0 : i32
      %dma_wait3A_304 = tpu.memref_slice %arg6[%dma_wait3A_302, %dma_wait3A_303] : memref<128x768xf32, #tpu.memory_space<vmem>> -> memref<16x768xf32, #tpu.memory_space<vmem>>
      %dma_wait3A_305 = arith.constant 0 : i32
      %dma_wait3A_306 = tpu.memref_slice %arg5[%dma_wait3A_301, %dma_wait3A_305] : memref<8x16xi32, #tpu.memory_space<vmem>> -> memref<1x16xi32, #tpu.memory_space<vmem>>
      %dma_wait3A_307 = tpu.memref_squeeze %dma_wait3A_306 : memref<1x16xi32, #tpu.memory_space<vmem>> -> memref<16xi32, #tpu.memory_space<vmem>>
      %dma_wait3A_308 = arith.constant 0 : i32
      %dma_wait3A_309 = arith.constant 0 : i32
      %dma_wait3A_310 = tpu.memref_slice %arg4[%dma_wait3A_308, %dma_wait3A_309] : memref<2049x768xf32, #tpu.memory_space<hbm>> -> memref<2049x768xf32, #tpu.memory_space<hbm>>
      tpu.wait_indirect_dma semaphore(%arg7 : memref<!tpu.dma_semaphore, #tpu.memory_space<semaphore_mem>>) src(%dma_wait3A_304 : memref<16x768xf32, #tpu.memory_space<vmem>>) dst(%dma_wait3A_310 : memref<2049x768xf32, #tpu.memory_space<hbm>>)
      %dma_wait3A_311 = arith.constant 6 : i32
      %dma_wait3A_312 = arith.constant 96 : i32
      %dma_wait3A_313 = arith.constant 0 : i32
      %dma_wait3A_314 = tpu.memref_slice %arg6[%dma_wait3A_312, %dma_wait3A_313] : memref<128x768xf32, #tpu.memory_space<vmem>> -> memref<16x768xf32, #tpu.memory_space<vmem>>
      %dma_wait3A_315 = arith.constant 0 : i32
      %dma_wait3A_316 = tpu.memref_slice %arg5[%dma_wait3A_311, %dma_wait3A_315] : memref<8x16xi32, #tpu.memory_space<vmem>> -> memref<1x16xi32, #tpu.memory_space<vmem>>
      %dma_wait3A_317 = tpu.memref_squeeze %dma_wait3A_316 : memref<1x16xi32, #tpu.memory_space<vmem>> -> memref<16xi32, #tpu.memory_space<vmem>>
      %dma_wait3A_318 = arith.constant 0 : i32
      %dma_wait3A_319 = arith.constant 0 : i32
      %dma_wait3A_320 = tpu.memref_slice %arg4[%dma_wait3A_318, %dma_wait3A_319] : memref<2049x768xf32, #tpu.memory_space<hbm>> -> memref<2049x768xf32, #tpu.memory_space<hbm>>
      tpu.wait_indirect_dma semaphore(%arg7 : memref<!tpu.dma_semaphore, #tpu.memory_space<semaphore_mem>>) src(%dma_wait3A_314 : memref<16x768xf32, #tpu.memory_space<vmem>>) dst(%dma_wait3A_320 : memref<2049x768xf32, #tpu.memory_space<hbm>>)
      %dma_wait3A_321 = arith.constant 7 : i32
      %dma_wait3A_322 = arith.constant 112 : i32
      %dma_wait3A_323 = arith.constant 0 : i32
      %dma_wait3A_324 = tpu.memref_slice %arg6[%dma_wait3A_322, %dma_wait3A_323] : memref<128x768xf32, #tpu.memory_space<vmem>> -> memref<16x768xf32, #tpu.memory_space<vmem>>
      %dma_wait3A_325 = arith.constant 0 : i32
      %dma_wait3A_326 = tpu.memref_slice %arg5[%dma_wait3A_321, %dma_wait3A_325] : memref<8x16xi32, #tpu.memory_space<vmem>> -> memref<1x16xi32, #tpu.memory_space<vmem>>
      %dma_wait3A_327 = tpu.memref_squeeze %dma_wait3A_326 : memref<1x16xi32, #tpu.memory_space<vmem>> -> memref<16xi32, #tpu.memory_space<vmem>>
      %dma_wait3A_328 = arith.constant 0 : i32
      %dma_wait3A_329 = arith.constant 0 : i32
      %dma_wait3A_330 = tpu.memref_slice %arg4[%dma_wait3A_328, %dma_wait3A_329] : memref<2049x768xf32, #tpu.memory_space<hbm>> -> memref<2049x768xf32, #tpu.memory_space<hbm>>
      tpu.wait_indirect_dma semaphore(%arg7 : memref<!tpu.dma_semaphore, #tpu.memory_space<semaphore_mem>>) src(%dma_wait3A_324 : memref<16x768xf32, #tpu.memory_space<vmem>>) dst(%dma_wait3A_330 : memref<2049x768xf32, #tpu.memory_space<hbm>>)
    } else {
    }
    return
  }
}

#map = affine_map<(d0, d1) -> (0, 0)>
module attributes {stable_mosaic.version = 14 : i64} {
  func.func @_gather_body(%arg0: i32, %arg1: i32, %arg2: memref<2049x768xf32, #tpu.memory_space<hbm>>, %arg3: memref<264x16xi32, #tpu.memory_space<hbm>>, %arg4: memref<4224x768xf32, #tpu.memory_space<hbm>>, %arg5: memref<8x16xi32, #tpu.memory_space<vmem>>, %arg6: memref<128x768xf32, #tpu.memory_space<vmem>>, %arg7: memref<!tpu.dma_semaphore, #tpu.memory_space<semaphore_mem>>) attributes {dimension_semantics = [#tpu.dimension_semantics<core_parallel>, #tpu.dimension_semantics<subcore_parallel>], iteration_bounds = array<i64: 2, 16>, scalar_prefetch = 0 : i64, scratch_operands = 3 : i64, tpu.core_type = #tpu.core_type<sc_vector_subcore>, window_params = [{transform_indices = #map}, {transform_indices = #map}, {transform_indices = #map}]} {
    %mul3A = arith.constant 2 : i32
    %mul3A_0 = arith.muli %arg1, %mul3A : i32
    %add3A = arith.addi %mul3A_0, %arg0 : i32
    %mul3A_1 = arith.constant 8 : i32
    %mul3A_2 = arith.muli %add3A, %mul3A_1 : i32
    "tpu.region"() ({
      %run_scoped3A = tpu.sem_alloc : memref<!tpu.dma_semaphore, #tpu.memory_space<semaphore_mem>>
      %dma_start3A_165 = arith.constant 0 : i32
      %dma_start3A_166 = tpu.memref_slice %arg3[%mul3A_2, %dma_start3A_165] : memref<264x16xi32, #tpu.memory_space<hbm>> -> memref<8x16xi32, #tpu.memory_space<hbm>>
      %dma_start3A_167 = arith.constant 0 : i32
      %dma_start3A_168 = tpu.memref_slice %arg3[%mul3A_2, %dma_start3A_167] : memref<264x16xi32, #tpu.memory_space<hbm>> -> memref<8x16xi32, #tpu.memory_space<hbm>>
      tpu.enqueue_dma source(%dma_start3A_168 : memref<8x16xi32, #tpu.memory_space<hbm>>) target(%arg5 : memref<8x16xi32, #tpu.memory_space<vmem>>) target_semaphore(%run_scoped3A : memref<!tpu.dma_semaphore, #tpu.memory_space<semaphore_mem>>)
      %dma_wait3A_169 = arith.constant 0 : i32
      %dma_wait3A_170 = tpu.memref_slice %arg3[%mul3A_2, %dma_wait3A_169] : memref<264x16xi32, #tpu.memory_space<hbm>> -> memref<8x16xi32, #tpu.memory_space<hbm>>
      %dma_wait3A_171 = arith.constant 0 : i32
      %dma_wait3A_172 = tpu.memref_slice %arg3[%mul3A_2, %dma_wait3A_171] : memref<264x16xi32, #tpu.memory_space<hbm>> -> memref<8x16xi32, #tpu.memory_space<hbm>>
      tpu.wait_dma2 semaphore(%run_scoped3A : memref<!tpu.dma_semaphore, #tpu.memory_space<semaphore_mem>>) src(%dma_wait3A_172 : memref<8x16xi32, #tpu.memory_space<hbm>>) dst(%arg5 : memref<8x16xi32, #tpu.memory_space<vmem>>)
      tpu.yield
    }) : () -> ()
    %dma_start3A = arith.constant 0 : i32
    %dma_start3A_3 = arith.constant 0 : i32
    %dma_start3A_4 = arith.constant 0 : i32
    %dma_start3A_5 = tpu.memref_slice %arg6[%dma_start3A_3, %dma_start3A_4] : memref<128x768xf32, #tpu.memory_space<vmem>> -> memref<16x768xf32, #tpu.memory_space<vmem>>
    %dma_start3A_6 = arith.constant 0 : i32
    %dma_start3A_7 = tpu.memref_slice %arg5[%dma_start3A, %dma_start3A_6] : memref<8x16xi32, #tpu.memory_space<vmem>> -> memref<1x16xi32, #tpu.memory_space<vmem>>
    %dma_start3A_8 = tpu.memref_squeeze %dma_start3A_7 : memref<1x16xi32, #tpu.memory_space<vmem>> -> memref<16xi32, #tpu.memory_space<vmem>>
    %dma_start3A_9 = arith.constant 0 : i32
    %dma_start3A_10 = arith.constant 0 : i32
    %dma_start3A_11 = tpu.memref_slice %arg2[%dma_start3A_9, %dma_start3A_10] : memref<2049x768xf32, #tpu.memory_space<hbm>> -> memref<2049x768xf32, #tpu.memory_space<hbm>>
    tpu.enqueue_indirect_dma source(%dma_start3A_11 : memref<2049x768xf32, #tpu.memory_space<hbm>>) target(%dma_start3A_5 : memref<16x768xf32, #tpu.memory_space<vmem>>) offsets(%dma_start3A_8 : memref<16xi32, #tpu.memory_space<vmem>>) semaphore(%arg7 : memref<!tpu.dma_semaphore, #tpu.memory_space<semaphore_mem>>)
    %dma_start3A_12 = arith.constant 1 : i32
    %dma_start3A_13 = arith.constant 16 : i32
    %dma_start3A_14 = arith.constant 0 : i32
    %dma_start3A_15 = tpu.memref_slice %arg6[%dma_start3A_13, %dma_start3A_14] : memref<128x768xf32, #tpu.memory_space<vmem>> -> memref<16x768xf32, #tpu.memory_space<vmem>>
    %dma_start3A_16 = arith.constant 0 : i32
    %dma_start3A_17 = tpu.memref_slice %arg5[%dma_start3A_12, %dma_start3A_16] : memref<8x16xi32, #tpu.memory_space<vmem>> -> memref<1x16xi32, #tpu.memory_space<vmem>>
    %dma_start3A_18 = tpu.memref_squeeze %dma_start3A_17 : memref<1x16xi32, #tpu.memory_space<vmem>> -> memref<16xi32, #tpu.memory_space<vmem>>
    %dma_start3A_19 = arith.constant 0 : i32
    %dma_start3A_20 = arith.constant 0 : i32
    %dma_start3A_21 = tpu.memref_slice %arg2[%dma_start3A_19, %dma_start3A_20] : memref<2049x768xf32, #tpu.memory_space<hbm>> -> memref<2049x768xf32, #tpu.memory_space<hbm>>
    tpu.enqueue_indirect_dma source(%dma_start3A_21 : memref<2049x768xf32, #tpu.memory_space<hbm>>) target(%dma_start3A_15 : memref<16x768xf32, #tpu.memory_space<vmem>>) offsets(%dma_start3A_18 : memref<16xi32, #tpu.memory_space<vmem>>) semaphore(%arg7 : memref<!tpu.dma_semaphore, #tpu.memory_space<semaphore_mem>>)
    %dma_start3A_22 = arith.constant 2 : i32
    %dma_start3A_23 = arith.constant 32 : i32
    %dma_start3A_24 = arith.constant 0 : i32
    %dma_start3A_25 = tpu.memref_slice %arg6[%dma_start3A_23, %dma_start3A_24] : memref<128x768xf32, #tpu.memory_space<vmem>> -> memref<16x768xf32, #tpu.memory_space<vmem>>
    %dma_start3A_26 = arith.constant 0 : i32
    %dma_start3A_27 = tpu.memref_slice %arg5[%dma_start3A_22, %dma_start3A_26] : memref<8x16xi32, #tpu.memory_space<vmem>> -> memref<1x16xi32, #tpu.memory_space<vmem>>
    %dma_start3A_28 = tpu.memref_squeeze %dma_start3A_27 : memref<1x16xi32, #tpu.memory_space<vmem>> -> memref<16xi32, #tpu.memory_space<vmem>>
    %dma_start3A_29 = arith.constant 0 : i32
    %dma_start3A_30 = arith.constant 0 : i32
    %dma_start3A_31 = tpu.memref_slice %arg2[%dma_start3A_29, %dma_start3A_30] : memref<2049x768xf32, #tpu.memory_space<hbm>> -> memref<2049x768xf32, #tpu.memory_space<hbm>>
    tpu.enqueue_indirect_dma source(%dma_start3A_31 : memref<2049x768xf32, #tpu.memory_space<hbm>>) target(%dma_start3A_25 : memref<16x768xf32, #tpu.memory_space<vmem>>) offsets(%dma_start3A_28 : memref<16xi32, #tpu.memory_space<vmem>>) semaphore(%arg7 : memref<!tpu.dma_semaphore, #tpu.memory_space<semaphore_mem>>)
    %dma_start3A_32 = arith.constant 3 : i32
    %dma_start3A_33 = arith.constant 48 : i32
    %dma_start3A_34 = arith.constant 0 : i32
    %dma_start3A_35 = tpu.memref_slice %arg6[%dma_start3A_33, %dma_start3A_34] : memref<128x768xf32, #tpu.memory_space<vmem>> -> memref<16x768xf32, #tpu.memory_space<vmem>>
    %dma_start3A_36 = arith.constant 0 : i32
    %dma_start3A_37 = tpu.memref_slice %arg5[%dma_start3A_32, %dma_start3A_36] : memref<8x16xi32, #tpu.memory_space<vmem>> -> memref<1x16xi32, #tpu.memory_space<vmem>>
    %dma_start3A_38 = tpu.memref_squeeze %dma_start3A_37 : memref<1x16xi32, #tpu.memory_space<vmem>> -> memref<16xi32, #tpu.memory_space<vmem>>
    %dma_start3A_39 = arith.constant 0 : i32
    %dma_start3A_40 = arith.constant 0 : i32
    %dma_start3A_41 = tpu.memref_slice %arg2[%dma_start3A_39, %dma_start3A_40] : memref<2049x768xf32, #tpu.memory_space<hbm>> -> memref<2049x768xf32, #tpu.memory_space<hbm>>
    tpu.enqueue_indirect_dma source(%dma_start3A_41 : memref<2049x768xf32, #tpu.memory_space<hbm>>) target(%dma_start3A_35 : memref<16x768xf32, #tpu.memory_space<vmem>>) offsets(%dma_start3A_38 : memref<16xi32, #tpu.memory_space<vmem>>) semaphore(%arg7 : memref<!tpu.dma_semaphore, #tpu.memory_space<semaphore_mem>>)
    %dma_start3A_42 = arith.constant 4 : i32
    %dma_start3A_43 = arith.constant 64 : i32
    %dma_start3A_44 = arith.constant 0 : i32
    %dma_start3A_45 = tpu.memref_slice %arg6[%dma_start3A_43, %dma_start3A_44] : memref<128x768xf32, #tpu.memory_space<vmem>> -> memref<16x768xf32, #tpu.memory_space<vmem>>
    %dma_start3A_46 = arith.constant 0 : i32
    %dma_start3A_47 = tpu.memref_slice %arg5[%dma_start3A_42, %dma_start3A_46] : memref<8x16xi32, #tpu.memory_space<vmem>> -> memref<1x16xi32, #tpu.memory_space<vmem>>
    %dma_start3A_48 = tpu.memref_squeeze %dma_start3A_47 : memref<1x16xi32, #tpu.memory_space<vmem>> -> memref<16xi32, #tpu.memory_space<vmem>>
    %dma_start3A_49 = arith.constant 0 : i32
    %dma_start3A_50 = arith.constant 0 : i32
    %dma_start3A_51 = tpu.memref_slice %arg2[%dma_start3A_49, %dma_start3A_50] : memref<2049x768xf32, #tpu.memory_space<hbm>> -> memref<2049x768xf32, #tpu.memory_space<hbm>>
    tpu.enqueue_indirect_dma source(%dma_start3A_51 : memref<2049x768xf32, #tpu.memory_space<hbm>>) target(%dma_start3A_45 : memref<16x768xf32, #tpu.memory_space<vmem>>) offsets(%dma_start3A_48 : memref<16xi32, #tpu.memory_space<vmem>>) semaphore(%arg7 : memref<!tpu.dma_semaphore, #tpu.memory_space<semaphore_mem>>)
    %dma_start3A_52 = arith.constant 5 : i32
    %dma_start3A_53 = arith.constant 80 : i32
    %dma_start3A_54 = arith.constant 0 : i32
    %dma_start3A_55 = tpu.memref_slice %arg6[%dma_start3A_53, %dma_start3A_54] : memref<128x768xf32, #tpu.memory_space<vmem>> -> memref<16x768xf32, #tpu.memory_space<vmem>>
    %dma_start3A_56 = arith.constant 0 : i32
    %dma_start3A_57 = tpu.memref_slice %arg5[%dma_start3A_52, %dma_start3A_56] : memref<8x16xi32, #tpu.memory_space<vmem>> -> memref<1x16xi32, #tpu.memory_space<vmem>>
    %dma_start3A_58 = tpu.memref_squeeze %dma_start3A_57 : memref<1x16xi32, #tpu.memory_space<vmem>> -> memref<16xi32, #tpu.memory_space<vmem>>
    %dma_start3A_59 = arith.constant 0 : i32
    %dma_start3A_60 = arith.constant 0 : i32
    %dma_start3A_61 = tpu.memref_slice %arg2[%dma_start3A_59, %dma_start3A_60] : memref<2049x768xf32, #tpu.memory_space<hbm>> -> memref<2049x768xf32, #tpu.memory_space<hbm>>
    tpu.enqueue_indirect_dma source(%dma_start3A_61 : memref<2049x768xf32, #tpu.memory_space<hbm>>) target(%dma_start3A_55 : memref<16x768xf32, #tpu.memory_space<vmem>>) offsets(%dma_start3A_58 : memref<16xi32, #tpu.memory_space<vmem>>) semaphore(%arg7 : memref<!tpu.dma_semaphore, #tpu.memory_space<semaphore_mem>>)
    %dma_start3A_62 = arith.constant 6 : i32
    %dma_start3A_63 = arith.constant 96 : i32
    %dma_start3A_64 = arith.constant 0 : i32
    %dma_start3A_65 = tpu.memref_slice %arg6[%dma_start3A_63, %dma_start3A_64] : memref<128x768xf32, #tpu.memory_space<vmem>> -> memref<16x768xf32, #tpu.memory_space<vmem>>
    %dma_start3A_66 = arith.constant 0 : i32
    %dma_start3A_67 = tpu.memref_slice %arg5[%dma_start3A_62, %dma_start3A_66] : memref<8x16xi32, #tpu.memory_space<vmem>> -> memref<1x16xi32, #tpu.memory_space<vmem>>
    %dma_start3A_68 = tpu.memref_squeeze %dma_start3A_67 : memref<1x16xi32, #tpu.memory_space<vmem>> -> memref<16xi32, #tpu.memory_space<vmem>>
    %dma_start3A_69 = arith.constant 0 : i32
    %dma_start3A_70 = arith.constant 0 : i32
    %dma_start3A_71 = tpu.memref_slice %arg2[%dma_start3A_69, %dma_start3A_70] : memref<2049x768xf32, #tpu.memory_space<hbm>> -> memref<2049x768xf32, #tpu.memory_space<hbm>>
    tpu.enqueue_indirect_dma source(%dma_start3A_71 : memref<2049x768xf32, #tpu.memory_space<hbm>>) target(%dma_start3A_65 : memref<16x768xf32, #tpu.memory_space<vmem>>) offsets(%dma_start3A_68 : memref<16xi32, #tpu.memory_space<vmem>>) semaphore(%arg7 : memref<!tpu.dma_semaphore, #tpu.memory_space<semaphore_mem>>)
    %dma_start3A_72 = arith.constant 7 : i32
    %dma_start3A_73 = arith.constant 112 : i32
    %dma_start3A_74 = arith.constant 0 : i32
    %dma_start3A_75 = tpu.memref_slice %arg6[%dma_start3A_73, %dma_start3A_74] : memref<128x768xf32, #tpu.memory_space<vmem>> -> memref<16x768xf32, #tpu.memory_space<vmem>>
    %dma_start3A_76 = arith.constant 0 : i32
    %dma_start3A_77 = tpu.memref_slice %arg5[%dma_start3A_72, %dma_start3A_76] : memref<8x16xi32, #tpu.memory_space<vmem>> -> memref<1x16xi32, #tpu.memory_space<vmem>>
    %dma_start3A_78 = tpu.memref_squeeze %dma_start3A_77 : memref<1x16xi32, #tpu.memory_space<vmem>> -> memref<16xi32, #tpu.memory_space<vmem>>
    %dma_start3A_79 = arith.constant 0 : i32
    %dma_start3A_80 = arith.constant 0 : i32
    %dma_start3A_81 = tpu.memref_slice %arg2[%dma_start3A_79, %dma_start3A_80] : memref<2049x768xf32, #tpu.memory_space<hbm>> -> memref<2049x768xf32, #tpu.memory_space<hbm>>
    tpu.enqueue_indirect_dma source(%dma_start3A_81 : memref<2049x768xf32, #tpu.memory_space<hbm>>) target(%dma_start3A_75 : memref<16x768xf32, #tpu.memory_space<vmem>>) offsets(%dma_start3A_78 : memref<16xi32, #tpu.memory_space<vmem>>) semaphore(%arg7 : memref<!tpu.dma_semaphore, #tpu.memory_space<semaphore_mem>>)
    %dma_wait3A = arith.constant 0 : i32
    %dma_wait3A_82 = arith.constant 0 : i32
    %dma_wait3A_83 = arith.constant 0 : i32
    %dma_wait3A_84 = tpu.memref_slice %arg6[%dma_wait3A_82, %dma_wait3A_83] : memref<128x768xf32, #tpu.memory_space<vmem>> -> memref<16x768xf32, #tpu.memory_space<vmem>>
    %dma_wait3A_85 = arith.constant 0 : i32
    %dma_wait3A_86 = tpu.memref_slice %arg5[%dma_wait3A, %dma_wait3A_85] : memref<8x16xi32, #tpu.memory_space<vmem>> -> memref<1x16xi32, #tpu.memory_space<vmem>>
    %dma_wait3A_87 = tpu.memref_squeeze %dma_wait3A_86 : memref<1x16xi32, #tpu.memory_space<vmem>> -> memref<16xi32, #tpu.memory_space<vmem>>
    %dma_wait3A_88 = arith.constant 0 : i32
    %dma_wait3A_89 = arith.constant 0 : i32
    %dma_wait3A_90 = tpu.memref_slice %arg2[%dma_wait3A_88, %dma_wait3A_89] : memref<2049x768xf32, #tpu.memory_space<hbm>> -> memref<2049x768xf32, #tpu.memory_space<hbm>>
    tpu.wait_indirect_dma semaphore(%arg7 : memref<!tpu.dma_semaphore, #tpu.memory_space<semaphore_mem>>) src(%dma_wait3A_90 : memref<2049x768xf32, #tpu.memory_space<hbm>>) dst(%dma_wait3A_84 : memref<16x768xf32, #tpu.memory_space<vmem>>)
    %dma_wait3A_91 = arith.constant 1 : i32
    %dma_wait3A_92 = arith.constant 16 : i32
    %dma_wait3A_93 = arith.constant 0 : i32
    %dma_wait3A_94 = tpu.memref_slice %arg6[%dma_wait3A_92, %dma_wait3A_93] : memref<128x768xf32, #tpu.memory_space<vmem>> -> memref<16x768xf32, #tpu.memory_space<vmem>>
    %dma_wait3A_95 = arith.constant 0 : i32
    %dma_wait3A_96 = tpu.memref_slice %arg5[%dma_wait3A_91, %dma_wait3A_95] : memref<8x16xi32, #tpu.memory_space<vmem>> -> memref<1x16xi32, #tpu.memory_space<vmem>>
    %dma_wait3A_97 = tpu.memref_squeeze %dma_wait3A_96 : memref<1x16xi32, #tpu.memory_space<vmem>> -> memref<16xi32, #tpu.memory_space<vmem>>
    %dma_wait3A_98 = arith.constant 0 : i32
    %dma_wait3A_99 = arith.constant 0 : i32
    %dma_wait3A_100 = tpu.memref_slice %arg2[%dma_wait3A_98, %dma_wait3A_99] : memref<2049x768xf32, #tpu.memory_space<hbm>> -> memref<2049x768xf32, #tpu.memory_space<hbm>>
    tpu.wait_indirect_dma semaphore(%arg7 : memref<!tpu.dma_semaphore, #tpu.memory_space<semaphore_mem>>) src(%dma_wait3A_100 : memref<2049x768xf32, #tpu.memory_space<hbm>>) dst(%dma_wait3A_94 : memref<16x768xf32, #tpu.memory_space<vmem>>)
    %dma_wait3A_101 = arith.constant 2 : i32
    %dma_wait3A_102 = arith.constant 32 : i32
    %dma_wait3A_103 = arith.constant 0 : i32
    %dma_wait3A_104 = tpu.memref_slice %arg6[%dma_wait3A_102, %dma_wait3A_103] : memref<128x768xf32, #tpu.memory_space<vmem>> -> memref<16x768xf32, #tpu.memory_space<vmem>>
    %dma_wait3A_105 = arith.constant 0 : i32
    %dma_wait3A_106 = tpu.memref_slice %arg5[%dma_wait3A_101, %dma_wait3A_105] : memref<8x16xi32, #tpu.memory_space<vmem>> -> memref<1x16xi32, #tpu.memory_space<vmem>>
    %dma_wait3A_107 = tpu.memref_squeeze %dma_wait3A_106 : memref<1x16xi32, #tpu.memory_space<vmem>> -> memref<16xi32, #tpu.memory_space<vmem>>
    %dma_wait3A_108 = arith.constant 0 : i32
    %dma_wait3A_109 = arith.constant 0 : i32
    %dma_wait3A_110 = tpu.memref_slice %arg2[%dma_wait3A_108, %dma_wait3A_109] : memref<2049x768xf32, #tpu.memory_space<hbm>> -> memref<2049x768xf32, #tpu.memory_space<hbm>>
    tpu.wait_indirect_dma semaphore(%arg7 : memref<!tpu.dma_semaphore, #tpu.memory_space<semaphore_mem>>) src(%dma_wait3A_110 : memref<2049x768xf32, #tpu.memory_space<hbm>>) dst(%dma_wait3A_104 : memref<16x768xf32, #tpu.memory_space<vmem>>)
    %dma_wait3A_111 = arith.constant 3 : i32
    %dma_wait3A_112 = arith.constant 48 : i32
    %dma_wait3A_113 = arith.constant 0 : i32
    %dma_wait3A_114 = tpu.memref_slice %arg6[%dma_wait3A_112, %dma_wait3A_113] : memref<128x768xf32, #tpu.memory_space<vmem>> -> memref<16x768xf32, #tpu.memory_space<vmem>>
    %dma_wait3A_115 = arith.constant 0 : i32
    %dma_wait3A_116 = tpu.memref_slice %arg5[%dma_wait3A_111, %dma_wait3A_115] : memref<8x16xi32, #tpu.memory_space<vmem>> -> memref<1x16xi32, #tpu.memory_space<vmem>>
    %dma_wait3A_117 = tpu.memref_squeeze %dma_wait3A_116 : memref<1x16xi32, #tpu.memory_space<vmem>> -> memref<16xi32, #tpu.memory_space<vmem>>
    %dma_wait3A_118 = arith.constant 0 : i32
    %dma_wait3A_119 = arith.constant 0 : i32
    %dma_wait3A_120 = tpu.memref_slice %arg2[%dma_wait3A_118, %dma_wait3A_119] : memref<2049x768xf32, #tpu.memory_space<hbm>> -> memref<2049x768xf32, #tpu.memory_space<hbm>>
    tpu.wait_indirect_dma semaphore(%arg7 : memref<!tpu.dma_semaphore, #tpu.memory_space<semaphore_mem>>) src(%dma_wait3A_120 : memref<2049x768xf32, #tpu.memory_space<hbm>>) dst(%dma_wait3A_114 : memref<16x768xf32, #tpu.memory_space<vmem>>)
    %dma_wait3A_121 = arith.constant 4 : i32
    %dma_wait3A_122 = arith.constant 64 : i32
    %dma_wait3A_123 = arith.constant 0 : i32
    %dma_wait3A_124 = tpu.memref_slice %arg6[%dma_wait3A_122, %dma_wait3A_123] : memref<128x768xf32, #tpu.memory_space<vmem>> -> memref<16x768xf32, #tpu.memory_space<vmem>>
    %dma_wait3A_125 = arith.constant 0 : i32
    %dma_wait3A_126 = tpu.memref_slice %arg5[%dma_wait3A_121, %dma_wait3A_125] : memref<8x16xi32, #tpu.memory_space<vmem>> -> memref<1x16xi32, #tpu.memory_space<vmem>>
    %dma_wait3A_127 = tpu.memref_squeeze %dma_wait3A_126 : memref<1x16xi32, #tpu.memory_space<vmem>> -> memref<16xi32, #tpu.memory_space<vmem>>
    %dma_wait3A_128 = arith.constant 0 : i32
    %dma_wait3A_129 = arith.constant 0 : i32
    %dma_wait3A_130 = tpu.memref_slice %arg2[%dma_wait3A_128, %dma_wait3A_129] : memref<2049x768xf32, #tpu.memory_space<hbm>> -> memref<2049x768xf32, #tpu.memory_space<hbm>>
    tpu.wait_indirect_dma semaphore(%arg7 : memref<!tpu.dma_semaphore, #tpu.memory_space<semaphore_mem>>) src(%dma_wait3A_130 : memref<2049x768xf32, #tpu.memory_space<hbm>>) dst(%dma_wait3A_124 : memref<16x768xf32, #tpu.memory_space<vmem>>)
    %dma_wait3A_131 = arith.constant 5 : i32
    %dma_wait3A_132 = arith.constant 80 : i32
    %dma_wait3A_133 = arith.constant 0 : i32
    %dma_wait3A_134 = tpu.memref_slice %arg6[%dma_wait3A_132, %dma_wait3A_133] : memref<128x768xf32, #tpu.memory_space<vmem>> -> memref<16x768xf32, #tpu.memory_space<vmem>>
    %dma_wait3A_135 = arith.constant 0 : i32
    %dma_wait3A_136 = tpu.memref_slice %arg5[%dma_wait3A_131, %dma_wait3A_135] : memref<8x16xi32, #tpu.memory_space<vmem>> -> memref<1x16xi32, #tpu.memory_space<vmem>>
    %dma_wait3A_137 = tpu.memref_squeeze %dma_wait3A_136 : memref<1x16xi32, #tpu.memory_space<vmem>> -> memref<16xi32, #tpu.memory_space<vmem>>
    %dma_wait3A_138 = arith.constant 0 : i32
    %dma_wait3A_139 = arith.constant 0 : i32
    %dma_wait3A_140 = tpu.memref_slice %arg2[%dma_wait3A_138, %dma_wait3A_139] : memref<2049x768xf32, #tpu.memory_space<hbm>> -> memref<2049x768xf32, #tpu.memory_space<hbm>>
    tpu.wait_indirect_dma semaphore(%arg7 : memref<!tpu.dma_semaphore, #tpu.memory_space<semaphore_mem>>) src(%dma_wait3A_140 : memref<2049x768xf32, #tpu.memory_space<hbm>>) dst(%dma_wait3A_134 : memref<16x768xf32, #tpu.memory_space<vmem>>)
    %dma_wait3A_141 = arith.constant 6 : i32
    %dma_wait3A_142 = arith.constant 96 : i32
    %dma_wait3A_143 = arith.constant 0 : i32
    %dma_wait3A_144 = tpu.memref_slice %arg6[%dma_wait3A_142, %dma_wait3A_143] : memref<128x768xf32, #tpu.memory_space<vmem>> -> memref<16x768xf32, #tpu.memory_space<vmem>>
    %dma_wait3A_145 = arith.constant 0 : i32
    %dma_wait3A_146 = tpu.memref_slice %arg5[%dma_wait3A_141, %dma_wait3A_145] : memref<8x16xi32, #tpu.memory_space<vmem>> -> memref<1x16xi32, #tpu.memory_space<vmem>>
    %dma_wait3A_147 = tpu.memref_squeeze %dma_wait3A_146 : memref<1x16xi32, #tpu.memory_space<vmem>> -> memref<16xi32, #tpu.memory_space<vmem>>
    %dma_wait3A_148 = arith.constant 0 : i32
    %dma_wait3A_149 = arith.constant 0 : i32
    %dma_wait3A_150 = tpu.memref_slice %arg2[%dma_wait3A_148, %dma_wait3A_149] : memref<2049x768xf32, #tpu.memory_space<hbm>> -> memref<2049x768xf32, #tpu.memory_space<hbm>>
    tpu.wait_indirect_dma semaphore(%arg7 : memref<!tpu.dma_semaphore, #tpu.memory_space<semaphore_mem>>) src(%dma_wait3A_150 : memref<2049x768xf32, #tpu.memory_space<hbm>>) dst(%dma_wait3A_144 : memref<16x768xf32, #tpu.memory_space<vmem>>)
    %dma_wait3A_151 = arith.constant 7 : i32
    %dma_wait3A_152 = arith.constant 112 : i32
    %dma_wait3A_153 = arith.constant 0 : i32
    %dma_wait3A_154 = tpu.memref_slice %arg6[%dma_wait3A_152, %dma_wait3A_153] : memref<128x768xf32, #tpu.memory_space<vmem>> -> memref<16x768xf32, #tpu.memory_space<vmem>>
    %dma_wait3A_155 = arith.constant 0 : i32
    %dma_wait3A_156 = tpu.memref_slice %arg5[%dma_wait3A_151, %dma_wait3A_155] : memref<8x16xi32, #tpu.memory_space<vmem>> -> memref<1x16xi32, #tpu.memory_space<vmem>>
    %dma_wait3A_157 = tpu.memref_squeeze %dma_wait3A_156 : memref<1x16xi32, #tpu.memory_space<vmem>> -> memref<16xi32, #tpu.memory_space<vmem>>
    %dma_wait3A_158 = arith.constant 0 : i32
    %dma_wait3A_159 = arith.constant 0 : i32
    %dma_wait3A_160 = tpu.memref_slice %arg2[%dma_wait3A_158, %dma_wait3A_159] : memref<2049x768xf32, #tpu.memory_space<hbm>> -> memref<2049x768xf32, #tpu.memory_space<hbm>>
    tpu.wait_indirect_dma semaphore(%arg7 : memref<!tpu.dma_semaphore, #tpu.memory_space<semaphore_mem>>) src(%dma_wait3A_160 : memref<2049x768xf32, #tpu.memory_space<hbm>>) dst(%dma_wait3A_154 : memref<16x768xf32, #tpu.memory_space<vmem>>)
    %mul3A_161 = arith.constant 128 : i32
    %mul3A_162 = arith.muli %add3A, %mul3A_161 : i32
    "tpu.region"() ({
      %run_scoped3A = tpu.sem_alloc : memref<!tpu.dma_semaphore, #tpu.memory_space<semaphore_mem>>
      %dma_start3A_165 = arith.constant 0 : i32
      %dma_start3A_166 = tpu.memref_slice %arg4[%mul3A_162, %dma_start3A_165] : memref<4224x768xf32, #tpu.memory_space<hbm>> -> memref<128x768xf32, #tpu.memory_space<hbm>>
      %dma_start3A_167 = arith.constant 0 : i32
      %dma_start3A_168 = tpu.memref_slice %arg4[%mul3A_162, %dma_start3A_167] : memref<4224x768xf32, #tpu.memory_space<hbm>> -> memref<128x768xf32, #tpu.memory_space<hbm>>
      tpu.enqueue_dma source(%arg6 : memref<128x768xf32, #tpu.memory_space<vmem>>) target(%dma_start3A_168 : memref<128x768xf32, #tpu.memory_space<hbm>>) target_semaphore(%run_scoped3A : memref<!tpu.dma_semaphore, #tpu.memory_space<semaphore_mem>>)
      %dma_wait3A_169 = arith.constant 0 : i32
      %dma_wait3A_170 = tpu.memref_slice %arg4[%mul3A_162, %dma_wait3A_169] : memref<4224x768xf32, #tpu.memory_space<hbm>> -> memref<128x768xf32, #tpu.memory_space<hbm>>
      %dma_wait3A_171 = arith.constant 0 : i32
      %dma_wait3A_172 = tpu.memref_slice %arg4[%mul3A_162, %dma_wait3A_171] : memref<4224x768xf32, #tpu.memory_space<hbm>> -> memref<128x768xf32, #tpu.memory_space<hbm>>
      tpu.wait_dma2 semaphore(%run_scoped3A : memref<!tpu.dma_semaphore, #tpu.memory_space<semaphore_mem>>) src(%arg6 : memref<128x768xf32, #tpu.memory_space<vmem>>) dst(%dma_wait3A_172 : memref<128x768xf32, #tpu.memory_space<hbm>>)
      tpu.yield
    }) : () -> ()
    %eq3A = arith.constant 0 : i32
    %eq3A_163 = arith.cmpi eq, %add3A, %eq3A : i32
    %convert_element_type3A = arith.extui %eq3A_163 : i1 to i32
    %cond3A = arith.constant 0 : i32
    %cond3A_164 = arith.cmpi ne, %convert_element_type3A, %cond3A : i32
    scf.if %cond3A_164 {
      %mul3A_165 = arith.constant 32 : i32
      %mul3A_166 = arith.constant 8 : i32
      %mul3A_167 = arith.muli %mul3A_165, %mul3A_166 : i32
      "tpu.region"() ({
        %run_scoped3A = tpu.sem_alloc : memref<!tpu.dma_semaphore, #tpu.memory_space<semaphore_mem>>
        %dma_start3A_331 = arith.constant 0 : i32
        %dma_start3A_332 = tpu.memref_slice %arg3[%mul3A_167, %dma_start3A_331] : memref<264x16xi32, #tpu.memory_space<hbm>> -> memref<8x16xi32, #tpu.memory_space<hbm>>
        %dma_start3A_333 = arith.constant 0 : i32
        %dma_start3A_334 = tpu.memref_slice %arg3[%mul3A_167, %dma_start3A_333] : memref<264x16xi32, #tpu.memory_space<hbm>> -> memref<8x16xi32, #tpu.memory_space<hbm>>
        tpu.enqueue_dma source(%dma_start3A_334 : memref<8x16xi32, #tpu.memory_space<hbm>>) target(%arg5 : memref<8x16xi32, #tpu.memory_space<vmem>>) target_semaphore(%run_scoped3A : memref<!tpu.dma_semaphore, #tpu.memory_space<semaphore_mem>>)
        %dma_wait3A_335 = arith.constant 0 : i32
        %dma_wait3A_336 = tpu.memref_slice %arg3[%mul3A_167, %dma_wait3A_335] : memref<264x16xi32, #tpu.memory_space<hbm>> -> memref<8x16xi32, #tpu.memory_space<hbm>>
        %dma_wait3A_337 = arith.constant 0 : i32
        %dma_wait3A_338 = tpu.memref_slice %arg3[%mul3A_167, %dma_wait3A_337] : memref<264x16xi32, #tpu.memory_space<hbm>> -> memref<8x16xi32, #tpu.memory_space<hbm>>
        tpu.wait_dma2 semaphore(%run_scoped3A : memref<!tpu.dma_semaphore, #tpu.memory_space<semaphore_mem>>) src(%dma_wait3A_338 : memref<8x16xi32, #tpu.memory_space<hbm>>) dst(%arg5 : memref<8x16xi32, #tpu.memory_space<vmem>>)
        tpu.yield
      }) : () -> ()
      %dma_start3A_168 = arith.constant 0 : i32
      %dma_start3A_169 = arith.constant 0 : i32
      %dma_start3A_170 = arith.constant 0 : i32
      %dma_start3A_171 = tpu.memref_slice %arg6[%dma_start3A_169, %dma_start3A_170] : memref<128x768xf32, #tpu.memory_space<vmem>> -> memref<16x768xf32, #tpu.memory_space<vmem>>
      %dma_start3A_172 = arith.constant 0 : i32
      %dma_start3A_173 = tpu.memref_slice %arg5[%dma_start3A_168, %dma_start3A_172] : memref<8x16xi32, #tpu.memory_space<vmem>> -> memref<1x16xi32, #tpu.memory_space<vmem>>
      %dma_start3A_174 = tpu.memref_squeeze %dma_start3A_173 : memref<1x16xi32, #tpu.memory_space<vmem>> -> memref<16xi32, #tpu.memory_space<vmem>>
      %dma_start3A_175 = arith.constant 0 : i32
      %dma_start3A_176 = arith.constant 0 : i32
      %dma_start3A_177 = tpu.memref_slice %arg2[%dma_start3A_175, %dma_start3A_176] : memref<2049x768xf32, #tpu.memory_space<hbm>> -> memref<2049x768xf32, #tpu.memory_space<hbm>>
      tpu.enqueue_indirect_dma source(%dma_start3A_177 : memref<2049x768xf32, #tpu.memory_space<hbm>>) target(%dma_start3A_171 : memref<16x768xf32, #tpu.memory_space<vmem>>) offsets(%dma_start3A_174 : memref<16xi32, #tpu.memory_space<vmem>>) semaphore(%arg7 : memref<!tpu.dma_semaphore, #tpu.memory_space<semaphore_mem>>)
      %dma_start3A_178 = arith.constant 1 : i32
      %dma_start3A_179 = arith.constant 16 : i32
      %dma_start3A_180 = arith.constant 0 : i32
      %dma_start3A_181 = tpu.memref_slice %arg6[%dma_start3A_179, %dma_start3A_180] : memref<128x768xf32, #tpu.memory_space<vmem>> -> memref<16x768xf32, #tpu.memory_space<vmem>>
      %dma_start3A_182 = arith.constant 0 : i32
      %dma_start3A_183 = tpu.memref_slice %arg5[%dma_start3A_178, %dma_start3A_182] : memref<8x16xi32, #tpu.memory_space<vmem>> -> memref<1x16xi32, #tpu.memory_space<vmem>>
      %dma_start3A_184 = tpu.memref_squeeze %dma_start3A_183 : memref<1x16xi32, #tpu.memory_space<vmem>> -> memref<16xi32, #tpu.memory_space<vmem>>
      %dma_start3A_185 = arith.constant 0 : i32
      %dma_start3A_186 = arith.constant 0 : i32
      %dma_start3A_187 = tpu.memref_slice %arg2[%dma_start3A_185, %dma_start3A_186] : memref<2049x768xf32, #tpu.memory_space<hbm>> -> memref<2049x768xf32, #tpu.memory_space<hbm>>
      tpu.enqueue_indirect_dma source(%dma_start3A_187 : memref<2049x768xf32, #tpu.memory_space<hbm>>) target(%dma_start3A_181 : memref<16x768xf32, #tpu.memory_space<vmem>>) offsets(%dma_start3A_184 : memref<16xi32, #tpu.memory_space<vmem>>) semaphore(%arg7 : memref<!tpu.dma_semaphore, #tpu.memory_space<semaphore_mem>>)
      %dma_start3A_188 = arith.constant 2 : i32
      %dma_start3A_189 = arith.constant 32 : i32
      %dma_start3A_190 = arith.constant 0 : i32
      %dma_start3A_191 = tpu.memref_slice %arg6[%dma_start3A_189, %dma_start3A_190] : memref<128x768xf32, #tpu.memory_space<vmem>> -> memref<16x768xf32, #tpu.memory_space<vmem>>
      %dma_start3A_192 = arith.constant 0 : i32
      %dma_start3A_193 = tpu.memref_slice %arg5[%dma_start3A_188, %dma_start3A_192] : memref<8x16xi32, #tpu.memory_space<vmem>> -> memref<1x16xi32, #tpu.memory_space<vmem>>
      %dma_start3A_194 = tpu.memref_squeeze %dma_start3A_193 : memref<1x16xi32, #tpu.memory_space<vmem>> -> memref<16xi32, #tpu.memory_space<vmem>>
      %dma_start3A_195 = arith.constant 0 : i32
      %dma_start3A_196 = arith.constant 0 : i32
      %dma_start3A_197 = tpu.memref_slice %arg2[%dma_start3A_195, %dma_start3A_196] : memref<2049x768xf32, #tpu.memory_space<hbm>> -> memref<2049x768xf32, #tpu.memory_space<hbm>>
      tpu.enqueue_indirect_dma source(%dma_start3A_197 : memref<2049x768xf32, #tpu.memory_space<hbm>>) target(%dma_start3A_191 : memref<16x768xf32, #tpu.memory_space<vmem>>) offsets(%dma_start3A_194 : memref<16xi32, #tpu.memory_space<vmem>>) semaphore(%arg7 : memref<!tpu.dma_semaphore, #tpu.memory_space<semaphore_mem>>)
      %dma_start3A_198 = arith.constant 3 : i32
      %dma_start3A_199 = arith.constant 48 : i32
      %dma_start3A_200 = arith.constant 0 : i32
      %dma_start3A_201 = tpu.memref_slice %arg6[%dma_start3A_199, %dma_start3A_200] : memref<128x768xf32, #tpu.memory_space<vmem>> -> memref<16x768xf32, #tpu.memory_space<vmem>>
      %dma_start3A_202 = arith.constant 0 : i32
      %dma_start3A_203 = tpu.memref_slice %arg5[%dma_start3A_198, %dma_start3A_202] : memref<8x16xi32, #tpu.memory_space<vmem>> -> memref<1x16xi32, #tpu.memory_space<vmem>>
      %dma_start3A_204 = tpu.memref_squeeze %dma_start3A_203 : memref<1x16xi32, #tpu.memory_space<vmem>> -> memref<16xi32, #tpu.memory_space<vmem>>
      %dma_start3A_205 = arith.constant 0 : i32
      %dma_start3A_206 = arith.constant 0 : i32
      %dma_start3A_207 = tpu.memref_slice %arg2[%dma_start3A_205, %dma_start3A_206] : memref<2049x768xf32, #tpu.memory_space<hbm>> -> memref<2049x768xf32, #tpu.memory_space<hbm>>
      tpu.enqueue_indirect_dma source(%dma_start3A_207 : memref<2049x768xf32, #tpu.memory_space<hbm>>) target(%dma_start3A_201 : memref<16x768xf32, #tpu.memory_space<vmem>>) offsets(%dma_start3A_204 : memref<16xi32, #tpu.memory_space<vmem>>) semaphore(%arg7 : memref<!tpu.dma_semaphore, #tpu.memory_space<semaphore_mem>>)
      %dma_start3A_208 = arith.constant 4 : i32
      %dma_start3A_209 = arith.constant 64 : i32
      %dma_start3A_210 = arith.constant 0 : i32
      %dma_start3A_211 = tpu.memref_slice %arg6[%dma_start3A_209, %dma_start3A_210] : memref<128x768xf32, #tpu.memory_space<vmem>> -> memref<16x768xf32, #tpu.memory_space<vmem>>
      %dma_start3A_212 = arith.constant 0 : i32
      %dma_start3A_213 = tpu.memref_slice %arg5[%dma_start3A_208, %dma_start3A_212] : memref<8x16xi32, #tpu.memory_space<vmem>> -> memref<1x16xi32, #tpu.memory_space<vmem>>
      %dma_start3A_214 = tpu.memref_squeeze %dma_start3A_213 : memref<1x16xi32, #tpu.memory_space<vmem>> -> memref<16xi32, #tpu.memory_space<vmem>>
      %dma_start3A_215 = arith.constant 0 : i32
      %dma_start3A_216 = arith.constant 0 : i32
      %dma_start3A_217 = tpu.memref_slice %arg2[%dma_start3A_215, %dma_start3A_216] : memref<2049x768xf32, #tpu.memory_space<hbm>> -> memref<2049x768xf32, #tpu.memory_space<hbm>>
      tpu.enqueue_indirect_dma source(%dma_start3A_217 : memref<2049x768xf32, #tpu.memory_space<hbm>>) target(%dma_start3A_211 : memref<16x768xf32, #tpu.memory_space<vmem>>) offsets(%dma_start3A_214 : memref<16xi32, #tpu.memory_space<vmem>>) semaphore(%arg7 : memref<!tpu.dma_semaphore, #tpu.memory_space<semaphore_mem>>)
      %dma_start3A_218 = arith.constant 5 : i32
      %dma_start3A_219 = arith.constant 80 : i32
      %dma_start3A_220 = arith.constant 0 : i32
      %dma_start3A_221 = tpu.memref_slice %arg6[%dma_start3A_219, %dma_start3A_220] : memref<128x768xf32, #tpu.memory_space<vmem>> -> memref<16x768xf32, #tpu.memory_space<vmem>>
      %dma_start3A_222 = arith.constant 0 : i32
      %dma_start3A_223 = tpu.memref_slice %arg5[%dma_start3A_218, %dma_start3A_222] : memref<8x16xi32, #tpu.memory_space<vmem>> -> memref<1x16xi32, #tpu.memory_space<vmem>>
      %dma_start3A_224 = tpu.memref_squeeze %dma_start3A_223 : memref<1x16xi32, #tpu.memory_space<vmem>> -> memref<16xi32, #tpu.memory_space<vmem>>
      %dma_start3A_225 = arith.constant 0 : i32
      %dma_start3A_226 = arith.constant 0 : i32
      %dma_start3A_227 = tpu.memref_slice %arg2[%dma_start3A_225, %dma_start3A_226] : memref<2049x768xf32, #tpu.memory_space<hbm>> -> memref<2049x768xf32, #tpu.memory_space<hbm>>
      tpu.enqueue_indirect_dma source(%dma_start3A_227 : memref<2049x768xf32, #tpu.memory_space<hbm>>) target(%dma_start3A_221 : memref<16x768xf32, #tpu.memory_space<vmem>>) offsets(%dma_start3A_224 : memref<16xi32, #tpu.memory_space<vmem>>) semaphore(%arg7 : memref<!tpu.dma_semaphore, #tpu.memory_space<semaphore_mem>>)
      %dma_start3A_228 = arith.constant 6 : i32
      %dma_start3A_229 = arith.constant 96 : i32
      %dma_start3A_230 = arith.constant 0 : i32
      %dma_start3A_231 = tpu.memref_slice %arg6[%dma_start3A_229, %dma_start3A_230] : memref<128x768xf32, #tpu.memory_space<vmem>> -> memref<16x768xf32, #tpu.memory_space<vmem>>
      %dma_start3A_232 = arith.constant 0 : i32
      %dma_start3A_233 = tpu.memref_slice %arg5[%dma_start3A_228, %dma_start3A_232] : memref<8x16xi32, #tpu.memory_space<vmem>> -> memref<1x16xi32, #tpu.memory_space<vmem>>
      %dma_start3A_234 = tpu.memref_squeeze %dma_start3A_233 : memref<1x16xi32, #tpu.memory_space<vmem>> -> memref<16xi32, #tpu.memory_space<vmem>>
      %dma_start3A_235 = arith.constant 0 : i32
      %dma_start3A_236 = arith.constant 0 : i32
      %dma_start3A_237 = tpu.memref_slice %arg2[%dma_start3A_235, %dma_start3A_236] : memref<2049x768xf32, #tpu.memory_space<hbm>> -> memref<2049x768xf32, #tpu.memory_space<hbm>>
      tpu.enqueue_indirect_dma source(%dma_start3A_237 : memref<2049x768xf32, #tpu.memory_space<hbm>>) target(%dma_start3A_231 : memref<16x768xf32, #tpu.memory_space<vmem>>) offsets(%dma_start3A_234 : memref<16xi32, #tpu.memory_space<vmem>>) semaphore(%arg7 : memref<!tpu.dma_semaphore, #tpu.memory_space<semaphore_mem>>)
      %dma_start3A_238 = arith.constant 7 : i32
      %dma_start3A_239 = arith.constant 112 : i32
      %dma_start3A_240 = arith.constant 0 : i32
      %dma_start3A_241 = tpu.memref_slice %arg6[%dma_start3A_239, %dma_start3A_240] : memref<128x768xf32, #tpu.memory_space<vmem>> -> memref<16x768xf32, #tpu.memory_space<vmem>>
      %dma_start3A_242 = arith.constant 0 : i32
      %dma_start3A_243 = tpu.memref_slice %arg5[%dma_start3A_238, %dma_start3A_242] : memref<8x16xi32, #tpu.memory_space<vmem>> -> memref<1x16xi32, #tpu.memory_space<vmem>>
      %dma_start3A_244 = tpu.memref_squeeze %dma_start3A_243 : memref<1x16xi32, #tpu.memory_space<vmem>> -> memref<16xi32, #tpu.memory_space<vmem>>
      %dma_start3A_245 = arith.constant 0 : i32
      %dma_start3A_246 = arith.constant 0 : i32
      %dma_start3A_247 = tpu.memref_slice %arg2[%dma_start3A_245, %dma_start3A_246] : memref<2049x768xf32, #tpu.memory_space<hbm>> -> memref<2049x768xf32, #tpu.memory_space<hbm>>
      tpu.enqueue_indirect_dma source(%dma_start3A_247 : memref<2049x768xf32, #tpu.memory_space<hbm>>) target(%dma_start3A_241 : memref<16x768xf32, #tpu.memory_space<vmem>>) offsets(%dma_start3A_244 : memref<16xi32, #tpu.memory_space<vmem>>) semaphore(%arg7 : memref<!tpu.dma_semaphore, #tpu.memory_space<semaphore_mem>>)
      %dma_wait3A_248 = arith.constant 0 : i32
      %dma_wait3A_249 = arith.constant 0 : i32
      %dma_wait3A_250 = arith.constant 0 : i32
      %dma_wait3A_251 = tpu.memref_slice %arg6[%dma_wait3A_249, %dma_wait3A_250] : memref<128x768xf32, #tpu.memory_space<vmem>> -> memref<16x768xf32, #tpu.memory_space<vmem>>
      %dma_wait3A_252 = arith.constant 0 : i32
      %dma_wait3A_253 = tpu.memref_slice %arg5[%dma_wait3A_248, %dma_wait3A_252] : memref<8x16xi32, #tpu.memory_space<vmem>> -> memref<1x16xi32, #tpu.memory_space<vmem>>
      %dma_wait3A_254 = tpu.memref_squeeze %dma_wait3A_253 : memref<1x16xi32, #tpu.memory_space<vmem>> -> memref<16xi32, #tpu.memory_space<vmem>>
      %dma_wait3A_255 = arith.constant 0 : i32
      %dma_wait3A_256 = arith.constant 0 : i32
      %dma_wait3A_257 = tpu.memref_slice %arg2[%dma_wait3A_255, %dma_wait3A_256] : memref<2049x768xf32, #tpu.memory_space<hbm>> -> memref<2049x768xf32, #tpu.memory_space<hbm>>
      tpu.wait_indirect_dma semaphore(%arg7 : memref<!tpu.dma_semaphore, #tpu.memory_space<semaphore_mem>>) src(%dma_wait3A_257 : memref<2049x768xf32, #tpu.memory_space<hbm>>) dst(%dma_wait3A_251 : memref<16x768xf32, #tpu.memory_space<vmem>>)
      %dma_wait3A_258 = arith.constant 1 : i32
      %dma_wait3A_259 = arith.constant 16 : i32
      %dma_wait3A_260 = arith.constant 0 : i32
      %dma_wait3A_261 = tpu.memref_slice %arg6[%dma_wait3A_259, %dma_wait3A_260] : memref<128x768xf32, #tpu.memory_space<vmem>> -> memref<16x768xf32, #tpu.memory_space<vmem>>
      %dma_wait3A_262 = arith.constant 0 : i32
      %dma_wait3A_263 = tpu.memref_slice %arg5[%dma_wait3A_258, %dma_wait3A_262] : memref<8x16xi32, #tpu.memory_space<vmem>> -> memref<1x16xi32, #tpu.memory_space<vmem>>
      %dma_wait3A_264 = tpu.memref_squeeze %dma_wait3A_263 : memref<1x16xi32, #tpu.memory_space<vmem>> -> memref<16xi32, #tpu.memory_space<vmem>>
      %dma_wait3A_265 = arith.constant 0 : i32
      %dma_wait3A_266 = arith.constant 0 : i32
      %dma_wait3A_267 = tpu.memref_slice %arg2[%dma_wait3A_265, %dma_wait3A_266] : memref<2049x768xf32, #tpu.memory_space<hbm>> -> memref<2049x768xf32, #tpu.memory_space<hbm>>
      tpu.wait_indirect_dma semaphore(%arg7 : memref<!tpu.dma_semaphore, #tpu.memory_space<semaphore_mem>>) src(%dma_wait3A_267 : memref<2049x768xf32, #tpu.memory_space<hbm>>) dst(%dma_wait3A_261 : memref<16x768xf32, #tpu.memory_space<vmem>>)
      %dma_wait3A_268 = arith.constant 2 : i32
      %dma_wait3A_269 = arith.constant 32 : i32
      %dma_wait3A_270 = arith.constant 0 : i32
      %dma_wait3A_271 = tpu.memref_slice %arg6[%dma_wait3A_269, %dma_wait3A_270] : memref<128x768xf32, #tpu.memory_space<vmem>> -> memref<16x768xf32, #tpu.memory_space<vmem>>
      %dma_wait3A_272 = arith.constant 0 : i32
      %dma_wait3A_273 = tpu.memref_slice %arg5[%dma_wait3A_268, %dma_wait3A_272] : memref<8x16xi32, #tpu.memory_space<vmem>> -> memref<1x16xi32, #tpu.memory_space<vmem>>
      %dma_wait3A_274 = tpu.memref_squeeze %dma_wait3A_273 : memref<1x16xi32, #tpu.memory_space<vmem>> -> memref<16xi32, #tpu.memory_space<vmem>>
      %dma_wait3A_275 = arith.constant 0 : i32
      %dma_wait3A_276 = arith.constant 0 : i32
      %dma_wait3A_277 = tpu.memref_slice %arg2[%dma_wait3A_275, %dma_wait3A_276] : memref<2049x768xf32, #tpu.memory_space<hbm>> -> memref<2049x768xf32, #tpu.memory_space<hbm>>
      tpu.wait_indirect_dma semaphore(%arg7 : memref<!tpu.dma_semaphore, #tpu.memory_space<semaphore_mem>>) src(%dma_wait3A_277 : memref<2049x768xf32, #tpu.memory_space<hbm>>) dst(%dma_wait3A_271 : memref<16x768xf32, #tpu.memory_space<vmem>>)
      %dma_wait3A_278 = arith.constant 3 : i32
      %dma_wait3A_279 = arith.constant 48 : i32
      %dma_wait3A_280 = arith.constant 0 : i32
      %dma_wait3A_281 = tpu.memref_slice %arg6[%dma_wait3A_279, %dma_wait3A_280] : memref<128x768xf32, #tpu.memory_space<vmem>> -> memref<16x768xf32, #tpu.memory_space<vmem>>
      %dma_wait3A_282 = arith.constant 0 : i32
      %dma_wait3A_283 = tpu.memref_slice %arg5[%dma_wait3A_278, %dma_wait3A_282] : memref<8x16xi32, #tpu.memory_space<vmem>> -> memref<1x16xi32, #tpu.memory_space<vmem>>
      %dma_wait3A_284 = tpu.memref_squeeze %dma_wait3A_283 : memref<1x16xi32, #tpu.memory_space<vmem>> -> memref<16xi32, #tpu.memory_space<vmem>>
      %dma_wait3A_285 = arith.constant 0 : i32
      %dma_wait3A_286 = arith.constant 0 : i32
      %dma_wait3A_287 = tpu.memref_slice %arg2[%dma_wait3A_285, %dma_wait3A_286] : memref<2049x768xf32, #tpu.memory_space<hbm>> -> memref<2049x768xf32, #tpu.memory_space<hbm>>
      tpu.wait_indirect_dma semaphore(%arg7 : memref<!tpu.dma_semaphore, #tpu.memory_space<semaphore_mem>>) src(%dma_wait3A_287 : memref<2049x768xf32, #tpu.memory_space<hbm>>) dst(%dma_wait3A_281 : memref<16x768xf32, #tpu.memory_space<vmem>>)
      %dma_wait3A_288 = arith.constant 4 : i32
      %dma_wait3A_289 = arith.constant 64 : i32
      %dma_wait3A_290 = arith.constant 0 : i32
      %dma_wait3A_291 = tpu.memref_slice %arg6[%dma_wait3A_289, %dma_wait3A_290] : memref<128x768xf32, #tpu.memory_space<vmem>> -> memref<16x768xf32, #tpu.memory_space<vmem>>
      %dma_wait3A_292 = arith.constant 0 : i32
      %dma_wait3A_293 = tpu.memref_slice %arg5[%dma_wait3A_288, %dma_wait3A_292] : memref<8x16xi32, #tpu.memory_space<vmem>> -> memref<1x16xi32, #tpu.memory_space<vmem>>
      %dma_wait3A_294 = tpu.memref_squeeze %dma_wait3A_293 : memref<1x16xi32, #tpu.memory_space<vmem>> -> memref<16xi32, #tpu.memory_space<vmem>>
      %dma_wait3A_295 = arith.constant 0 : i32
      %dma_wait3A_296 = arith.constant 0 : i32
      %dma_wait3A_297 = tpu.memref_slice %arg2[%dma_wait3A_295, %dma_wait3A_296] : memref<2049x768xf32, #tpu.memory_space<hbm>> -> memref<2049x768xf32, #tpu.memory_space<hbm>>
      tpu.wait_indirect_dma semaphore(%arg7 : memref<!tpu.dma_semaphore, #tpu.memory_space<semaphore_mem>>) src(%dma_wait3A_297 : memref<2049x768xf32, #tpu.memory_space<hbm>>) dst(%dma_wait3A_291 : memref<16x768xf32, #tpu.memory_space<vmem>>)
      %dma_wait3A_298 = arith.constant 5 : i32
      %dma_wait3A_299 = arith.constant 80 : i32
      %dma_wait3A_300 = arith.constant 0 : i32
      %dma_wait3A_301 = tpu.memref_slice %arg6[%dma_wait3A_299, %dma_wait3A_300] : memref<128x768xf32, #tpu.memory_space<vmem>> -> memref<16x768xf32, #tpu.memory_space<vmem>>
      %dma_wait3A_302 = arith.constant 0 : i32
      %dma_wait3A_303 = tpu.memref_slice %arg5[%dma_wait3A_298, %dma_wait3A_302] : memref<8x16xi32, #tpu.memory_space<vmem>> -> memref<1x16xi32, #tpu.memory_space<vmem>>
      %dma_wait3A_304 = tpu.memref_squeeze %dma_wait3A_303 : memref<1x16xi32, #tpu.memory_space<vmem>> -> memref<16xi32, #tpu.memory_space<vmem>>
      %dma_wait3A_305 = arith.constant 0 : i32
      %dma_wait3A_306 = arith.constant 0 : i32
      %dma_wait3A_307 = tpu.memref_slice %arg2[%dma_wait3A_305, %dma_wait3A_306] : memref<2049x768xf32, #tpu.memory_space<hbm>> -> memref<2049x768xf32, #tpu.memory_space<hbm>>
      tpu.wait_indirect_dma semaphore(%arg7 : memref<!tpu.dma_semaphore, #tpu.memory_space<semaphore_mem>>) src(%dma_wait3A_307 : memref<2049x768xf32, #tpu.memory_space<hbm>>) dst(%dma_wait3A_301 : memref<16x768xf32, #tpu.memory_space<vmem>>)
      %dma_wait3A_308 = arith.constant 6 : i32
      %dma_wait3A_309 = arith.constant 96 : i32
      %dma_wait3A_310 = arith.constant 0 : i32
      %dma_wait3A_311 = tpu.memref_slice %arg6[%dma_wait3A_309, %dma_wait3A_310] : memref<128x768xf32, #tpu.memory_space<vmem>> -> memref<16x768xf32, #tpu.memory_space<vmem>>
      %dma_wait3A_312 = arith.constant 0 : i32
      %dma_wait3A_313 = tpu.memref_slice %arg5[%dma_wait3A_308, %dma_wait3A_312] : memref<8x16xi32, #tpu.memory_space<vmem>> -> memref<1x16xi32, #tpu.memory_space<vmem>>
      %dma_wait3A_314 = tpu.memref_squeeze %dma_wait3A_313 : memref<1x16xi32, #tpu.memory_space<vmem>> -> memref<16xi32, #tpu.memory_space<vmem>>
      %dma_wait3A_315 = arith.constant 0 : i32
      %dma_wait3A_316 = arith.constant 0 : i32
      %dma_wait3A_317 = tpu.memref_slice %arg2[%dma_wait3A_315, %dma_wait3A_316] : memref<2049x768xf32, #tpu.memory_space<hbm>> -> memref<2049x768xf32, #tpu.memory_space<hbm>>
      tpu.wait_indirect_dma semaphore(%arg7 : memref<!tpu.dma_semaphore, #tpu.memory_space<semaphore_mem>>) src(%dma_wait3A_317 : memref<2049x768xf32, #tpu.memory_space<hbm>>) dst(%dma_wait3A_311 : memref<16x768xf32, #tpu.memory_space<vmem>>)
      %dma_wait3A_318 = arith.constant 7 : i32
      %dma_wait3A_319 = arith.constant 112 : i32
      %dma_wait3A_320 = arith.constant 0 : i32
      %dma_wait3A_321 = tpu.memref_slice %arg6[%dma_wait3A_319, %dma_wait3A_320] : memref<128x768xf32, #tpu.memory_space<vmem>> -> memref<16x768xf32, #tpu.memory_space<vmem>>
      %dma_wait3A_322 = arith.constant 0 : i32
      %dma_wait3A_323 = tpu.memref_slice %arg5[%dma_wait3A_318, %dma_wait3A_322] : memref<8x16xi32, #tpu.memory_space<vmem>> -> memref<1x16xi32, #tpu.memory_space<vmem>>
      %dma_wait3A_324 = tpu.memref_squeeze %dma_wait3A_323 : memref<1x16xi32, #tpu.memory_space<vmem>> -> memref<16xi32, #tpu.memory_space<vmem>>
      %dma_wait3A_325 = arith.constant 0 : i32
      %dma_wait3A_326 = arith.constant 0 : i32
      %dma_wait3A_327 = tpu.memref_slice %arg2[%dma_wait3A_325, %dma_wait3A_326] : memref<2049x768xf32, #tpu.memory_space<hbm>> -> memref<2049x768xf32, #tpu.memory_space<hbm>>
      tpu.wait_indirect_dma semaphore(%arg7 : memref<!tpu.dma_semaphore, #tpu.memory_space<semaphore_mem>>) src(%dma_wait3A_327 : memref<2049x768xf32, #tpu.memory_space<hbm>>) dst(%dma_wait3A_321 : memref<16x768xf32, #tpu.memory_space<vmem>>)
      %mul3A_328 = arith.constant 32 : i32
      %mul3A_329 = arith.constant 128 : i32
      %mul3A_330 = arith.muli %mul3A_328, %mul3A_329 : i32
      "tpu.region"() ({
        %run_scoped3A = tpu.sem_alloc : memref<!tpu.dma_semaphore, #tpu.memory_space<semaphore_mem>>
        %dma_start3A_331 = arith.constant 0 : i32
        %dma_start3A_332 = tpu.memref_slice %arg4[%mul3A_330, %dma_start3A_331] : memref<4224x768xf32, #tpu.memory_space<hbm>> -> memref<128x768xf32, #tpu.memory_space<hbm>>
        %dma_start3A_333 = arith.constant 0 : i32
        %dma_start3A_334 = tpu.memref_slice %arg4[%mul3A_330, %dma_start3A_333] : memref<4224x768xf32, #tpu.memory_space<hbm>> -> memref<128x768xf32, #tpu.memory_space<hbm>>
        tpu.enqueue_dma source(%arg6 : memref<128x768xf32, #tpu.memory_space<vmem>>) target(%dma_start3A_334 : memref<128x768xf32, #tpu.memory_space<hbm>>) target_semaphore(%run_scoped3A : memref<!tpu.dma_semaphore, #tpu.memory_space<semaphore_mem>>)
        %dma_wait3A_335 = arith.constant 0 : i32
        %dma_wait3A_336 = tpu.memref_slice %arg4[%mul3A_330, %dma_wait3A_335] : memref<4224x768xf32, #tpu.memory_space<hbm>> -> memref<128x768xf32, #tpu.memory_space<hbm>>
        %dma_wait3A_337 = arith.constant 0 : i32
        %dma_wait3A_338 = tpu.memref_slice %arg4[%mul3A_330, %dma_wait3A_337] : memref<4224x768xf32, #tpu.memory_space<hbm>> -> memref<128x768xf32, #tpu.memory_space<hbm>>
        tpu.wait_dma2 semaphore(%run_scoped3A : memref<!tpu.dma_semaphore, #tpu.memory_space<semaphore_mem>>) src(%arg6 : memref<128x768xf32, #tpu.memory_space<vmem>>) dst(%dma_wait3A_338 : memref<128x768xf32, #tpu.memory_space<hbm>>)
        tpu.yield
      }) : () -> ()
    } else {
    }
    return
  }
}

module attributes {stable_mosaic.version = 14 : i64} {
  func.func @_router_body(%arg0: memref<2048x768xf32, #tpu.memory_space<vmem>>, %arg1: memref<768x128xf32, #tpu.memory_space<vmem>>, %arg2: memref<2048x128xf32, #tpu.memory_space<vmem>>, %arg3: memref<2048x128xf32, #tpu.memory_space<vmem>>, %arg4: memref<2048x1xi32, #tpu.memory_space<vmem>>, %arg5: memref<128x128xi32, #tpu.memory_space<vmem>>, %arg6: memref<128x128xf32, #tpu.memory_space<vmem>>, %arg7: memref<128x1xi32, #tpu.memory_space<vmem>>) attributes {dimension_semantics = [], scalar_prefetch = 0 : i64, scratch_operands = 0 : i64, tpu.core_type = #tpu.core_type<tc>} {
    %get3A = arith.constant 0 : index
    %get3A_0 = arith.constant 0 : index
    %get3A_1 = vector.load %arg0[%get3A, %get3A_0] : memref<2048x768xf32, #tpu.memory_space<vmem>>, vector<2048x768xf32>
    %get3A_2 = arith.constant 0 : index
    %get3A_3 = arith.constant 0 : index
    %get3A_4 = vector.load %arg1[%get3A_2, %get3A_3] : memref<768x128xf32, #tpu.memory_space<vmem>>, vector<768x128xf32>
    %dot_general3A = arith.constant dense<0.000000e+00> : vector<2048x128xf32>
    %dot_general3A_5 = tpu.matmul %get3A_1, %get3A_4, %dot_general3A {dimension_numbers = #tpu.dot_dimension_numbers<[1], [0], [0], [1], [0, 0, 1, 1], [], []>, transpose_lhs_hint = false} : vector<2048x768xf32>, vector<768x128xf32>, vector<2048x128xf32> -> vector<2048x128xf32>
    %get3A_6 = arith.constant 0 : index
    %get3A_7 = arith.constant 0 : index
    %get3A_8 = vector.load %arg2[%get3A_6, %get3A_7] : memref<2048x128xf32, #tpu.memory_space<vmem>>, vector<2048x128xf32>
    %mul3A = arith.mulf %dot_general3A_5, %get3A_8 : vector<2048x128xf32>
    %iota3A = tpu.iota {dimensions = array<i32: 1>} : vector<2048x128xi32>
    %lt3A = arith.constant 17 : i32
    %lt3A_9 = vector.broadcast %lt3A : i32 to vector<2048x128xi32>
    %lt3A_10 = arith.cmpi slt, %iota3A, %lt3A_9 : vector<2048x128xi32>
    %jit3A = arith.constant -1.000000e+30 : f32
    %broadcast_in_dim3A = vector.broadcast %jit3A : f32 to vector<2048x128xf32>
    %select_n3A = arith.select %lt3A_10, %mul3A, %broadcast_in_dim3A : vector<2048x128xi1>, vector<2048x128xf32>
    %reduce_max3A = arith.constant dense<0xFF800000> : vector<2048xf32>
    %reduce_max3A_11 = vector.multi_reduction <maximumf>, %select_n3A, %reduce_max3A [1] : vector<2048x128xf32> to vector<2048xf32>
    %broadcast_in_dim3A_12 = vector.shape_cast %reduce_max3A_11 : vector<2048xf32> to vector<2048x1xf32>
    %sub3A = vector.broadcast %broadcast_in_dim3A_12 : vector<2048x1xf32> to vector<2048x128xf32>
    %sub3A_13 = arith.subf %select_n3A, %sub3A : vector<2048x128xf32>
    %exp3A = math.exp %sub3A_13 : vector<2048x128xf32>
    %jit3A_14 = arith.constant 0.000000e+00 : f32
    %broadcast_in_dim3A_15 = vector.broadcast %jit3A_14 : f32 to vector<2048x128xf32>
    %select_n3A_16 = arith.select %lt3A_10, %exp3A, %broadcast_in_dim3A_15 : vector<2048x128xi1>, vector<2048x128xf32>
    %reduce_sum3A = arith.constant dense<0.000000e+00> : vector<2048xf32>
    %reduce_sum3A_17 = vector.multi_reduction <add>, %select_n3A_16, %reduce_sum3A [1] : vector<2048x128xf32> to vector<2048xf32>
    %broadcast_in_dim3A_18 = vector.shape_cast %reduce_sum3A_17 : vector<2048xf32> to vector<2048x1xf32>
    %div3A = vector.broadcast %broadcast_in_dim3A_18 : vector<2048x1xf32> to vector<2048x128xf32>
    %div3A_19 = arith.divf %select_n3A_16, %div3A : vector<2048x128xf32>
    %reduce_max3A_20 = arith.constant dense<0xFF800000> : vector<2048xf32>
    %reduce_max3A_21 = vector.multi_reduction <maximumf>, %div3A_19, %reduce_max3A_20 [1] : vector<2048x128xf32> to vector<2048xf32>
    %broadcast_in_dim3A_22 = vector.shape_cast %reduce_max3A_21 : vector<2048xf32> to vector<2048x1xf32>
    %eq3A = vector.broadcast %broadcast_in_dim3A_22 : vector<2048x1xf32> to vector<2048x128xf32>
    %eq3A_23 = arith.cmpf oeq, %div3A_19, %eq3A : vector<2048x128xf32>
    %jit3A_24 = arith.constant 128 : i32
    %broadcast_in_dim3A_25 = vector.broadcast %jit3A_24 : i32 to vector<2048x128xi32>
    %select_n3A_26 = arith.select %eq3A_23, %iota3A, %broadcast_in_dim3A_25 : vector<2048x128xi1>, vector<2048x128xi32>
    %reduce_min3A = arith.constant dense<2147483647> : vector<2048xi32>
    %reduce_min3A_27 = vector.multi_reduction <minsi>, %select_n3A_26, %reduce_min3A [1] : vector<2048x128xi32> to vector<2048xi32>
    %broadcast_in_dim3A_28 = vector.shape_cast %reduce_min3A_27 : vector<2048xi32> to vector<2048x1xi32>
    %eq3A_29 = arith.constant 16 : i32
    %eq3A_30 = vector.broadcast %eq3A_29 : i32 to vector<2048x1xi32>
    %eq3A_31 = arith.cmpi eq, %broadcast_in_dim3A_28, %eq3A_30 : vector<2048x1xi32>
    %jit3A_32 = arith.constant 0.000000e+00 : f32
    %broadcast_in_dim3A_33 = vector.broadcast %jit3A_32 : f32 to vector<2048x1xf32>
    %select_n3A_34 = arith.select %eq3A_31, %broadcast_in_dim3A_33, %broadcast_in_dim3A_22 : vector<2048x1xi1>, vector<2048x1xf32>
    %eq3A_35 = vector.broadcast %broadcast_in_dim3A_28 : vector<2048x1xi32> to vector<2048x128xi32>
    %eq3A_36 = arith.cmpi eq, %iota3A, %eq3A_35 : vector<2048x128xi32>
    %convert_element_type3A = arith.extui %eq3A_36 : vector<2048x128xi1> to vector<2048x128xi32>
    %convert_element_type3A_37 = arith.sitofp %convert_element_type3A : vector<2048x128xi32> to vector<2048x128xf32>
    %iota3A_38 = tpu.iota {dimensions = array<i32: 0>} : vector<128x128xi32>
    %iota3A_39 = tpu.iota {dimensions = array<i32: 1>} : vector<128x128xi32>
    %ge3A = arith.cmpi sge, %iota3A_38, %iota3A_39 : vector<128x128xi32>
    %convert_element_type3A_40 = arith.extui %ge3A : vector<128x128xi1> to vector<128x128xi32>
    %convert_element_type3A_41 = arith.sitofp %convert_element_type3A_40 : vector<128x128xi32> to vector<128x128xf32>
    %broadcast_in_dim3A_42 = arith.constant 0.000000e+00 : f32
    %broadcast_in_dim3A_43 = vector.broadcast %broadcast_in_dim3A_42 : f32 to vector<1x128xf32>
    %slice3A = vector.extract_strided_slice %convert_element_type3A_37 {offsets = [0, 0], sizes = [128, 128], strides = [1, 1]} : vector<2048x128xf32> to vector<128x128xf32>
    %dot_general3A_44 = arith.constant dense<0.000000e+00> : vector<128x128xf32>
    %dot_general3A_45 = tpu.matmul %convert_element_type3A_41, %slice3A, %dot_general3A_44 {dimension_numbers = #tpu.dot_dimension_numbers<[1], [0], [0], [1], [0, 0, 1, 1], [], []>, transpose_lhs_hint = false} : vector<128x128xf32>, vector<128x128xf32>, vector<128x128xf32> -> vector<128x128xf32>
    %add3A = vector.broadcast %broadcast_in_dim3A_43 : vector<1x128xf32> to vector<128x128xf32>
    %add3A_46 = arith.addf %dot_general3A_45, %add3A : vector<128x128xf32>
    %reduce_sum3A_47 = arith.constant dense<0.000000e+00> : vector<128xf32>
    %reduce_sum3A_48 = vector.multi_reduction <add>, %slice3A, %reduce_sum3A_47 [0] : vector<128x128xf32> to vector<128xf32>
    %broadcast_in_dim3A_49 = vector.shape_cast %reduce_sum3A_48 : vector<128xf32> to vector<1x128xf32>
    %add3A_50 = arith.addf %broadcast_in_dim3A_43, %broadcast_in_dim3A_49 : vector<1x128xf32>
    %slice3A_51 = vector.extract_strided_slice %convert_element_type3A_37 {offsets = [128, 0], sizes = [128, 128], strides = [1, 1]} : vector<2048x128xf32> to vector<128x128xf32>
    %dot_general3A_52 = arith.constant dense<0.000000e+00> : vector<128x128xf32>
    %dot_general3A_53 = tpu.matmul %convert_element_type3A_41, %slice3A_51, %dot_general3A_52 {dimension_numbers = #tpu.dot_dimension_numbers<[1], [0], [0], [1], [0, 0, 1, 1], [], []>, transpose_lhs_hint = false} : vector<128x128xf32>, vector<128x128xf32>, vector<128x128xf32> -> vector<128x128xf32>
    %add3A_54 = vector.broadcast %add3A_50 : vector<1x128xf32> to vector<128x128xf32>
    %add3A_55 = arith.addf %dot_general3A_53, %add3A_54 : vector<128x128xf32>
    %reduce_sum3A_56 = arith.constant dense<0.000000e+00> : vector<128xf32>
    %reduce_sum3A_57 = vector.multi_reduction <add>, %slice3A_51, %reduce_sum3A_56 [0] : vector<128x128xf32> to vector<128xf32>
    %broadcast_in_dim3A_58 = vector.shape_cast %reduce_sum3A_57 : vector<128xf32> to vector<1x128xf32>
    %add3A_59 = arith.addf %add3A_50, %broadcast_in_dim3A_58 : vector<1x128xf32>
    %slice3A_60 = vector.extract_strided_slice %convert_element_type3A_37 {offsets = [256, 0], sizes = [128, 128], strides = [1, 1]} : vector<2048x128xf32> to vector<128x128xf32>
    %dot_general3A_61 = arith.constant dense<0.000000e+00> : vector<128x128xf32>
    %dot_general3A_62 = tpu.matmul %convert_element_type3A_41, %slice3A_60, %dot_general3A_61 {dimension_numbers = #tpu.dot_dimension_numbers<[1], [0], [0], [1], [0, 0, 1, 1], [], []>, transpose_lhs_hint = false} : vector<128x128xf32>, vector<128x128xf32>, vector<128x128xf32> -> vector<128x128xf32>
    %add3A_63 = vector.broadcast %add3A_59 : vector<1x128xf32> to vector<128x128xf32>
    %add3A_64 = arith.addf %dot_general3A_62, %add3A_63 : vector<128x128xf32>
    %reduce_sum3A_65 = arith.constant dense<0.000000e+00> : vector<128xf32>
    %reduce_sum3A_66 = vector.multi_reduction <add>, %slice3A_60, %reduce_sum3A_65 [0] : vector<128x128xf32> to vector<128xf32>
    %broadcast_in_dim3A_67 = vector.shape_cast %reduce_sum3A_66 : vector<128xf32> to vector<1x128xf32>
    %add3A_68 = arith.addf %add3A_59, %broadcast_in_dim3A_67 : vector<1x128xf32>
    %slice3A_69 = vector.extract_strided_slice %convert_element_type3A_37 {offsets = [384, 0], sizes = [128, 128], strides = [1, 1]} : vector<2048x128xf32> to vector<128x128xf32>
    %dot_general3A_70 = arith.constant dense<0.000000e+00> : vector<128x128xf32>
    %dot_general3A_71 = tpu.matmul %convert_element_type3A_41, %slice3A_69, %dot_general3A_70 {dimension_numbers = #tpu.dot_dimension_numbers<[1], [0], [0], [1], [0, 0, 1, 1], [], []>, transpose_lhs_hint = false} : vector<128x128xf32>, vector<128x128xf32>, vector<128x128xf32> -> vector<128x128xf32>
    %add3A_72 = vector.broadcast %add3A_68 : vector<1x128xf32> to vector<128x128xf32>
    %add3A_73 = arith.addf %dot_general3A_71, %add3A_72 : vector<128x128xf32>
    %reduce_sum3A_74 = arith.constant dense<0.000000e+00> : vector<128xf32>
    %reduce_sum3A_75 = vector.multi_reduction <add>, %slice3A_69, %reduce_sum3A_74 [0] : vector<128x128xf32> to vector<128xf32>
    %broadcast_in_dim3A_76 = vector.shape_cast %reduce_sum3A_75 : vector<128xf32> to vector<1x128xf32>
    %add3A_77 = arith.addf %add3A_68, %broadcast_in_dim3A_76 : vector<1x128xf32>
    %slice3A_78 = vector.extract_strided_slice %convert_element_type3A_37 {offsets = [512, 0], sizes = [128, 128], strides = [1, 1]} : vector<2048x128xf32> to vector<128x128xf32>
    %dot_general3A_79 = arith.constant dense<0.000000e+00> : vector<128x128xf32>
    %dot_general3A_80 = tpu.matmul %convert_element_type3A_41, %slice3A_78, %dot_general3A_79 {dimension_numbers = #tpu.dot_dimension_numbers<[1], [0], [0], [1], [0, 0, 1, 1], [], []>, transpose_lhs_hint = false} : vector<128x128xf32>, vector<128x128xf32>, vector<128x128xf32> -> vector<128x128xf32>
    %add3A_81 = vector.broadcast %add3A_77 : vector<1x128xf32> to vector<128x128xf32>
    %add3A_82 = arith.addf %dot_general3A_80, %add3A_81 : vector<128x128xf32>
    %reduce_sum3A_83 = arith.constant dense<0.000000e+00> : vector<128xf32>
    %reduce_sum3A_84 = vector.multi_reduction <add>, %slice3A_78, %reduce_sum3A_83 [0] : vector<128x128xf32> to vector<128xf32>
    %broadcast_in_dim3A_85 = vector.shape_cast %reduce_sum3A_84 : vector<128xf32> to vector<1x128xf32>
    %add3A_86 = arith.addf %add3A_77, %broadcast_in_dim3A_85 : vector<1x128xf32>
    %slice3A_87 = vector.extract_strided_slice %convert_element_type3A_37 {offsets = [640, 0], sizes = [128, 128], strides = [1, 1]} : vector<2048x128xf32> to vector<128x128xf32>
    %dot_general3A_88 = arith.constant dense<0.000000e+00> : vector<128x128xf32>
    %dot_general3A_89 = tpu.matmul %convert_element_type3A_41, %slice3A_87, %dot_general3A_88 {dimension_numbers = #tpu.dot_dimension_numbers<[1], [0], [0], [1], [0, 0, 1, 1], [], []>, transpose_lhs_hint = false} : vector<128x128xf32>, vector<128x128xf32>, vector<128x128xf32> -> vector<128x128xf32>
    %add3A_90 = vector.broadcast %add3A_86 : vector<1x128xf32> to vector<128x128xf32>
    %add3A_91 = arith.addf %dot_general3A_89, %add3A_90 : vector<128x128xf32>
    %reduce_sum3A_92 = arith.constant dense<0.000000e+00> : vector<128xf32>
    %reduce_sum3A_93 = vector.multi_reduction <add>, %slice3A_87, %reduce_sum3A_92 [0] : vector<128x128xf32> to vector<128xf32>
    %broadcast_in_dim3A_94 = vector.shape_cast %reduce_sum3A_93 : vector<128xf32> to vector<1x128xf32>
    %add3A_95 = arith.addf %add3A_86, %broadcast_in_dim3A_94 : vector<1x128xf32>
    %slice3A_96 = vector.extract_strided_slice %convert_element_type3A_37 {offsets = [768, 0], sizes = [128, 128], strides = [1, 1]} : vector<2048x128xf32> to vector<128x128xf32>
    %dot_general3A_97 = arith.constant dense<0.000000e+00> : vector<128x128xf32>
    %dot_general3A_98 = tpu.matmul %convert_element_type3A_41, %slice3A_96, %dot_general3A_97 {dimension_numbers = #tpu.dot_dimension_numbers<[1], [0], [0], [1], [0, 0, 1, 1], [], []>, transpose_lhs_hint = false} : vector<128x128xf32>, vector<128x128xf32>, vector<128x128xf32> -> vector<128x128xf32>
    %add3A_99 = vector.broadcast %add3A_95 : vector<1x128xf32> to vector<128x128xf32>
    %add3A_100 = arith.addf %dot_general3A_98, %add3A_99 : vector<128x128xf32>
    %reduce_sum3A_101 = arith.constant dense<0.000000e+00> : vector<128xf32>
    %reduce_sum3A_102 = vector.multi_reduction <add>, %slice3A_96, %reduce_sum3A_101 [0] : vector<128x128xf32> to vector<128xf32>
    %broadcast_in_dim3A_103 = vector.shape_cast %reduce_sum3A_102 : vector<128xf32> to vector<1x128xf32>
    %add3A_104 = arith.addf %add3A_95, %broadcast_in_dim3A_103 : vector<1x128xf32>
    %slice3A_105 = vector.extract_strided_slice %convert_element_type3A_37 {offsets = [896, 0], sizes = [128, 128], strides = [1, 1]} : vector<2048x128xf32> to vector<128x128xf32>
    %dot_general3A_106 = arith.constant dense<0.000000e+00> : vector<128x128xf32>
    %dot_general3A_107 = tpu.matmul %convert_element_type3A_41, %slice3A_105, %dot_general3A_106 {dimension_numbers = #tpu.dot_dimension_numbers<[1], [0], [0], [1], [0, 0, 1, 1], [], []>, transpose_lhs_hint = false} : vector<128x128xf32>, vector<128x128xf32>, vector<128x128xf32> -> vector<128x128xf32>
    %add3A_108 = vector.broadcast %add3A_104 : vector<1x128xf32> to vector<128x128xf32>
    %add3A_109 = arith.addf %dot_general3A_107, %add3A_108 : vector<128x128xf32>
    %reduce_sum3A_110 = arith.constant dense<0.000000e+00> : vector<128xf32>
    %reduce_sum3A_111 = vector.multi_reduction <add>, %slice3A_105, %reduce_sum3A_110 [0] : vector<128x128xf32> to vector<128xf32>
    %broadcast_in_dim3A_112 = vector.shape_cast %reduce_sum3A_111 : vector<128xf32> to vector<1x128xf32>
    %add3A_113 = arith.addf %add3A_104, %broadcast_in_dim3A_112 : vector<1x128xf32>
    %slice3A_114 = vector.extract_strided_slice %convert_element_type3A_37 {offsets = [1024, 0], sizes = [128, 128], strides = [1, 1]} : vector<2048x128xf32> to vector<128x128xf32>
    %dot_general3A_115 = arith.constant dense<0.000000e+00> : vector<128x128xf32>
    %dot_general3A_116 = tpu.matmul %convert_element_type3A_41, %slice3A_114, %dot_general3A_115 {dimension_numbers = #tpu.dot_dimension_numbers<[1], [0], [0], [1], [0, 0, 1, 1], [], []>, transpose_lhs_hint = false} : vector<128x128xf32>, vector<128x128xf32>, vector<128x128xf32> -> vector<128x128xf32>
    %add3A_117 = vector.broadcast %add3A_113 : vector<1x128xf32> to vector<128x128xf32>
    %add3A_118 = arith.addf %dot_general3A_116, %add3A_117 : vector<128x128xf32>
    %reduce_sum3A_119 = arith.constant dense<0.000000e+00> : vector<128xf32>
    %reduce_sum3A_120 = vector.multi_reduction <add>, %slice3A_114, %reduce_sum3A_119 [0] : vector<128x128xf32> to vector<128xf32>
    %broadcast_in_dim3A_121 = vector.shape_cast %reduce_sum3A_120 : vector<128xf32> to vector<1x128xf32>
    %add3A_122 = arith.addf %add3A_113, %broadcast_in_dim3A_121 : vector<1x128xf32>
    %slice3A_123 = vector.extract_strided_slice %convert_element_type3A_37 {offsets = [1152, 0], sizes = [128, 128], strides = [1, 1]} : vector<2048x128xf32> to vector<128x128xf32>
    %dot_general3A_124 = arith.constant dense<0.000000e+00> : vector<128x128xf32>
    %dot_general3A_125 = tpu.matmul %convert_element_type3A_41, %slice3A_123, %dot_general3A_124 {dimension_numbers = #tpu.dot_dimension_numbers<[1], [0], [0], [1], [0, 0, 1, 1], [], []>, transpose_lhs_hint = false} : vector<128x128xf32>, vector<128x128xf32>, vector<128x128xf32> -> vector<128x128xf32>
    %add3A_126 = vector.broadcast %add3A_122 : vector<1x128xf32> to vector<128x128xf32>
    %add3A_127 = arith.addf %dot_general3A_125, %add3A_126 : vector<128x128xf32>
    %reduce_sum3A_128 = arith.constant dense<0.000000e+00> : vector<128xf32>
    %reduce_sum3A_129 = vector.multi_reduction <add>, %slice3A_123, %reduce_sum3A_128 [0] : vector<128x128xf32> to vector<128xf32>
    %broadcast_in_dim3A_130 = vector.shape_cast %reduce_sum3A_129 : vector<128xf32> to vector<1x128xf32>
    %add3A_131 = arith.addf %add3A_122, %broadcast_in_dim3A_130 : vector<1x128xf32>
    %slice3A_132 = vector.extract_strided_slice %convert_element_type3A_37 {offsets = [1280, 0], sizes = [128, 128], strides = [1, 1]} : vector<2048x128xf32> to vector<128x128xf32>
    %dot_general3A_133 = arith.constant dense<0.000000e+00> : vector<128x128xf32>
    %dot_general3A_134 = tpu.matmul %convert_element_type3A_41, %slice3A_132, %dot_general3A_133 {dimension_numbers = #tpu.dot_dimension_numbers<[1], [0], [0], [1], [0, 0, 1, 1], [], []>, transpose_lhs_hint = false} : vector<128x128xf32>, vector<128x128xf32>, vector<128x128xf32> -> vector<128x128xf32>
    %add3A_135 = vector.broadcast %add3A_131 : vector<1x128xf32> to vector<128x128xf32>
    %add3A_136 = arith.addf %dot_general3A_134, %add3A_135 : vector<128x128xf32>
    %reduce_sum3A_137 = arith.constant dense<0.000000e+00> : vector<128xf32>
    %reduce_sum3A_138 = vector.multi_reduction <add>, %slice3A_132, %reduce_sum3A_137 [0] : vector<128x128xf32> to vector<128xf32>
    %broadcast_in_dim3A_139 = vector.shape_cast %reduce_sum3A_138 : vector<128xf32> to vector<1x128xf32>
    %add3A_140 = arith.addf %add3A_131, %broadcast_in_dim3A_139 : vector<1x128xf32>
    %slice3A_141 = vector.extract_strided_slice %convert_element_type3A_37 {offsets = [1408, 0], sizes = [128, 128], strides = [1, 1]} : vector<2048x128xf32> to vector<128x128xf32>
    %dot_general3A_142 = arith.constant dense<0.000000e+00> : vector<128x128xf32>
    %dot_general3A_143 = tpu.matmul %convert_element_type3A_41, %slice3A_141, %dot_general3A_142 {dimension_numbers = #tpu.dot_dimension_numbers<[1], [0], [0], [1], [0, 0, 1, 1], [], []>, transpose_lhs_hint = false} : vector<128x128xf32>, vector<128x128xf32>, vector<128x128xf32> -> vector<128x128xf32>
    %add3A_144 = vector.broadcast %add3A_140 : vector<1x128xf32> to vector<128x128xf32>
    %add3A_145 = arith.addf %dot_general3A_143, %add3A_144 : vector<128x128xf32>
    %reduce_sum3A_146 = arith.constant dense<0.000000e+00> : vector<128xf32>
    %reduce_sum3A_147 = vector.multi_reduction <add>, %slice3A_141, %reduce_sum3A_146 [0] : vector<128x128xf32> to vector<128xf32>
    %broadcast_in_dim3A_148 = vector.shape_cast %reduce_sum3A_147 : vector<128xf32> to vector<1x128xf32>
    %add3A_149 = arith.addf %add3A_140, %broadcast_in_dim3A_148 : vector<1x128xf32>
    %slice3A_150 = vector.extract_strided_slice %convert_element_type3A_37 {offsets = [1536, 0], sizes = [128, 128], strides = [1, 1]} : vector<2048x128xf32> to vector<128x128xf32>
    %dot_general3A_151 = arith.constant dense<0.000000e+00> : vector<128x128xf32>
    %dot_general3A_152 = tpu.matmul %convert_element_type3A_41, %slice3A_150, %dot_general3A_151 {dimension_numbers = #tpu.dot_dimension_numbers<[1], [0], [0], [1], [0, 0, 1, 1], [], []>, transpose_lhs_hint = false} : vector<128x128xf32>, vector<128x128xf32>, vector<128x128xf32> -> vector<128x128xf32>
    %add3A_153 = vector.broadcast %add3A_149 : vector<1x128xf32> to vector<128x128xf32>
    %add3A_154 = arith.addf %dot_general3A_152, %add3A_153 : vector<128x128xf32>
    %reduce_sum3A_155 = arith.constant dense<0.000000e+00> : vector<128xf32>
    %reduce_sum3A_156 = vector.multi_reduction <add>, %slice3A_150, %reduce_sum3A_155 [0] : vector<128x128xf32> to vector<128xf32>
    %broadcast_in_dim3A_157 = vector.shape_cast %reduce_sum3A_156 : vector<128xf32> to vector<1x128xf32>
    %add3A_158 = arith.addf %add3A_149, %broadcast_in_dim3A_157 : vector<1x128xf32>
    %slice3A_159 = vector.extract_strided_slice %convert_element_type3A_37 {offsets = [1664, 0], sizes = [128, 128], strides = [1, 1]} : vector<2048x128xf32> to vector<128x128xf32>
    %dot_general3A_160 = arith.constant dense<0.000000e+00> : vector<128x128xf32>
    %dot_general3A_161 = tpu.matmul %convert_element_type3A_41, %slice3A_159, %dot_general3A_160 {dimension_numbers = #tpu.dot_dimension_numbers<[1], [0], [0], [1], [0, 0, 1, 1], [], []>, transpose_lhs_hint = false} : vector<128x128xf32>, vector<128x128xf32>, vector<128x128xf32> -> vector<128x128xf32>
    %add3A_162 = vector.broadcast %add3A_158 : vector<1x128xf32> to vector<128x128xf32>
    %add3A_163 = arith.addf %dot_general3A_161, %add3A_162 : vector<128x128xf32>
    %reduce_sum3A_164 = arith.constant dense<0.000000e+00> : vector<128xf32>
    %reduce_sum3A_165 = vector.multi_reduction <add>, %slice3A_159, %reduce_sum3A_164 [0] : vector<128x128xf32> to vector<128xf32>
    %broadcast_in_dim3A_166 = vector.shape_cast %reduce_sum3A_165 : vector<128xf32> to vector<1x128xf32>
    %add3A_167 = arith.addf %add3A_158, %broadcast_in_dim3A_166 : vector<1x128xf32>
    %slice3A_168 = vector.extract_strided_slice %convert_element_type3A_37 {offsets = [1792, 0], sizes = [128, 128], strides = [1, 1]} : vector<2048x128xf32> to vector<128x128xf32>
    %dot_general3A_169 = arith.constant dense<0.000000e+00> : vector<128x128xf32>
    %dot_general3A_170 = tpu.matmul %convert_element_type3A_41, %slice3A_168, %dot_general3A_169 {dimension_numbers = #tpu.dot_dimension_numbers<[1], [0], [0], [1], [0, 0, 1, 1], [], []>, transpose_lhs_hint = false} : vector<128x128xf32>, vector<128x128xf32>, vector<128x128xf32> -> vector<128x128xf32>
    %add3A_171 = vector.broadcast %add3A_167 : vector<1x128xf32> to vector<128x128xf32>
    %add3A_172 = arith.addf %dot_general3A_170, %add3A_171 : vector<128x128xf32>
    %reduce_sum3A_173 = arith.constant dense<0.000000e+00> : vector<128xf32>
    %reduce_sum3A_174 = vector.multi_reduction <add>, %slice3A_168, %reduce_sum3A_173 [0] : vector<128x128xf32> to vector<128xf32>
    %broadcast_in_dim3A_175 = vector.shape_cast %reduce_sum3A_174 : vector<128xf32> to vector<1x128xf32>
    %add3A_176 = arith.addf %add3A_167, %broadcast_in_dim3A_175 : vector<1x128xf32>
    %slice3A_177 = vector.extract_strided_slice %convert_element_type3A_37 {offsets = [1920, 0], sizes = [128, 128], strides = [1, 1]} : vector<2048x128xf32> to vector<128x128xf32>
    %dot_general3A_178 = arith.constant dense<0.000000e+00> : vector<128x128xf32>
    %dot_general3A_179 = tpu.matmul %convert_element_type3A_41, %slice3A_177, %dot_general3A_178 {dimension_numbers = #tpu.dot_dimension_numbers<[1], [0], [0], [1], [0, 0, 1, 1], [], []>, transpose_lhs_hint = false} : vector<128x128xf32>, vector<128x128xf32>, vector<128x128xf32> -> vector<128x128xf32>
    %add3A_180 = vector.broadcast %add3A_176 : vector<1x128xf32> to vector<128x128xf32>
    %add3A_181 = arith.addf %dot_general3A_179, %add3A_180 : vector<128x128xf32>
    %reduce_sum3A_182 = arith.constant dense<0.000000e+00> : vector<128xf32>
    %reduce_sum3A_183 = vector.multi_reduction <add>, %slice3A_177, %reduce_sum3A_182 [0] : vector<128x128xf32> to vector<128xf32>
    %broadcast_in_dim3A_184 = vector.shape_cast %reduce_sum3A_183 : vector<128xf32> to vector<1x128xf32>
    %add3A_185 = arith.addf %add3A_176, %broadcast_in_dim3A_184 : vector<1x128xf32>
    %concatenate3A = tpu.concatenate %add3A_46, %add3A_55, %add3A_64, %add3A_73, %add3A_82, %add3A_91, %add3A_100, %add3A_109, %add3A_118, %add3A_127, %add3A_136, %add3A_145, %add3A_154, %add3A_163, %add3A_172, %add3A_181 in 0 : vector<128x128xf32>, vector<128x128xf32>, vector<128x128xf32>, vector<128x128xf32>, vector<128x128xf32>, vector<128x128xf32>, vector<128x128xf32>, vector<128x128xf32>, vector<128x128xf32>, vector<128x128xf32>, vector<128x128xf32>, vector<128x128xf32>, vector<128x128xf32>, vector<128x128xf32>, vector<128x128xf32>, vector<128x128xf32> -> vector<2048x128xf32>
    %iota3A_186 = tpu.iota {dimensions = array<i32: 1>} : vector<1x128xi32>
    %lt3A_187 = arith.constant 17 : i32
    %lt3A_188 = vector.broadcast %lt3A_187 : i32 to vector<1x128xi32>
    %lt3A_189 = arith.cmpi slt, %iota3A_186, %lt3A_188 : vector<1x128xi32>
    %div3A_190 = arith.constant 1.280000e+02 : f32
    %div3A_191 = vector.broadcast %div3A_190 : f32 to vector<1x128xf32>
    %div3A_192 = arith.divf %add3A_185, %div3A_191 : vector<1x128xf32>
    %ceil3A = math.ceil %div3A_192 : vector<1x128xf32>
    %mul3A_193 = arith.constant 1.280000e+02 : f32
    %mul3A_194 = vector.broadcast %mul3A_193 : f32 to vector<1x128xf32>
    %mul3A_195 = arith.mulf %ceil3A, %mul3A_194 : vector<1x128xf32>
    %jit3A_196 = arith.constant 0.000000e+00 : f32
    %broadcast_in_dim3A_197 = vector.broadcast %jit3A_196 : f32 to vector<1x128xf32>
    %select_n3A_198 = arith.select %lt3A_189, %mul3A_195, %broadcast_in_dim3A_197 : vector<1x128xi1>, vector<1x128xf32>
    %lt3A_199 = arith.cmpi slt, %iota3A_38, %iota3A_39 : vector<128x128xi32>
    %convert_element_type3A_200 = arith.extui %lt3A_199 : vector<128x128xi1> to vector<128x128xi32>
    %convert_element_type3A_201 = arith.sitofp %convert_element_type3A_200 : vector<128x128xi32> to vector<128x128xf32>
    %dot_general3A_202 = arith.constant dense<0.000000e+00> : vector<1x128xf32>
    %dot_general3A_203 = tpu.matmul %select_n3A_198, %convert_element_type3A_201, %dot_general3A_202 {dimension_numbers = #tpu.dot_dimension_numbers<[1], [0], [0], [1], [0, 0, 1, 1], [], []>, precision = #tpu.contract_precision<fp32>, transpose_lhs_hint = false} : vector<1x128xf32>, vector<128x128xf32>, vector<1x128xf32> -> vector<1x128xf32>
    %mul3A_204 = arith.mulf %concatenate3A, %convert_element_type3A_37 : vector<2048x128xf32>
    %reduce_sum3A_205 = arith.constant dense<0.000000e+00> : vector<2048xf32>
    %reduce_sum3A_206 = vector.multi_reduction <add>, %mul3A_204, %reduce_sum3A_205 [1] : vector<2048x128xf32> to vector<2048xf32>
    %broadcast_in_dim3A_207 = vector.shape_cast %reduce_sum3A_206 : vector<2048xf32> to vector<2048x1xf32>
    %sub3A_208 = arith.constant 1.000000e+00 : f32
    %sub3A_209 = vector.broadcast %sub3A_208 : f32 to vector<2048x1xf32>
    %sub3A_210 = arith.subf %broadcast_in_dim3A_207, %sub3A_209 : vector<2048x1xf32>
    %mul3A_211 = vector.broadcast %dot_general3A_203 : vector<1x128xf32> to vector<2048x128xf32>
    %mul3A_212 = arith.mulf %mul3A_211, %convert_element_type3A_37 : vector<2048x128xf32>
    %reduce_sum3A_213 = arith.constant dense<0.000000e+00> : vector<2048xf32>
    %reduce_sum3A_214 = vector.multi_reduction <add>, %mul3A_212, %reduce_sum3A_213 [1] : vector<2048x128xf32> to vector<2048xf32>
    %broadcast_in_dim3A_215 = vector.shape_cast %reduce_sum3A_214 : vector<2048xf32> to vector<2048x1xf32>
    %add3A_216 = arith.addf %broadcast_in_dim3A_215, %sub3A_210 : vector<2048x1xf32>
    %convert_element_type3A_217 = arith.fptosi %add3A_216 : vector<2048x1xf32> to vector<2048x1xi32>
    %add3A_218 = arith.addf %dot_general3A_203, %select_n3A_198 : vector<1x128xf32>
    %convert_element_type3A_219 = arith.sitofp %iota3A_38 : vector<128x128xi32> to vector<128x128xf32>
    %mul3A_220 = arith.constant 1.280000e+02 : f32
    %mul3A_221 = vector.broadcast %mul3A_220 : f32 to vector<128x128xf32>
    %mul3A_222 = arith.mulf %convert_element_type3A_219, %mul3A_221 : vector<128x128xf32>
    %broadcast_in_dim3A_223 = vector.shape_cast %add3A_218 : vector<1x128xf32> to vector<1x128xf32>
    %broadcast_in_dim3A_224 = vector.broadcast %broadcast_in_dim3A_223 : vector<1x128xf32> to vector<128x128xf32>
    %le3A = arith.cmpf ole, %broadcast_in_dim3A_224, %mul3A_222 : vector<128x128xf32>
    %lt3A_225 = arith.constant 17 : i32
    %lt3A_226 = vector.broadcast %lt3A_225 : i32 to vector<128x128xi32>
    %lt3A_227 = arith.cmpi slt, %iota3A_39, %lt3A_226 : vector<128x128xi32>
    %and3A = arith.andi %le3A, %lt3A_227 : vector<128x128xi1>
    %convert_element_type3A_228 = arith.extui %and3A : vector<128x128xi1> to vector<128x128xi32>
    %reduce_sum3A_229 = arith.constant dense<0> : vector<128xi32>
    %reduce_sum3A_230 = vector.multi_reduction <add>, %convert_element_type3A_228, %reduce_sum3A_229 [1] : vector<128x128xi32> to vector<128xi32>
    %broadcast_in_dim3A_231 = vector.shape_cast %reduce_sum3A_230 : vector<128xi32> to vector<128x1xi32>
    %min3A = arith.constant 15 : i32
    %min3A_232 = vector.broadcast %min3A : i32 to vector<128x1xi32>
    %min3A_233 = arith.minsi %broadcast_in_dim3A_231, %min3A_232 : vector<128x1xi32>
    %iota3A_234 = tpu.iota {dimensions = array<i32: 1>} : vector<1x128xi32>
    %jit3A_235 = arith.constant 128 : i32
    %div3A_236 = vector.broadcast %jit3A_235 : i32 to vector<2048x1xi32>
    %div3A_237 = arith.divsi %convert_element_type3A_217, %div3A_236 : vector<2048x1xi32>
    %sign3A = arith.constant 0 : i32
    %sign3A_238 = vector.broadcast %sign3A : i32 to vector<2048x1xi32>
    %sign3A_239 = arith.cmpi sgt, %convert_element_type3A_217, %sign3A_238 : vector<2048x1xi32>
    %sign3A_240 = arith.extui %sign3A_239 : vector<2048x1xi1> to vector<2048x1xi32>
    %sign3A_241 = arith.constant 0 : i32
    %sign3A_242 = vector.broadcast %sign3A_241 : i32 to vector<2048x1xi32>
    %sign3A_243 = arith.cmpi slt, %convert_element_type3A_217, %sign3A_242 : vector<2048x1xi32>
    %sign3A_244 = arith.extui %sign3A_243 : vector<2048x1xi1> to vector<2048x1xi32>
    %sign3A_245 = arith.subi %sign3A_240, %sign3A_244 : vector<2048x1xi32>
    %sign3A_246 = arith.constant 0 : i32
    %sign3A_247 = arith.cmpi sgt, %jit3A_235, %sign3A_246 : i32
    %sign3A_248 = arith.extui %sign3A_247 : i1 to i32
    %sign3A_249 = arith.constant 0 : i32
    %sign3A_250 = arith.cmpi slt, %jit3A_235, %sign3A_249 : i32
    %sign3A_251 = arith.extui %sign3A_250 : i1 to i32
    %sign3A_252 = arith.subi %sign3A_248, %sign3A_251 : i32
    %ne3A = vector.broadcast %sign3A_252 : i32 to vector<2048x1xi32>
    %ne3A_253 = arith.cmpi ne, %sign3A_245, %ne3A : vector<2048x1xi32>
    %rem3A = vector.broadcast %jit3A_235 : i32 to vector<2048x1xi32>
    %rem3A_254 = arith.remsi %convert_element_type3A_217, %rem3A : vector<2048x1xi32>
    %ne3A_255 = arith.constant 0 : i32
    %ne3A_256 = vector.broadcast %ne3A_255 : i32 to vector<2048x1xi32>
    %ne3A_257 = arith.cmpi ne, %rem3A_254, %ne3A_256 : vector<2048x1xi32>
    %and3A_258 = arith.andi %ne3A_253, %ne3A_257 : vector<2048x1xi1>
    %sub3A_259 = arith.constant 1 : i32
    %sub3A_260 = vector.broadcast %sub3A_259 : i32 to vector<2048x1xi32>
    %sub3A_261 = arith.subi %div3A_237, %sub3A_260 : vector<2048x1xi32>
    %select_n3A_262 = arith.select %and3A_258, %sub3A_261, %div3A_237 : vector<2048x1xi1>, vector<2048x1xi32>
    %mul3A_263 = arith.constant 128 : i32
    %mul3A_264 = vector.broadcast %mul3A_263 : i32 to vector<2048x1xi32>
    %mul3A_265 = arith.muli %select_n3A_262, %mul3A_264 : vector<2048x1xi32>
    %sub3A_266 = arith.subi %convert_element_type3A_217, %mul3A_265 : vector<2048x1xi32>
    %eq3A_267 = vector.broadcast %select_n3A_262 : vector<2048x1xi32> to vector<2048x128xi32>
    %eq3A_268 = vector.broadcast %iota3A_234 : vector<1x128xi32> to vector<2048x128xi32>
    %eq3A_269 = arith.cmpi eq, %eq3A_267, %eq3A_268 : vector<2048x128xi32>
    %convert_element_type3A_270 = arith.extui %eq3A_269 : vector<2048x128xi1> to vector<2048x128xi32>
    %convert_element_type3A_271 = arith.sitofp %convert_element_type3A_270 : vector<2048x128xi32> to vector<2048x128xf32>
    %eq3A_272 = vector.broadcast %sub3A_266 : vector<2048x1xi32> to vector<2048x128xi32>
    %eq3A_273 = vector.broadcast %iota3A_234 : vector<1x128xi32> to vector<2048x128xi32>
    %eq3A_274 = arith.cmpi eq, %eq3A_272, %eq3A_273 : vector<2048x128xi32>
    %convert_element_type3A_275 = arith.extui %eq3A_274 : vector<2048x128xi1> to vector<2048x128xi32>
    %convert_element_type3A_276 = arith.sitofp %convert_element_type3A_275 : vector<2048x128xi32> to vector<2048x128xf32>
    %iota3A_277 = tpu.iota {dimensions = array<i32: 0>} : vector<2048x1xi32>
    %jit3A_278 = arith.constant 16 : i32
    %div3A_279 = vector.broadcast %jit3A_278 : i32 to vector<2048x1xi32>
    %div3A_280 = arith.divsi %iota3A_277, %div3A_279 : vector<2048x1xi32>
    %sign3A_281 = arith.constant 0 : i32
    %sign3A_282 = vector.broadcast %sign3A_281 : i32 to vector<2048x1xi32>
    %sign3A_283 = arith.cmpi sgt, %iota3A_277, %sign3A_282 : vector<2048x1xi32>
    %sign3A_284 = arith.extui %sign3A_283 : vector<2048x1xi1> to vector<2048x1xi32>
    %sign3A_285 = arith.constant 0 : i32
    %sign3A_286 = vector.broadcast %sign3A_285 : i32 to vector<2048x1xi32>
    %sign3A_287 = arith.cmpi slt, %iota3A_277, %sign3A_286 : vector<2048x1xi32>
    %sign3A_288 = arith.extui %sign3A_287 : vector<2048x1xi1> to vector<2048x1xi32>
    %sign3A_289 = arith.subi %sign3A_284, %sign3A_288 : vector<2048x1xi32>
    %sign3A_290 = arith.constant 0 : i32
    %sign3A_291 = arith.cmpi sgt, %jit3A_278, %sign3A_290 : i32
    %sign3A_292 = arith.extui %sign3A_291 : i1 to i32
    %sign3A_293 = arith.constant 0 : i32
    %sign3A_294 = arith.cmpi slt, %jit3A_278, %sign3A_293 : i32
    %sign3A_295 = arith.extui %sign3A_294 : i1 to i32
    %sign3A_296 = arith.subi %sign3A_292, %sign3A_295 : i32
    %ne3A_297 = vector.broadcast %sign3A_296 : i32 to vector<2048x1xi32>
    %ne3A_298 = arith.cmpi ne, %sign3A_289, %ne3A_297 : vector<2048x1xi32>
    %rem3A_299 = vector.broadcast %jit3A_278 : i32 to vector<2048x1xi32>
    %rem3A_300 = arith.remsi %iota3A_277, %rem3A_299 : vector<2048x1xi32>
    %ne3A_301 = arith.constant 0 : i32
    %ne3A_302 = vector.broadcast %ne3A_301 : i32 to vector<2048x1xi32>
    %ne3A_303 = arith.cmpi ne, %rem3A_300, %ne3A_302 : vector<2048x1xi32>
    %and3A_304 = arith.andi %ne3A_298, %ne3A_303 : vector<2048x1xi1>
    %sub3A_305 = arith.constant 1 : i32
    %sub3A_306 = vector.broadcast %sub3A_305 : i32 to vector<2048x1xi32>
    %sub3A_307 = arith.subi %div3A_280, %sub3A_306 : vector<2048x1xi32>
    %select_n3A_308 = arith.select %and3A_304, %sub3A_307, %div3A_280 : vector<2048x1xi1>, vector<2048x1xi32>
    %convert_element_type3A_309 = arith.sitofp %select_n3A_308 : vector<2048x1xi32> to vector<2048x1xf32>
    %jit3A_310 = arith.constant 16 : i32
    %div3A_311 = vector.broadcast %jit3A_310 : i32 to vector<2048x1xi32>
    %div3A_312 = arith.divsi %iota3A_277, %div3A_311 : vector<2048x1xi32>
    %sign3A_313 = arith.constant 0 : i32
    %sign3A_314 = vector.broadcast %sign3A_313 : i32 to vector<2048x1xi32>
    %sign3A_315 = arith.cmpi sgt, %iota3A_277, %sign3A_314 : vector<2048x1xi32>
    %sign3A_316 = arith.extui %sign3A_315 : vector<2048x1xi1> to vector<2048x1xi32>
    %sign3A_317 = arith.constant 0 : i32
    %sign3A_318 = vector.broadcast %sign3A_317 : i32 to vector<2048x1xi32>
    %sign3A_319 = arith.cmpi slt, %iota3A_277, %sign3A_318 : vector<2048x1xi32>
    %sign3A_320 = arith.extui %sign3A_319 : vector<2048x1xi1> to vector<2048x1xi32>
    %sign3A_321 = arith.subi %sign3A_316, %sign3A_320 : vector<2048x1xi32>
    %sign3A_322 = arith.constant 0 : i32
    %sign3A_323 = arith.cmpi sgt, %jit3A_310, %sign3A_322 : i32
    %sign3A_324 = arith.extui %sign3A_323 : i1 to i32
    %sign3A_325 = arith.constant 0 : i32
    %sign3A_326 = arith.cmpi slt, %jit3A_310, %sign3A_325 : i32
    %sign3A_327 = arith.extui %sign3A_326 : i1 to i32
    %sign3A_328 = arith.subi %sign3A_324, %sign3A_327 : i32
    %ne3A_329 = vector.broadcast %sign3A_328 : i32 to vector<2048x1xi32>
    %ne3A_330 = arith.cmpi ne, %sign3A_321, %ne3A_329 : vector<2048x1xi32>
    %rem3A_331 = vector.broadcast %jit3A_310 : i32 to vector<2048x1xi32>
    %rem3A_332 = arith.remsi %iota3A_277, %rem3A_331 : vector<2048x1xi32>
    %ne3A_333 = arith.constant 0 : i32
    %ne3A_334 = vector.broadcast %ne3A_333 : i32 to vector<2048x1xi32>
    %ne3A_335 = arith.cmpi ne, %rem3A_332, %ne3A_334 : vector<2048x1xi32>
    %and3A_336 = arith.andi %ne3A_330, %ne3A_335 : vector<2048x1xi1>
    %sub3A_337 = arith.constant 1 : i32
    %sub3A_338 = vector.broadcast %sub3A_337 : i32 to vector<2048x1xi32>
    %sub3A_339 = arith.subi %div3A_312, %sub3A_338 : vector<2048x1xi32>
    %select_n3A_340 = arith.select %and3A_336, %sub3A_339, %div3A_312 : vector<2048x1xi1>, vector<2048x1xi32>
    %mul3A_341 = arith.constant 16 : i32
    %mul3A_342 = vector.broadcast %mul3A_341 : i32 to vector<2048x1xi32>
    %mul3A_343 = arith.muli %select_n3A_340, %mul3A_342 : vector<2048x1xi32>
    %sub3A_344 = arith.subi %iota3A_277, %mul3A_343 : vector<2048x1xi32>
    %convert_element_type3A_345 = arith.sitofp %sub3A_344 : vector<2048x1xi32> to vector<2048x1xf32>
    %convert_element_type3A_346 = arith.truncf %select_n3A_34 : vector<2048x1xf32> to vector<2048x1xbf16>
    %convert_element_type3A_347 = arith.extf %convert_element_type3A_346 : vector<2048x1xbf16> to vector<2048x1xf32>
    %sub3A_348 = arith.subf %select_n3A_34, %convert_element_type3A_347 : vector<2048x1xf32>
    %mul3A_349 = vector.broadcast %convert_element_type3A_309 : vector<2048x1xf32> to vector<2048x128xf32>
    %mul3A_350 = arith.mulf %convert_element_type3A_276, %mul3A_349 : vector<2048x128xf32>
    %dot_general3A_351 = arith.constant dense<0.000000e+00> : vector<128x128xf32>
    %dot_general3A_352 = tpu.matmul %convert_element_type3A_271, %mul3A_350, %dot_general3A_351 {dimension_numbers = #tpu.dot_dimension_numbers<[0], [0], [1], [1], [0, 1, 1, 1], [], []>, transpose_lhs_hint = false} : vector<2048x128xf32>, vector<2048x128xf32>, vector<128x128xf32> -> vector<128x128xf32>
    %mul3A_353 = vector.broadcast %convert_element_type3A_345 : vector<2048x1xf32> to vector<2048x128xf32>
    %mul3A_354 = arith.mulf %convert_element_type3A_276, %mul3A_353 : vector<2048x128xf32>
    %dot_general3A_355 = arith.constant dense<0.000000e+00> : vector<128x128xf32>
    %dot_general3A_356 = tpu.matmul %convert_element_type3A_271, %mul3A_354, %dot_general3A_355 {dimension_numbers = #tpu.dot_dimension_numbers<[0], [0], [1], [1], [0, 1, 1, 1], [], []>, transpose_lhs_hint = false} : vector<2048x128xf32>, vector<2048x128xf32>, vector<128x128xf32> -> vector<128x128xf32>
    %dot_general3A_357 = arith.constant dense<0.000000e+00> : vector<128x128xf32>
    %dot_general3A_358 = tpu.matmul %convert_element_type3A_271, %convert_element_type3A_276, %dot_general3A_357 {dimension_numbers = #tpu.dot_dimension_numbers<[0], [0], [1], [1], [0, 1, 1, 1], [], []>, transpose_lhs_hint = false} : vector<2048x128xf32>, vector<2048x128xf32>, vector<128x128xf32> -> vector<128x128xf32>
    %mul3A_359 = vector.broadcast %convert_element_type3A_347 : vector<2048x1xf32> to vector<2048x128xf32>
    %mul3A_360 = arith.mulf %convert_element_type3A_276, %mul3A_359 : vector<2048x128xf32>
    %dot_general3A_361 = arith.constant dense<0.000000e+00> : vector<128x128xf32>
    %dot_general3A_362 = tpu.matmul %convert_element_type3A_271, %mul3A_360, %dot_general3A_361 {dimension_numbers = #tpu.dot_dimension_numbers<[0], [0], [1], [1], [0, 1, 1, 1], [], []>, transpose_lhs_hint = false} : vector<2048x128xf32>, vector<2048x128xf32>, vector<128x128xf32> -> vector<128x128xf32>
    %mul3A_363 = vector.broadcast %sub3A_348 : vector<2048x1xf32> to vector<2048x128xf32>
    %mul3A_364 = arith.mulf %convert_element_type3A_276, %mul3A_363 : vector<2048x128xf32>
    %dot_general3A_365 = arith.constant dense<0.000000e+00> : vector<128x128xf32>
    %dot_general3A_366 = tpu.matmul %convert_element_type3A_271, %mul3A_364, %dot_general3A_365 {dimension_numbers = #tpu.dot_dimension_numbers<[0], [0], [1], [1], [0, 1, 1, 1], [], []>, transpose_lhs_hint = false} : vector<2048x128xf32>, vector<2048x128xf32>, vector<128x128xf32> -> vector<128x128xf32>
    %mul3A_367 = arith.constant 1.600000e+01 : f32
    %mul3A_368 = vector.broadcast %mul3A_367 : f32 to vector<128x128xf32>
    %mul3A_369 = arith.mulf %dot_general3A_352, %mul3A_368 : vector<128x128xf32>
    %add3A_370 = arith.addf %mul3A_369, %dot_general3A_356 : vector<128x128xf32>
    %sub3A_371 = arith.constant 1.000000e+00 : f32
    %sub3A_372 = vector.broadcast %sub3A_371 : f32 to vector<128x128xf32>
    %sub3A_373 = arith.subf %sub3A_372, %dot_general3A_358 : vector<128x128xf32>
    %mul3A_374 = arith.constant 2.048000e+03 : f32
    %mul3A_375 = vector.broadcast %mul3A_374 : f32 to vector<128x128xf32>
    %mul3A_376 = arith.mulf %mul3A_375, %sub3A_373 : vector<128x128xf32>
    %add3A_377 = arith.addf %add3A_370, %mul3A_376 : vector<128x128xf32>
    %add3A_378 = arith.addf %dot_general3A_362, %dot_general3A_366 : vector<128x128xf32>
    %convert_element_type3A_379 = arith.fptosi %add3A_377 : vector<128x128xf32> to vector<128x128xi32>
    %swap3A = arith.constant 0 : index
    %swap3A_380 = arith.constant 0 : index
    %swap3A_381 = vector.load %arg5[%swap3A, %swap3A_380] : memref<128x128xi32, #tpu.memory_space<vmem>>, vector<128x128xi32>
    tpu.vector_store %arg5[%swap3A, %swap3A_380], %convert_element_type3A_379 {strides = array<i32>} : memref<128x128xi32, #tpu.memory_space<vmem>>, vector<128x128xi32>,
    %swap3A_382 = arith.constant 0 : index
    %swap3A_383 = arith.constant 0 : index
    %swap3A_384 = vector.load %arg6[%swap3A_382, %swap3A_383] : memref<128x128xf32, #tpu.memory_space<vmem>>, vector<128x128xf32>
    tpu.vector_store %arg6[%swap3A_382, %swap3A_383], %add3A_378 {strides = array<i32>} : memref<128x128xf32, #tpu.memory_space<vmem>>, vector<128x128xf32>,
    %swap3A_385 = arith.constant 0 : index
    %swap3A_386 = arith.constant 0 : index
    %swap3A_387 = vector.load %arg3[%swap3A_385, %swap3A_386] : memref<2048x128xf32, #tpu.memory_space<vmem>>, vector<2048x128xf32>
    tpu.vector_store %arg3[%swap3A_385, %swap3A_386], %mul3A {strides = array<i32>} : memref<2048x128xf32, #tpu.memory_space<vmem>>, vector<2048x128xf32>,
    %swap3A_388 = arith.constant 0 : index
    %swap3A_389 = arith.constant 0 : index
    %swap3A_390 = vector.load %arg4[%swap3A_388, %swap3A_389] : memref<2048x1xi32, #tpu.memory_space<vmem>>, vector<2048x1xi32>
    tpu.vector_store %arg4[%swap3A_388, %swap3A_389], %broadcast_in_dim3A_28 {strides = array<i32>} : memref<2048x1xi32, #tpu.memory_space<vmem>>, vector<2048x1xi32>,
    %swap3A_391 = arith.constant 0 : index
    %swap3A_392 = arith.constant 0 : index
    %swap3A_393 = vector.load %arg7[%swap3A_391, %swap3A_392] : memref<128x1xi32, #tpu.memory_space<vmem>>, vector<128x1xi32>
    tpu.vector_store %arg7[%swap3A_391, %swap3A_392], %min3A_233 {strides = array<i32>} : memref<128x1xi32, #tpu.memory_space<vmem>>, vector<128x1xi32>,
    return
  }
}

module attributes {stable_mosaic.version = 14 : i64} {
  func.func @_mlp_body(%arg0: i32, %arg1: memref<128xi32, #tpu.memory_space<smem>>, %arg2: memref<128x768xf32, #tpu.memory_space<vmem>>, %arg3: memref<1x768x256xf32, #tpu.memory_space<vmem>>, %arg4: memref<1x256x768xf32, #tpu.memory_space<vmem>>, %arg5: memref<1x128x1xf32, #tpu.memory_space<vmem>>, %arg6: memref<128x768xf32, #tpu.memory_space<vmem>>) attributes {dimension_semantics = [#tpu.dimension_semantics<arbitrary>], iteration_bounds = array<i64: 33>, scalar_prefetch = 1 : i64, scratch_operands = 0 : i64, tpu.core_type = #tpu.core_type<tc>, window_params = [{transform_indices = @transform_0, window_bounds = array<i64: 128, 768>}, {transform_indices = @transform_1, window_bounds = array<i64: 1, 768, 256>}, {transform_indices = @transform_2, window_bounds = array<i64: 1, 256, 768>}, {transform_indices = @transform_3, window_bounds = array<i64: 1, 128, 1>}, {transform_indices = @transform_4, window_bounds = array<i64: 128, 768>}]} {
    %get3A = arith.constant 0 : index
    %get3A_0 = arith.constant 0 : index
    %get3A_1 = vector.load %arg2[%get3A, %get3A_0] : memref<128x768xf32, #tpu.memory_space<vmem>>, vector<128x768xf32>
    %get3A_2 = arith.constant 0 : index
    %get3A_3 = arith.constant 0 : index
    %get3A_4 = arith.constant 0 : index
    %get3A_5 = vector.load %arg3[%get3A_2, %get3A_3, %get3A_4] : memref<1x768x256xf32, #tpu.memory_space<vmem>>, vector<1x768x256xf32>
    %get3A_6 = vector.shape_cast %get3A_5 : vector<1x768x256xf32> to vector<768x256xf32>
    %dot_general3A = arith.constant dense<0.000000e+00> : vector<128x256xf32>
    %dot_general3A_7 = tpu.matmul %get3A_1, %get3A_6, %dot_general3A {dimension_numbers = #tpu.dot_dimension_numbers<[1], [0], [0], [1], [0, 0, 1, 1], [], []>, transpose_lhs_hint = false} : vector<128x768xf32>, vector<768x256xf32>, vector<128x256xf32> -> vector<128x256xf32>
    %integer_pow3A = arith.mulf %dot_general3A_7, %dot_general3A_7 : vector<128x256xf32>
    %integer_pow3A_8 = arith.mulf %dot_general3A_7, %integer_pow3A : vector<128x256xf32>
    %mul3A = arith.constant 4.471500e-02 : f32
    %mul3A_9 = vector.broadcast %mul3A : f32 to vector<128x256xf32>
    %mul3A_10 = arith.mulf %mul3A_9, %integer_pow3A_8 : vector<128x256xf32>
    %add3A = arith.addf %dot_general3A_7, %mul3A_10 : vector<128x256xf32>
    %mul3A_11 = arith.constant 0.797884583 : f32
    %mul3A_12 = vector.broadcast %mul3A_11 : f32 to vector<128x256xf32>
    %mul3A_13 = arith.mulf %mul3A_12, %add3A : vector<128x256xf32>
    %tanh3A = math.tanh %mul3A_13 : vector<128x256xf32>
    %add3A_14 = arith.constant 1.000000e+00 : f32
    %add3A_15 = vector.broadcast %add3A_14 : f32 to vector<128x256xf32>
    %add3A_16 = arith.addf %add3A_15, %tanh3A : vector<128x256xf32>
    %mul3A_17 = arith.constant 5.000000e-01 : f32
    %mul3A_18 = vector.broadcast %mul3A_17 : f32 to vector<128x256xf32>
    %mul3A_19 = arith.mulf %mul3A_18, %add3A_16 : vector<128x256xf32>
    %mul3A_20 = arith.mulf %dot_general3A_7, %mul3A_19 : vector<128x256xf32>
    %get3A_21 = arith.constant 0 : index
    %get3A_22 = arith.constant 0 : index
    %get3A_23 = arith.constant 0 : index
    %get3A_24 = vector.load %arg4[%get3A_21, %get3A_22, %get3A_23] : memref<1x256x768xf32, #tpu.memory_space<vmem>>, vector<1x256x768xf32>
    %get3A_25 = vector.shape_cast %get3A_24 : vector<1x256x768xf32> to vector<256x768xf32>
    %dot_general3A_26 = arith.constant dense<0.000000e+00> : vector<128x768xf32>
    %dot_general3A_27 = tpu.matmul %mul3A_20, %get3A_25, %dot_general3A_26 {dimension_numbers = #tpu.dot_dimension_numbers<[1], [0], [0], [1], [0, 0, 1, 1], [], []>, transpose_lhs_hint = false} : vector<128x256xf32>, vector<256x768xf32>, vector<128x768xf32> -> vector<128x768xf32>
    %get3A_28 = arith.constant 0 : index
    %get3A_29 = arith.constant 0 : index
    %get3A_30 = arith.constant 0 : index
    %get3A_31 = vector.load %arg5[%get3A_28, %get3A_29, %get3A_30] : memref<1x128x1xf32, #tpu.memory_space<vmem>>, vector<1x128x1xf32>
    %get3A_32 = vector.shape_cast %get3A_31 : vector<1x128x1xf32> to vector<128x1xf32>
    %mul3A_33 = vector.broadcast %get3A_32 : vector<128x1xf32> to vector<128x768xf32>
    %mul3A_34 = arith.mulf %dot_general3A_27, %mul3A_33 : vector<128x768xf32>
    %swap3A = arith.constant 0 : index
    %swap3A_35 = arith.constant 0 : index
    %swap3A_36 = vector.load %arg6[%swap3A, %swap3A_35] : memref<128x768xf32, #tpu.memory_space<vmem>>, vector<128x768xf32>
    tpu.vector_store %arg6[%swap3A, %swap3A_35], %mul3A_34 {strides = array<i32>} : memref<128x768xf32, #tpu.memory_space<vmem>>, vector<128x768xf32>,
    return
  }
  func.func @transform_0(%arg0: i32, %arg1: memref<128xi32, #tpu.memory_space<smem>>) -> (i32, i32) {
    %c0_i32 = arith.constant 0 : i32
    %c0_i32_0 = arith.constant 0 : i32
    return %arg0, %c0_i32 : i32, i32
  }
  func.func @transform_1(%arg0: i32, %arg1: memref<128xi32, #tpu.memory_space<smem>>) -> (i32, i32, i32) {
    %get3A = arith.index_cast %arg0 : i32 to index
    %get3A_0 = memref.load %arg1[%get3A] : memref<128xi32, #tpu.memory_space<smem>>
    %c0_i32 = arith.constant 0 : i32
    %c0_i32_1 = arith.constant 0 : i32
    %c0_i32_2 = arith.constant 0 : i32
    return %get3A_0, %c0_i32, %c0_i32_1 : i32, i32, i32
  }
  func.func @transform_2(%arg0: i32, %arg1: memref<128xi32, #tpu.memory_space<smem>>) -> (i32, i32, i32) {
    %get3A = arith.index_cast %arg0 : i32 to index
    %get3A_0 = memref.load %arg1[%get3A] : memref<128xi32, #tpu.memory_space<smem>>
    %c0_i32 = arith.constant 0 : i32
    %c0_i32_1 = arith.constant 0 : i32
    %c0_i32_2 = arith.constant 0 : i32
    return %get3A_0, %c0_i32, %c0_i32_1 : i32, i32, i32
  }
  func.func @transform_3(%arg0: i32, %arg1: memref<128xi32, #tpu.memory_space<smem>>) -> (i32, i32, i32) {
    %c0_i32 = arith.constant 0 : i32
    %c0_i32_0 = arith.constant 0 : i32
    %c0_i32_1 = arith.constant 0 : i32
    return %arg0, %c0_i32, %c0_i32_0 : i32, i32, i32
  }
  func.func @transform_4(%arg0: i32, %arg1: memref<128xi32, #tpu.memory_space<smem>>) -> (i32, i32) {
    %c0_i32 = arith.constant 0 : i32
    %c0_i32_0 = arith.constant 0 : i32
    return %arg0, %c0_i32 : i32, i32
  }
}

</mosaic_0001>

<sc_bundles>
// kernel: kernel.6.cloned.1.call-start
scs
__scs_entry_jumppad:
0x0: {  	(pc) =	sbr.rel $0x88, $3  }
0x1: {  	(tag) =	ssettag $0x0;
	lr =	simm.s32 $0x1  }
0x2: {  	[smem:$0x3F9C] =	sst lr;
	_ =	strace $0xD0000000  }
0x3: {  	_ = 	snop  }
0x4: {  	_ = 	snop  }
0x5: {  	_ = 	snop  }
0x6: {  	_ = 	snop  }
0x7: {  	_ = 	snop  }
__scs_overlays_trampoline_lowered:
0x8: {  	[smem:$0x3FAB] =	sst s0  }
0x9: {  	[smem:$0x3FAC] =	sst s1  }
0xa: {  	[smem:$0x3FAD] =	sst s2  }
0xb: {  	[smem:$0x3FAE] =	sst s3  }
0xc: {  	[smem:$0x3FAF] =	sst s4  }
0xd: {  	[smem:$0x3FB0] =	sst s5  }
0xe: {  	[smem:$0x3FB1] =	sst s6  }
0xf: {  	[smem:$0x3FB2] =	sst s7  }
0x10: {  	[smem:$0x3FB3] =	sst s8  }
0x11: {  	[smem:$0x3FB4] =	sst s9;
	s0 =	simm.s32 @!p0 $0x0  }
0x12: {  	s1 =	sld [smem:$0x3F9A];
	s0 =	simm.s32 @p0 $0x1  }
0x13: {  	[smem:$0x3FB5] =	sst s0;
	s0 =	simm.s32 @!p1 $0x0  }
0x14: {  	s2 =	sld [smem:$0x3F99];
	s0 =	simm.s32 @p1 $0x1  }
0x15: {  	[smem:$0x3FB6] =	sst s0;
	s0 =	simm.s32 @!p2 $0x0  }
0x16: {  	s3 =	sld [smem:$0x3FDB];
	s0 =	simm.s32 @p2 $0x1  }
0x17: {  	s4 =	simm.s32 $0x1BF5;
	[smem:$0x3FB8] =	sst s0  }
0x18: {  	s0 =	sld [smem:$0x3F9B];
	_ =	swait.ge [sflag:s4], $0x0  }
0x19: {  	s7 =	sld [smem:$0x3F9C]  }
0x1a: {  	s8 =	sadd.s32 $0xFFFFE003, lr  }
0x1b: {  	s9 =	sadd.s32 $0xFFFFFEF7, lr;
	s5 =	simm.s32 $0xFFFFFFFF;
	p2 =	slt.u32 s8, $0xFFFFF086  }
0x1c: {  	p1 =	slt.u32 s9, $0xF7A;
	s5 =	simm.s32 @!p2 $0x0  }
0x1d: {  	s5 =	simm.s32 @p1 $0x1;
	p0 =	seq.s32 s7, s2  }
0x1e: {  	s7 =	smul.u32 @!p0 $0xF7A, s2;
	p2 =	seq.s32 @!p0 s5, $0x0  }
0x1f: {  	s9 =	smul.u32 $0xF7A, s1;
	s8 =	simm.s32 @!p0 $0x1BF5;
	p2 =	por !p2, p0  }
0x20: {  	[sflag:s8] =	ssyncset.s32 @!p0 $0xFFFFF086;
	s6 =	sadd.s32 @!p0 s3, s7;
	s7 =	simm.s32 @!p0 $0x108  }
0x21: {  	s3 =	sadd.s32 s3, s9;
	s6 =	sadd.s32 @!p0 $0x88, s6;
	s7 =	simm.s32 @p2 $0x1082  }
0x22: {  	[simem:s7], [sflag:s8] =	dma.local @!p0 [hbm:s6], $0xF7A  }
0x23: {  	s9 =	sor.u32 $0xD0000000, s2;
	s6 =	simm.s32 $0x108;
	_ =	swait.ge @!p0 [sflag:s8], $0x0  }
0x24: {  	s3 =	sadd.s32 $0x88, s3;
	s6 =	simm.s32 @!p1 $0x1082;
	[sflag:s4] =	ssyncset.s32 $0xFFFFF086  }
0x25: {  	[simem:s6], [sflag:s4] =	dma.local [hbm:s3], $0xF7A  }
0x26: {  	[smem:$0x3F9C] =	sst s1;
	(tag) =	ssettag s2;
	_ =	strace s9  }
0x27: {  	s1 =	sld [smem:$0x3FAC]  }
0x28: {  	s2 =	sld [smem:$0x3FAD]  }
0x29: {  	s4 =	sld [smem:$0x3FAF]  }
0x2a: {  	p0 =	seq.s32 s5, $0x0;
	s5 =	sld [smem:$0x3FB0]  }
0x2b: {  	s6 =	sld [smem:$0x3FB1]  }
0x2c: {  	s7 =	sld [smem:$0x3FB2]  }
0x2d: {  	s3 =	simm.s32 $0x108;
	s8 =	sld [smem:$0x3FB3]  }
0x2e: {  	s3 =	simm.s32 @!p0 $0x1082;
	s9 =	sld [smem:$0x3FB4]  }
0x2f: {  	lr =	sadd.s32 s0, s3;
	s0 =	sld [smem:$0x3FAB]  }
0x30: {  	s3 =	sld [smem:$0x3FAE]  }
0x31: {  	[smem:$0x3FB7] =	sst s10  }
0x32: {  	s10 =	sld [smem:$0x3FB5];
	_ =	sdelay $0x3  }
0x33: {  	p0 =	seq.s32 s10, $0x1;
	s10 =	sld [smem:$0x3FB7];
	_ =	sdelay $0x3  }
0x34: {  	[smem:$0x3FB7] =	sst s10  }
0x35: {  	s10 =	sld [smem:$0x3FB6];
	_ =	sdelay $0x3  }
0x36: {  	p1 =	seq.s32 s10, $0x1;
	s10 =	sld [smem:$0x3FB7];
	_ =	sdelay $0x3  }
0x37: {  	[smem:$0x3FB7] =	sst s10  }
0x38: {  	s10 =	sld [smem:$0x3FB8]  }
0x39: {  	_ = 	snop;
	(pc) =	sbr.ind lr, $3  }
0x3a: {  	_ = 	snop  }
0x3b: {  	_ = 	snop  }
0x3c: {  	p2 =	seq.s32 s10, $0x1;
	s10 =	sld [smem:$0x3FB7]  }
0x3d: {  	_ =	shalt  }
0x3e: {  	_ =	shalt  }
0x3f: {  	_ =	shalt  }
0x40: {  	_ =	shalt  }
0x41: {  	_ =	shalt  }
0x42: {  	_ =	shalt  }
0x43: {  	_ =	shalt  }
0x44: {  	_ =	shalt  }
0x45: {  	_ =	shalt  }
0x46: {  	_ =	shalt  }
0x47: {  	_ =	shalt  }
0x48: {  	_ =	shalt  }
0x49: {  	_ =	shalt  }
0x4a: {  	_ =	shalt  }
0x4b: {  	_ =	shalt  }
0x4c: {  	_ =	shalt  }
0x4d: {  	_ =	shalt  }
0x4e: {  	_ =	shalt  }
0x4f: {  	_ =	shalt  }
0x50: {  	_ =	shalt  }
0x51: {  	_ =	shalt  }
0x52: {  	_ =	shalt  }
0x53: {  	_ =	shalt  }
0x54: {  	_ =	shalt  }
0x55: {  	_ =	shalt  }
0x56: {  	_ =	shalt  }
0x57: {  	_ =	shalt  }
0x58: {  	_ =	shalt  }
0x59: {  	_ =	shalt  }
0x5a: {  	_ =	shalt  }
0x5b: {  	_ =	shalt  }
0x5c: {  	_ =	shalt  }
0x5d: {  	_ =	shalt  }
0x5e: {  	_ =	shalt  }
0x5f: {  	_ =	shalt  }
0x60: {  	_ =	shalt  }
0x61: {  	_ =	shalt  }
0x62: {  	_ =	shalt  }
0x63: {  	_ =	shalt  }
0x64: {  	_ =	shalt  }
0x65: {  	_ =	shalt  }
0x66: {  	_ =	shalt  }
0x67: {  	_ =	shalt  }
0x68: {  	_ =	shalt  }
0x69: {  	_ =	shalt  }
0x6a: {  	_ =	shalt  }
0x6b: {  	_ =	shalt  }
0x6c: {  	_ =	shalt  }
0x6d: {  	_ =	shalt  }
0x6e: {  	_ =	shalt  }
0x6f: {  	_ =	shalt  }
0x70: {  	_ =	shalt  }
0x71: {  	_ =	shalt  }
0x72: {  	_ =	shalt  }
0x73: {  	_ =	shalt  }
0x74: {  	_ =	shalt  }
0x75: {  	_ =	shalt  }
0x76: {  	_ =	shalt  }
0x77: {  	_ =	shalt  }
0x78: {  	_ =	shalt  }
0x79: {  	_ =	shalt  }
0x7a: {  	_ =	shalt  }
0x7b: {  	_ =	shalt  }
0x7c: {  	_ =	shalt  }
0x7d: {  	_ =	shalt  }
0x7e: {  	_ =	shalt  }
0x7f: {  	_ =	shalt  }
0x80: {  	_ =	shalt  }
0x81: {  	_ =	shalt  }
0x82: {  	_ =	shalt  }
0x83: {  	_ =	shalt  }
0x84: {  	_ =	shalt  }
0x85: {  	_ =	shalt  }
0x86: {  	_ =	shalt  }
0x87: {  	_ =	shalt  }
.Lfunc_end0:
.L_simem_size_0:
called_computation_lowered:
.L_overlay_start_0:
0x88: {  	s2 =	sld [smem:$0x3FD9]  }
0x89: {  	s3 =	sld [smem:$0x3FFE];
	_ =	sdelay $0x1  }
0x8a: {  	s1 =	srdreg.scid  }
0x8b: {  	s0 =	sand.u32 $0x1, s1  }
0x8c: {  	s14 =	sshll.u32 s0, $0xA;
	s2 =	sadd.s32 s3, s2  }
0x8d: {  	s2 =	sadd.s32 s2, s14  }
0x8e: {  	[smem:$0x3FC3] =	sst s2  }
0x8f: {  	_ = 	snop  }
0x90: {  	s2 =	sld [smem:$0x3FD0];
	_ =	sdelay $0x2  }
0x91: {  	s15 =	simm.s32 $0xA;
	s4 =	simm.s32 $0x10  }
0x92: {  	[smem:s4], [sflag:s15] =	dma.local [hbm:s2], $0x1  }
0x93: {  	_ =	swait.eq [sflag:s15], $0x1  }
0x94: {  	[sflag:s15] =	ssyncset.done $0x0  }
0x95: {  	[sflag:s15] =	ssyncadd.s32 $0xFFFFFFFF  }
0x96: {  	s16 =	sld [smem:$0x10];
	(tm) =	ssettm $0x1  }
0x97: {  	s17 =	sld [smem:$0x3FFB];
	_ =	sdelay $0x3  }
0x98: {  	_ =	strace s17  }
0x99: {  	s3 =	sld [smem:$0x3FFC];
	_ =	sdelay $0x3  }
0x9a: {  	_ =	strace s3  }
0x9b: {  	s3 =	sld [smem:$0x3FFD];
	_ =	sdelay $0x3  }
0x9c: {  	_ =	strace s3  }
0x9d: {  	_ =	strace $0x8FFFFFFF  }
0x9e: {  	s18 =	sld [smem:$0x3FDB];
	_ =	sdelay $0x1  }
0x9f: {  	s19 =	simm.s32 $_scs_section_size  }
0xa0: {  	s5 =	simm.s32 $_size__tile_overlayer_lowered;
	s6 =	simm.s32 $_tile_overlayer_lowered  }
0xa1: {  	s22 =	simm.s32 $0x1BFF;
	s21 =	sshll.u32 s6, $0x1;
	s3 =	sadd.s32 s19, s18  }
0xa2: {  	s7 =	simm.s32 $0x0;
	s20 =	sshll.u32 s5, $0x1;
	s5 =	sadd.s32 s21, s3  }
0xa3: {  	[timem:s7], [sflag:s22] =	dma.local [hbm:s5], s20  }
0xa4: {  	_ =	swait.ge [sflag:s22], s20  }
0xa5: {  	s4 =	ssub.s32 $0x0, s20;
	[sflag:s22] =	ssyncset.done $0x0  }
0xa6: {  	[sflag:s22] =	ssyncadd.s32 s4;
	_ =	sdelay $0x1  }
0xa7: {  	s23 =	simm.s32 $0x1B8B  }
0xa8: {  	_ =	swait.ge [sflag:s23], $0x1  }
0xa9: {  	[sflag:s23] =	ssyncset.done $0x0  }
0xaa: {  	s25 =	simm.s32 $0x1B8E;
	s24 =	sld [smem:$0x3FFE];
	[sflag:s23] =	ssyncadd.s32 $0xFFFFFFFF  }
0xab: {  	s26 =	simm.s32 $execute0_lowered;
	[smem:$0x3FD2] =	sst s25  }
0xac: {  	s5 =	sshll.u32 s26, $0x1;
	_ =	strace $0x80000046;
	[dreg:$0x1] =	wrdreg $0xFFFFFFFF  }
0xad: {  	s28 =	simm.s32 $_size_execute0_lowered;
	s3 =	sadd.s32 s3, s5;
	[dreg:$0x0] =	wrdreg $0x0  }
0xae: {  	s5 =	sshll.u32 s28, $0x1;
	[dreg:$0x2] =	wrdreg s3  }
0xaf: {  	[dreg:$0x3] =	wrdreg s5  }
0xb0: {  	[dreg:$0x4] =	wrdreg $0xC0  }
0xb1: {  	_ =	task [dreg:s7], $0x5FFFF  }
0xb2: {  	[dreg:$0x1] =	wrdreg $0xFFFFFFFF  }
0xb3: {  	[dreg:$0x0] =	wrdreg $0x60  }
0xb4: {  	[dreg:$0x2] =	wrdreg s24  }
0xb5: {  	[dreg:$0x3] =	wrdreg s16  }
0xb6: {  	[dreg:$0x4] =	wrdreg $0x9  }
0xb7: {  	_ =	task.clear_ibuf [dreg:s7], $0x5FFFF;
	_ =	strace $0x90000046  }
0xb8: {  	s29 =	simm.s32 $0x9;
	_ =	strace $0x80000048  }
0xb9: {  	_ =	swait.ge [sflag:s29], $0x1  }
0xba: {  	[sflag:s29] =	ssyncadd.s32 $0xFFFFFFFF  }
0xbb: {  	_ =	strace $0x90000048  }
0xbc: {  	_ =	sfence  }
0xbd: {  	s30 =	sld [smem:$0x0];
	_ =	sdelay $0x2  }
0xbe: {  	s31 =	sshll.u32 s1, $0xD;
	s1 =	sshrl.u32 s1, $0x2  }
0xbf: {  	s3 =	sand.u32 $0x4000, s31;
	s1 =	sadd.s32 s1, s30  }
0xc0: {  	s0 =	sor.u32 s3, s0;
	s1 =	sshll.u32 s1, $0x11  }
0xc1: {  	s0 =	sor.u32 s1, s0  }
0xc2: {  	s0 =	sadd.s32 $0x8F2B, s0  }
0xc3: {  	[sflag:s0] =	ssyncadd.remote.s32 $0x1  }
0xc4: {  	_ =	sfence.sel $0xFFFF  }
0xc5: {  	[dreg:$0x0] =	wrdreg $0xFFFFFFFF;
	(pc) =	sbr.abs _section_cstart, $3  }
0xc6: {  	[dreg:$0x1] =	wrdreg $0xFFFFFFFF  }
0xc7: {  	_ =	task.clear_ibuf [dreg:s7], $0x2FFFF;
	_ =	strace $0x9FFFFFFF  }
0xc8: {  	(tm) =	ssettm $0x7FFFFFFF  }
0xc9: {  	_ =	shalt  }
tec
execute0_lowered:
.L_overlay_start_1:
0x0: {  	(tag) =	ssettag $0x1  }
0x1: {  	s0 =	rddreg [dreg:$0x0]  }
0x2: {  	s1 =	rddreg [dreg:$0x1];
	s3 =	srdreg.scid  }
0x3: {  	s4 =	stileid.u32;
	s2 =	simm.s32 $0x0;
	s11 =	simm.s32 $0x2  }
0x4: {  	s12 =	simm.s32 $0x400;
	s18 =	simm.s32 $0xE400;
	s19 =	simm.s32 $0xEC00  }
0x5: {  	s20 =	simm.s32 $0xF400;
	s21 =	simm.s32 $0xFC00;
	s22 =	simm.s32 $0x10400  }
0x6: {  	s23 =	simm.s32 $0x10C00;
	s24 =	simm.s32 $0x11400;
	s25 =	simm.s32 $0x11C00  }
0x7: {  	s26 =	simm.s32 $0x12400;
	s28 =	simm.s32 $0x12C00;
	s29 =	simm.s32 $0x13400  }
0x8: {  	s30 =	simm.s32 $0x13C00;
	s31 =	simm.s32 $0x14400;
	s13 =	simm.s32 $0x16C00  }
0x9: {  	s14 =	simm.s32 $0x17400;
	s15 =	simm.s32 $0x17C00;
	s16 =	simm.s32 $0x1  }
0xa: {  	s3 =	sand.u32 $0x1, s3;
	s4 =	sshll.u32 s4, $0x1;
	[smem:$0x7FF] =	sst s2  }
0xb: {  	s8 =	sor.u32 s3, s4;
	_ =	strace $0x80000047;
	s5 =	ssub.s32 $0x2, s3  }
0xc: {  	s3 =	sadd.s32 $0x1400, s0;
	s4 =	smul.u32 $0x3000, s8;
	s6 =	sshrl.u32 s5, $0x1  }
0xd: {  	s7 =	sshll.u32 s8, $0x7;
	p0 =	sne.s32 s8, $0x0;
	s8 =	simm.s32 $0x15C00  }
.Ltmp0:
0xe: {  	s10 =	ssub.s32 s5, s6;
	s5 =	sadd.s32 $0x1500, s0;
	(pc) =	sbr.rel .LBB2_1-.Ltmp0, $4  }
0xf: {  	s9 =	sadd.s32 s4, s0;
	s4 =	sadd.s32 s1, s7;
	s1 =	sadd.s32 $0x1000, s1  }
0x10: {  	v2 =	vlaneseq.u32;
	s6 =	sadd.s32 $0x1600, s0;
	s0 =	sadd.s32 $0x91800, s0;
	[dreg:$0x3] =	wrdreg s1  }
0x11: {  	vm0 =	vmmov $0xffff;
	v1 =	vshrl.u32 v2, $0x3;
	s10 =	smax.u32 s10, $0x1;
	s7 =	sadd.s32 $0x31800, s9;
	[dreg:$0x4] =	wrdreg s0  }
0x12: {  	v0 =	vand.u32 $0x7, v2;
	v2 =	vor.u32 $0x8, v2;
	v1 =	vmul.u32 $0x8, v1;
	s0 =	simm.s32 $0x14C00;
	s1 =	simm.s32 $0x15400;
	s9 =	simm.s32 $0x16400  }
.LBB2_3:
0x13: {  	s10 =	sadd.s32 $0xFFFFFFFF, s10  }
0x14: {  	p1 =	sne.s32 s10, $0x0  }
.Ltmp1:
0x15: {  	_ = 	snop;
	(pc) =	sbr.rel @!p1 .LBB2_4-.Ltmp1, $1  }
0x16: {  	_ =	sdelay $0x3  }
.LBB2_1:
0x17: {  	[tilespmem:s2], [sflag:$0x2] =	stream.linear.gather [hbm4b:s4+s2], $0x400, $0x38;
	[tilespmem:$0x18400] =	vst v63  }
0x18: {  	_ =	swait.ge [sflag:s11], $0x400  }
0x19: {  	[sflag:s11] =	ssyncset.done $0x0  }
0x1a: {  	[sflag:s11] =	ssyncadd.s32 $0xFFFFFC00  }
0x1b: {  	v3 =	vld [tilespmem:$0x0];
	_ =	sdelay $0x4  }
0x1c: {  	v4 =	vshrl.u32 v3, $0x3  }
0x1d: {  	v4 =	vmul.u32 $0x30, v4  }
0x1e: {  	v3 =	vand.u32 $0x7, v3  }
0x1f: {  	v3 =	vor.u32 v3, v4  }
0x20: {  	v4 =	vperm.xlane v3, v0;
	_ =	sdelay $0x1  }
0x21: {  	v4 =	vadd.s32 v1, v4;
	_ =	sdelay $0x3  }
0x22: {  	v3 =	vperm.xlane v3, v2  }
0x23: {  	[tilespmem:s12], [sflag:$0x1] =	stream.indirect_vreg.gather [hbm4b:s3+s2], $0x80, v4, vm0, $0xb8;
	[tilespmem:$0x18400] =	vst v63  }
0x24: {  	s17 =	simm.s32 $0xC00;
	v3 =	vadd.s32 v1, v3  }
0x25: {  	[tilespmem:s17], [sflag:$0x1] =	stream.indirect_vreg.gather [hbm4b:s5+s2], $0x80, v4, vm0, $0xb8;
	[tilespmem:$0x18400] =	vst v63  }
0x26: {  	s17 =	simm.s32 $0x1400  }
0x27: {  	[tilespmem:s17], [sflag:$0x1] =	stream.indirect_vreg.gather [hbm4b:s6+s2], $0x80, v4, vm0, $0xb8;
	[tilespmem:$0x18400] =	vst v63  }
0x28: {  	s17 =	simm.s32 $0x1C00  }
0x29: {  	[tilespmem:s17], [sflag:$0x1] =	stream.indirect_vreg.gather [hbm4b:s3+s2], $0x80, v3, vm0, $0xb8;
	[tilespmem:$0x18400] =	vst v63  }
0x2a: {  	s17 =	simm.s32 $0x2400  }
0x2b: {  	[tilespmem:s17], [sflag:$0x1] =	stream.indirect_vreg.gather [hbm4b:s5+s2], $0x80, v3, vm0, $0xb8;
	[tilespmem:$0x18400] =	vst v63  }
0x2c: {  	s17 =	simm.s32 $0x2C00  }
0x2d: {  	[tilespmem:s17], [sflag:$0x1] =	stream.indirect_vreg.gather [hbm4b:s6+s2], $0x80, v3, vm0, $0xb8;
	[tilespmem:$0x18400] =	vst v63  }
0x2e: {  	v3 =	vld [tilespmem:$0x80];
	_ =	sdelay $0x4  }
0x2f: {  	v57 =	vshrl.u32 v3, $0x3  }
0x30: {  	v4 =	vmul.u32 $0x30, v57  }
0x31: {  	v3 =	vand.u32 $0x7, v3  }
0x32: {  	v3 =	vor.u32 v3, v4  }
0x33: {  	v4 =	vperm.xlane v3, v0;
	_ =	sdelay $0x1  }
0x34: {  	v4 =	vadd.s32 v1, v4;
	_ =	sdelay $0x3  }
0x35: {  	s17 =	simm.s32 $0x3400;
	v3 =	vperm.xlane v3, v2  }
0x36: {  	[tilespmem:s17], [sflag:$0x1] =	stream.indirect_vreg.gather [hbm4b:s3+s2], $0x80, v4, vm0, $0xb8;
	[tilespmem:$0x18400] =	vst v63  }
0x37: {  	v3 =	vadd.s32 v1, v3;
	s17 =	simm.s32 $0x3C00  }
0x38: {  	[tilespmem:s17], [sflag:$0x1] =	stream.indirect_vreg.gather [hbm4b:s5+s2], $0x80, v4, vm0, $0xb8;
	[tilespmem:$0x18400] =	vst v63  }
0x39: {  	s17 =	simm.s32 $0x4400  }
0x3a: {  	[tilespmem:s17], [sflag:$0x1] =	stream.indirect_vreg.gather [hbm4b:s6+s2], $0x80, v4, vm0, $0xb8;
	[tilespmem:$0x18400] =	vst v63  }
0x3b: {  	s17 =	simm.s32 $0x4C00  }
0x3c: {  	[tilespmem:s17], [sflag:$0x1] =	stream.indirect_vreg.gather [hbm4b:s3+s2], $0x80, v3, vm0, $0xb8;
	[tilespmem:$0x18400] =	vst v63  }
0x3d: {  	s17 =	simm.s32 $0x5400  }
0x3e: {  	[tilespmem:s17], [sflag:$0x1] =	stream.indirect_vreg.gather [hbm4b:s5+s2], $0x80, v3, vm0, $0xb8;
	[tilespmem:$0x18400] =	vst v63  }
0x3f: {  	s17 =	simm.s32 $0x5C00  }
0x40: {  	[tilespmem:s17], [sflag:$0x1] =	stream.indirect_vreg.gather [hbm4b:s6+s2], $0x80, v3, vm0, $0xb8;
	[tilespmem:$0x18400] =	vst v63  }
0x41: {  	v3 =	vld [tilespmem:$0x100];
	_ =	sdelay $0x4  }
0x42: {  	v58 =	vshrl.u32 v3, $0x3  }
0x43: {  	v4 =	vmul.u32 $0x30, v58  }
0x44: {  	v3 =	vand.u32 $0x7, v3  }
0x45: {  	v3 =	vor.u32 v3, v4  }
0x46: {  	v4 =	vperm.xlane v3, v0;
	_ =	sdelay $0x1  }
0x47: {  	v4 =	vadd.s32 v1, v4;
	_ =	sdelay $0x3  }
0x48: {  	s17 =	simm.s32 $0x6400;
	v3 =	vperm.xlane v3, v2  }
0x49: {  	[tilespmem:s17], [sflag:$0x1] =	stream.indirect_vreg.gather [hbm4b:s3+s2], $0x80, v4, vm0, $0xb8;
	[tilespmem:$0x18400] =	vst v63  }
0x4a: {  	v3 =	vadd.s32 v1, v3;
	s17 =	simm.s32 $0x6C00  }
0x4b: {  	[tilespmem:s17], [sflag:$0x1] =	stream.indirect_vreg.gather [hbm4b:s5+s2], $0x80, v4, vm0, $0xb8;
	[tilespmem:$0x18400] =	vst v63  }
0x4c: {  	s17 =	simm.s32 $0x7400  }
0x4d: {  	[tilespmem:s17], [sflag:$0x1] =	stream.indirect_vreg.gather [hbm4b:s6+s2], $0x80, v4, vm0, $0xb8;
	[tilespmem:$0x18400] =	vst v63  }
0x4e: {  	s17 =	simm.s32 $0x7C00  }
0x4f: {  	[tilespmem:s17], [sflag:$0x1] =	stream.indirect_vreg.gather [hbm4b:s3+s2], $0x80, v3, vm0, $0xb8;
	[tilespmem:$0x18400] =	vst v63  }
0x50: {  	s17 =	simm.s32 $0x8400  }
0x51: {  	[tilespmem:s17], [sflag:$0x1] =	stream.indirect_vreg.gather [hbm4b:s5+s2], $0x80, v3, vm0, $0xb8;
	[tilespmem:$0x18400] =	vst v63  }
0x52: {  	s17 =	simm.s32 $0x8C00  }
0x53: {  	[tilespmem:s17], [sflag:$0x1] =	stream.indirect_vreg.gather [hbm4b:s6+s2], $0x80, v3, vm0, $0xb8;
	[tilespmem:$0x18400] =	vst v63  }
0x54: {  	v3 =	vld [tilespmem:$0x180];
	_ =	sdelay $0x4  }
0x55: {  	v59 =	vshrl.u32 v3, $0x3  }
0x56: {  	v4 =	vmul.u32 $0x30, v59  }
0x57: {  	v3 =	vand.u32 $0x7, v3  }
0x58: {  	v3 =	vor.u32 v3, v4  }
0x59: {  	v4 =	vperm.xlane v3, v0;
	_ =	sdelay $0x1  }
0x5a: {  	v4 =	vadd.s32 v1, v4;
	_ =	sdelay $0x3  }
0x5b: {  	s17 =	simm.s32 $0x9400;
	v3 =	vperm.xlane v3, v2  }
0x5c: {  	[tilespmem:s17], [sflag:$0x1] =	stream.indirect_vreg.gather [hbm4b:s3+s2], $0x80, v4, vm0, $0xb8;
	[tilespmem:$0x18400] =	vst v63  }
0x5d: {  	v3 =	vadd.s32 v1, v3;
	s17 =	simm.s32 $0x9C00  }
0x5e: {  	[tilespmem:s17], [sflag:$0x1] =	stream.indirect_vreg.gather [hbm4b:s5+s2], $0x80, v4, vm0, $0xb8;
	[tilespmem:$0x18400] =	vst v63  }
0x5f: {  	s17 =	simm.s32 $0xA400  }
0x60: {  	[tilespmem:s17], [sflag:$0x1] =	stream.indirect_vreg.gather [hbm4b:s6+s2], $0x80, v4, vm0, $0xb8;
	[tilespmem:$0x18400] =	vst v63  }
0x61: {  	s17 =	simm.s32 $0xAC00  }
0x62: {  	[tilespmem:s17], [sflag:$0x1] =	stream.indirect_vreg.gather [hbm4b:s3+s2], $0x80, v3, vm0, $0xb8;
	[tilespmem:$0x18400] =	vst v63  }
0x63: {  	s17 =	simm.s32 $0xB400  }
0x64: {  	[tilespmem:s17], [sflag:$0x1] =	stream.indirect_vreg.gather [hbm4b:s5+s2], $0x80, v3, vm0, $0xb8;
	[tilespmem:$0x18400] =	vst v63  }
0x65: {  	s17 =	simm.s32 $0xBC00  }
0x66: {  	[tilespmem:s17], [sflag:$0x1] =	stream.indirect_vreg.gather [hbm4b:s6+s2], $0x80, v3, vm0, $0xb8;
	[tilespmem:$0x18400] =	vst v63  }
0x67: {  	v3 =	vld [tilespmem:$0x200];
	_ =	sdelay $0x4  }
0x68: {  	v60 =	vshrl.u32 v3, $0x3  }
0x69: {  	v4 =	vmul.u32 $0x30, v60  }
0x6a: {  	v3 =	vand.u32 $0x7, v3  }
0x6b: {  	v3 =	vor.u32 v3, v4  }
0x6c: {  	v4 =	vperm.xlane v3, v0;
	_ =	sdelay $0x1  }
0x6d: {  	v4 =	vadd.s32 v1, v4;
	_ =	sdelay $0x3  }
0x6e: {  	s17 =	simm.s32 $0xC400;
	v3 =	vperm.xlane v3, v2  }
0x6f: {  	[tilespmem:s17], [sflag:$0x1] =	stream.indirect_vreg.gather [hbm4b:s3+s2], $0x80, v4, vm0, $0xb8;
	[tilespmem:$0x18400] =	vst v63  }
0x70: {  	v3 =	vadd.s32 v1, v3;
	s17 =	simm.s32 $0xCC00  }
0x71: {  	[tilespmem:s17], [sflag:$0x1] =	stream.indirect_vreg.gather [hbm4b:s5+s2], $0x80, v4, vm0, $0xb8;
	[tilespmem:$0x18400] =	vst v63  }
0x72: {  	s17 =	simm.s32 $0xD400  }
0x73: {  	[tilespmem:s17], [sflag:$0x1] =	stream.indirect_vreg.gather [hbm4b:s6+s2], $0x80, v4, vm0, $0xb8;
	[tilespmem:$0x18400] =	vst v63  }
0x74: {  	s17 =	simm.s32 $0xDC00  }
0x75: {  	[tilespmem:s17], [sflag:$0x1] =	stream.indirect_vreg.gather [hbm4b:s3+s2], $0x80, v3, vm0, $0xb8;
	[tilespmem:$0x18400] =	vst v63  }
0x76: {  	_ = 	snop  }
0x77: {  	[tilespmem:s18], [sflag:$0x1] =	stream.indirect_vreg.gather [hbm4b:s5+s2], $0x80, v3, vm0, $0xb8;
	[tilespmem:$0x18400] =	vst v63  }
0x78: {  	_ = 	snop  }
0x79: {  	[tilespmem:s19], [sflag:$0x1] =	stream.indirect_vreg.gather [hbm4b:s6+s2], $0x80, v3, vm0, $0xb8;
	[tilespmem:$0x18400] =	vst v63  }
0x7a: {  	v3 =	vld [tilespmem:$0x280];
	_ =	sdelay $0x4  }
0x7b: {  	v61 =	vshrl.u32 v3, $0x3  }
0x7c: {  	v4 =	vmul.u32 $0x30, v61  }
0x7d: {  	v3 =	vand.u32 $0x7, v3  }
0x7e: {  	v3 =	vor.u32 v3, v4  }
0x7f: {  	v4 =	vperm.xlane v3, v0;
	_ =	sdelay $0x1  }
0x80: {  	v4 =	vadd.s32 v1, v4;
	_ =	sdelay $0x3  }
0x81: {  	v3 =	vperm.xlane v3, v2  }
0x82: {  	[tilespmem:s20], [sflag:$0x1] =	stream.indirect_vreg.gather [hbm4b:s3+s2], $0x80, v4, vm0, $0xb8;
	[tilespmem:$0x18400] =	vst v63  }
0x83: {  	v3 =	vadd.s32 v1, v3  }
0x84: {  	[tilespmem:s21], [sflag:$0x1] =	stream.indirect_vreg.gather [hbm4b:s5+s2], $0x80, v4, vm0, $0xb8;
	[tilespmem:$0x18400] =	vst v63  }
0x85: {  	_ = 	snop  }
0x86: {  	[tilespmem:s22], [sflag:$0x1] =	stream.indirect_vreg.gather [hbm4b:s6+s2], $0x80, v4, vm0, $0xb8;
	[tilespmem:$0x18400] =	vst v63  }
0x87: {  	_ = 	snop  }
0x88: {  	[tilespmem:s23], [sflag:$0x1] =	stream.indirect_vreg.gather [hbm4b:s3+s2], $0x80, v3, vm0, $0xb8;
	[tilespmem:$0x18400] =	vst v63  }
0x89: {  	_ = 	snop  }
0x8a: {  	[tilespmem:s24], [sflag:$0x1] =	stream.indirect_vreg.gather [hbm4b:s5+s2], $0x80, v3, vm0, $0xb8;
	[tilespmem:$0x18400] =	vst v63  }
0x8b: {  	_ = 	snop  }
0x8c: {  	[tilespmem:s25], [sflag:$0x1] =	stream.indirect_vreg.gather [hbm4b:s6+s2], $0x80, v3, vm0, $0xb8;
	[tilespmem:$0x18400] =	vst v63  }
0x8d: {  	v3 =	vld [tilespmem:$0x300];
	_ =	sdelay $0x4  }
0x8e: {  	v62 =	vshrl.u32 v3, $0x3  }
0x8f: {  	v4 =	vmul.u32 $0x30, v62  }
0x90: {  	v3 =	vand.u32 $0x7, v3  }
0x91: {  	v3 =	vor.u32 v3, v4  }
0x92: {  	v4 =	vperm.xlane v3, v0;
	_ =	sdelay $0x1  }
0x93: {  	v4 =	vadd.s32 v1, v4;
	_ =	sdelay $0x3  }
0x94: {  	v3 =	vperm.xlane v3, v2  }
0x95: {  	[tilespmem:s26], [sflag:$0x1] =	stream.indirect_vreg.gather [hbm4b:s3+s2], $0x80, v4, vm0, $0xb8;
	[tilespmem:$0x18400] =	vst v63  }
0x96: {  	v3 =	vadd.s32 v1, v3  }
0x97: {  	[tilespmem:s28], [sflag:$0x1] =	stream.indirect_vreg.gather [hbm4b:s5+s2], $0x80, v4, vm0, $0xb8;
	[tilespmem:$0x18400] =	vst v63  }
0x98: {  	_ = 	snop  }
0x99: {  	[tilespmem:s29], [sflag:$0x1] =	stream.indirect_vreg.gather [hbm4b:s6+s2], $0x80, v4, vm0, $0xb8;
	[tilespmem:$0x18400] =	vst v63  }
0x9a: {  	_ = 	snop  }
0x9b: {  	[tilespmem:s30], [sflag:$0x1] =	stream.indirect_vreg.gather [hbm4b:s3+s2], $0x80, v3, vm0, $0xb8;
	[tilespmem:$0x18400] =	vst v63  }
0x9c: {  	_ = 	snop  }
0x9d: {  	[tilespmem:s31], [sflag:$0x1] =	stream.indirect_vreg.gather [hbm4b:s5+s2], $0x80, v3, vm0, $0xb8;
	[tilespmem:$0x18400] =	vst v63  }
0x9e: {  	_ = 	snop  }
0x9f: {  	[tilespmem:s0], [sflag:$0x1] =	stream.indirect_vreg.gather [hbm4b:s6+s2], $0x80, v3, vm0, $0xb8;
	[tilespmem:$0x18400] =	vst v63  }
0xa0: {  	v3 =	vld [tilespmem:$0x380];
	_ =	sdelay $0x4  }
0xa1: {  	v63 =	vshrl.u32 v3, $0x3  }
0xa2: {  	v4 =	vmul.u32 $0x30, v63  }
0xa3: {  	v3 =	vand.u32 $0x7, v3  }
0xa4: {  	v3 =	vor.u32 v3, v4  }
0xa5: {  	v4 =	vperm.xlane v3, v0;
	_ =	sdelay $0x1  }
0xa6: {  	v4 =	vadd.s32 v1, v4;
	_ =	sdelay $0x3  }
0xa7: {  	v3 =	vperm.xlane v3, v2  }
0xa8: {  	[tilespmem:s1], [sflag:$0x1] =	stream.indirect_vreg.gather [hbm4b:s3+s2], $0x80, v4, vm0, $0xb8;
	[tilespmem:$0x18400] =	vst v63  }
0xa9: {  	v3 =	vadd.s32 v1, v3  }
0xaa: {  	[tilespmem:s8], [sflag:$0x1] =	stream.indirect_vreg.gather [hbm4b:s5+s2], $0x80, v4, vm0, $0xb8;
	[tilespmem:$0x18400] =	vst v63  }
0xab: {  	_ = 	snop  }
0xac: {  	[tilespmem:s9], [sflag:$0x1] =	stream.indirect_vreg.gather [hbm4b:s6+s2], $0x80, v4, vm0, $0xb8;
	[tilespmem:$0x18400] =	vst v63  }
0xad: {  	_ = 	snop  }
0xae: {  	[tilespmem:s13], [sflag:$0x1] =	stream.indirect_vreg.gather [hbm4b:s3+s2], $0x80, v3, vm0, $0xb8;
	[tilespmem:$0x18400] =	vst v63  }
0xaf: {  	_ = 	snop  }
0xb0: {  	[tilespmem:s14], [sflag:$0x1] =	stream.indirect_vreg.gather [hbm4b:s5+s2], $0x80, v3, vm0, $0xb8;
	[tilespmem:$0x18400] =	vst v63  }
0xb1: {  	_ = 	snop  }
0xb2: {  	[tilespmem:s15], [sflag:$0x1] =	stream.indirect_vreg.gather [hbm4b:s6+s2], $0x80, v3, vm0, $0xb8;
	[tilespmem:$0x18400] =	vst v63  }
0xb3: {  	_ =	swait.ge [sflag:s16], $0x3000  }
0xb4: {  	[sflag:s16] =	ssyncset.done $0x0  }
0xb5: {  	[sflag:s16] =	ssyncadd.s32 $0xFFFFD000  }
0xb6: {  	_ =	swait.ge [sflag:s16], $0x3000  }
0xb7: {  	[sflag:s16] =	ssyncset.done $0x0  }
0xb8: {  	[sflag:s16] =	ssyncadd.s32 $0xFFFFD000  }
0xb9: {  	_ =	swait.ge [sflag:s16], $0x3000  }
0xba: {  	[sflag:s16] =	ssyncset.done $0x0  }
0xbb: {  	[sflag:s16] =	ssyncadd.s32 $0xFFFFD000  }
0xbc: {  	_ =	swait.ge [sflag:s16], $0x3000  }
0xbd: {  	[sflag:s16] =	ssyncset.done $0x0  }
0xbe: {  	[sflag:s16] =	ssyncadd.s32 $0xFFFFD000  }
0xbf: {  	_ =	swait.ge [sflag:s16], $0x3000  }
0xc0: {  	[sflag:s16] =	ssyncset.done $0x0  }
0xc1: {  	[sflag:s16] =	ssyncadd.s32 $0xFFFFD000  }
0xc2: {  	_ =	swait.ge [sflag:s16], $0x3000  }
0xc3: {  	[sflag:s16] =	ssyncset.done $0x0  }
0xc4: {  	[sflag:s16] =	ssyncadd.s32 $0xFFFFD000  }
0xc5: {  	_ =	swait.ge [sflag:s16], $0x3000  }
0xc6: {  	[sflag:s16] =	ssyncset.done $0x0  }
0xc7: {  	[sflag:s16] =	ssyncadd.s32 $0xFFFFD000  }
0xc8: {  	_ =	swait.ge [sflag:s16], $0x3000  }
0xc9: {  	[sflag:s16] =	ssyncset.done $0x0  }
.Ltmp2:
0xca: {  	[sflag:s16] =	ssyncadd.s32 $0xFFFFD000;
	(pc) =	sbr.rel @p0 .LBB2_3-.Ltmp2, $4  }
0xcb: {  	[hbm4b:s7+s2] =	stream.linear.scatter [tilespmem:s12], [sflag:$0x2], $0x18000, $0x38;
	[tilespmem:$0x18400] =	vst v63  }
0xcc: {  	_ =	swait.ge [sflag:s11], $0x18000  }
0xcd: {  	[sflag:s11] =	ssyncset.done $0x0  }
0xce: {  	[sflag:s11] =	ssyncadd.s32 $0xFFFE8000  }
0xcf: {  	s17 =	rddreg [dreg:$0x3]  }
0xd0: {  	[tilespmem:s2], [sflag:$0x2] =	stream.linear.gather [hbm4b:s17+s2], $0x400, $0x38;
	[tilespmem:$0x18400] =	vst v63  }
0xd1: {  	_ =	swait.ge [sflag:s11], $0x400  }
0xd2: {  	[sflag:s11] =	ssyncset.done $0x0  }
0xd3: {  	[sflag:s11] =	ssyncadd.s32 $0xFFFFFC00  }
0xd4: {  	v3 =	vld [tilespmem:$0x0];
	_ =	sdelay $0x4  }
0xd5: {  	v4 =	vshrl.u32 v3, $0x3  }
0xd6: {  	v4 =	vmul.u32 $0x30, v4  }
0xd7: {  	v3 =	vand.u32 $0x7, v3  }
0xd8: {  	v3 =	vor.u32 v3, v4  }
0xd9: {  	v4 =	vperm.xlane v3, v0;
	_ =	sdelay $0x1  }
0xda: {  	v4 =	vadd.s32 v1, v4;
	_ =	sdelay $0x3  }
0xdb: {  	v3 =	vperm.xlane v3, v2  }
0xdc: {  	[tilespmem:s12], [sflag:$0x1] =	stream.indirect_vreg.gather [hbm4b:s3+s2], $0x80, v4, vm0, $0xb8;
	[tilespmem:$0x18400] =	vst v63  }
0xdd: {  	s17 =	simm.s32 $0xC00;
	v3 =	vadd.s32 v1, v3  }
0xde: {  	[tilespmem:s17], [sflag:$0x1] =	stream.indirect_vreg.gather [hbm4b:s5+s2], $0x80, v4, vm0, $0xb8;
	[tilespmem:$0x18400] =	vst v63  }
0xdf: {  	s17 =	simm.s32 $0x1400  }
0xe0: {  	[tilespmem:s17], [sflag:$0x1] =	stream.indirect_vreg.gather [hbm4b:s6+s2], $0x80, v4, vm0, $0xb8;
	[tilespmem:$0x18400] =	vst v63  }
0xe1: {  	s17 =	simm.s32 $0x1C00  }
0xe2: {  	[tilespmem:s17], [sflag:$0x1] =	stream.indirect_vreg.gather [hbm4b:s3+s2], $0x80, v3, vm0, $0xb8;
	[tilespmem:$0x18400] =	vst v63  }
0xe3: {  	s17 =	simm.s32 $0x2400  }
0xe4: {  	[tilespmem:s17], [sflag:$0x1] =	stream.indirect_vreg.gather [hbm4b:s5+s2], $0x80, v3, vm0, $0xb8;
	[tilespmem:$0x18400] =	vst v63  }
0xe5: {  	s17 =	simm.s32 $0x2C00  }
0xe6: {  	[tilespmem:s17], [sflag:$0x1] =	stream.indirect_vreg.gather [hbm4b:s6+s2], $0x80, v3, vm0, $0xb8;
	[tilespmem:$0x18400] =	vst v63  }
0xe7: {  	v3 =	vld [tilespmem:$0x80];
	_ =	sdelay $0x4  }
0xe8: {  	v57 =	vshrl.u32 v3, $0x3  }
0xe9: {  	v4 =	vmul.u32 $0x30, v57  }
0xea: {  	v3 =	vand.u32 $0x7, v3  }
0xeb: {  	v3 =	vor.u32 v3, v4  }
0xec: {  	v4 =	vperm.xlane v3, v0;
	_ =	sdelay $0x1  }
0xed: {  	v4 =	vadd.s32 v1, v4;
	_ =	sdelay $0x3  }
0xee: {  	s17 =	simm.s32 $0x3400;
	v3 =	vperm.xlane v3, v2  }
0xef: {  	[tilespmem:s17], [sflag:$0x1] =	stream.indirect_vreg.gather [hbm4b:s3+s2], $0x80, v4, vm0, $0xb8;
	[tilespmem:$0x18400] =	vst v63  }
0xf0: {  	v3 =	vadd.s32 v1, v3;
	s17 =	simm.s32 $0x3C00  }
0xf1: {  	[tilespmem:s17], [sflag:$0x1] =	stream.indirect_vreg.gather [hbm4b:s5+s2], $0x80, v4, vm0, $0xb8;
	[tilespmem:$0x18400] =	vst v63  }
0xf2: {  	s17 =	simm.s32 $0x4400  }
0xf3: {  	[tilespmem:s17], [sflag:$0x1] =	stream.indirect_vreg.gather [hbm4b:s6+s2], $0x80, v4, vm0, $0xb8;
	[tilespmem:$0x18400] =	vst v63  }
0xf4: {  	s17 =	simm.s32 $0x4C00  }
0xf5: {  	[tilespmem:s17], [sflag:$0x1] =	stream.indirect_vreg.gather [hbm4b:s3+s2], $0x80, v3, vm0, $0xb8;
	[tilespmem:$0x18400] =	vst v63  }
0xf6: {  	s17 =	simm.s32 $0x5400  }
0xf7: {  	[tilespmem:s17], [sflag:$0x1] =	stream.indirect_vreg.gather [hbm4b:s5+s2], $0x80, v3, vm0, $0xb8;
	[tilespmem:$0x18400] =	vst v63  }
0xf8: {  	s17 =	simm.s32 $0x5C00  }
0xf9: {  	[tilespmem:s17], [sflag:$0x1] =	stream.indirect_vreg.gather [hbm4b:s6+s2], $0x80, v3, vm0, $0xb8;
	[tilespmem:$0x18400] =	vst v63  }
0xfa: {  	v3 =	vld [tilespmem:$0x100];
	_ =	sdelay $0x4  }
0xfb: {  	v58 =	vshrl.u32 v3, $0x3  }
0xfc: {  	v4 =	vmul.u32 $0x30, v58  }
0xfd: {  	v3 =	vand.u32 $0x7, v3  }
0xfe: {  	v3 =	vor.u32 v3, v4  }
0xff: {  	v4 =	vperm.xlane v3, v0;
	_ =	sdelay $0x1  }
0x100: {  	v4 =	vadd.s32 v1, v4;
	_ =	sdelay $0x3  }
0x101: {  	s17 =	simm.s32 $0x6400;
	v3 =	vperm.xlane v3, v2  }
0x102: {  	[tilespmem:s17], [sflag:$0x1] =	stream.indirect_vreg.gather [hbm4b:s3+s2], $0x80, v4, vm0, $0xb8;
	[tilespmem:$0x18400] =	vst v63  }
0x103: {  	v3 =	vadd.s32 v1, v3;
	s17 =	simm.s32 $0x6C00  }
0x104: {  	[tilespmem:s17], [sflag:$0x1] =	stream.indirect_vreg.gather [hbm4b:s5+s2], $0x80, v4, vm0, $0xb8;
	[tilespmem:$0x18400] =	vst v63  }
0x105: {  	s17 =	simm.s32 $0x7400  }
0x106: {  	[tilespmem:s17], [sflag:$0x1] =	stream.indirect_vreg.gather [hbm4b:s6+s2], $0x80, v4, vm0, $0xb8;
	[tilespmem:$0x18400] =	vst v63  }
0x107: {  	s17 =	simm.s32 $0x7C00  }
0x108: {  	[tilespmem:s17], [sflag:$0x1] =	stream.indirect_vreg.gather [hbm4b:s3+s2], $0x80, v3, vm0, $0xb8;
	[tilespmem:$0x18400] =	vst v63  }
0x109: {  	s17 =	simm.s32 $0x8400  }
0x10a: {  	[tilespmem:s17], [sflag:$0x1] =	stream.indirect_vreg.gather [hbm4b:s5+s2], $0x80, v3, vm0, $0xb8;
	[tilespmem:$0x18400] =	vst v63  }
0x10b: {  	s17 =	simm.s32 $0x8C00  }
0x10c: {  	[tilespmem:s17], [sflag:$0x1] =	stream.indirect_vreg.gather [hbm4b:s6+s2], $0x80, v3, vm0, $0xb8;
	[tilespmem:$0x18400] =	vst v63  }
0x10d: {  	v3 =	vld [tilespmem:$0x180];
	_ =	sdelay $0x4  }
0x10e: {  	v59 =	vshrl.u32 v3, $0x3  }
0x10f: {  	v4 =	vmul.u32 $0x30, v59  }
0x110: {  	v3 =	vand.u32 $0x7, v3  }
0x111: {  	v3 =	vor.u32 v3, v4  }
0x112: {  	v4 =	vperm.xlane v3, v0;
	_ =	sdelay $0x1  }
0x113: {  	v4 =	vadd.s32 v1, v4;
	_ =	sdelay $0x3  }
0x114: {  	s17 =	simm.s32 $0x9400;
	v3 =	vperm.xlane v3, v2  }
0x115: {  	[tilespmem:s17], [sflag:$0x1] =	stream.indirect_vreg.gather [hbm4b:s3+s2], $0x80, v4, vm0, $0xb8;
	[tilespmem:$0x18400] =	vst v63  }
0x116: {  	v3 =	vadd.s32 v1, v3;
	s17 =	simm.s32 $0x9C00  }
0x117: {  	[tilespmem:s17], [sflag:$0x1] =	stream.indirect_vreg.gather [hbm4b:s5+s2], $0x80, v4, vm0, $0xb8;
	[tilespmem:$0x18400] =	vst v63  }
0x118: {  	s17 =	simm.s32 $0xA400  }
0x119: {  	[tilespmem:s17], [sflag:$0x1] =	stream.indirect_vreg.gather [hbm4b:s6+s2], $0x80, v4, vm0, $0xb8;
	[tilespmem:$0x18400] =	vst v63  }
0x11a: {  	s17 =	simm.s32 $0xAC00  }
0x11b: {  	[tilespmem:s17], [sflag:$0x1] =	stream.indirect_vreg.gather [hbm4b:s3+s2], $0x80, v3, vm0, $0xb8;
	[tilespmem:$0x18400] =	vst v63  }
0x11c: {  	s17 =	simm.s32 $0xB400  }
0x11d: {  	[tilespmem:s17], [sflag:$0x1] =	stream.indirect_vreg.gather [hbm4b:s5+s2], $0x80, v3, vm0, $0xb8;
	[tilespmem:$0x18400] =	vst v63  }
0x11e: {  	s17 =	simm.s32 $0xBC00  }
0x11f: {  	[tilespmem:s17], [sflag:$0x1] =	stream.indirect_vreg.gather [hbm4b:s6+s2], $0x80, v3, vm0, $0xb8;
	[tilespmem:$0x18400] =	vst v63  }
0x120: {  	v3 =	vld [tilespmem:$0x200];
	_ =	sdelay $0x4  }
0x121: {  	v60 =	vshrl.u32 v3, $0x3  }
0x122: {  	v4 =	vmul.u32 $0x30, v60  }
0x123: {  	v3 =	vand.u32 $0x7, v3  }
0x124: {  	v3 =	vor.u32 v3, v4  }
0x125: {  	v4 =	vperm.xlane v3, v0;
	_ =	sdelay $0x1  }
0x126: {  	v4 =	vadd.s32 v1, v4;
	_ =	sdelay $0x3  }
0x127: {  	s17 =	simm.s32 $0xC400;
	v3 =	vperm.xlane v3, v2  }
0x128: {  	[tilespmem:s17], [sflag:$0x1] =	stream.indirect_vreg.gather [hbm4b:s3+s2], $0x80, v4, vm0, $0xb8;
	[tilespmem:$0x18400] =	vst v63  }
0x129: {  	v3 =	vadd.s32 v1, v3;
	s17 =	simm.s32 $0xCC00  }
0x12a: {  	[tilespmem:s17], [sflag:$0x1] =	stream.indirect_vreg.gather [hbm4b:s5+s2], $0x80, v4, vm0, $0xb8;
	[tilespmem:$0x18400] =	vst v63  }
0x12b: {  	s17 =	simm.s32 $0xD400  }
0x12c: {  	[tilespmem:s17], [sflag:$0x1] =	stream.indirect_vreg.gather [hbm4b:s6+s2], $0x80, v4, vm0, $0xb8;
	[tilespmem:$0x18400] =	vst v63  }
0x12d: {  	s17 =	simm.s32 $0xDC00  }
0x12e: {  	[tilespmem:s17], [sflag:$0x1] =	stream.indirect_vreg.gather [hbm4b:s3+s2], $0x80, v3, vm0, $0xb8;
	[tilespmem:$0x18400] =	vst v63  }
0x12f: {  	_ = 	snop  }
0x130: {  	[tilespmem:s18], [sflag:$0x1] =	stream.indirect_vreg.gather [hbm4b:s5+s2], $0x80, v3, vm0, $0xb8;
	[tilespmem:$0x18400] =	vst v63  }
0x131: {  	_ = 	snop  }
0x132: {  	[tilespmem:s19], [sflag:$0x1] =	stream.indirect_vreg.gather [hbm4b:s6+s2], $0x80, v3, vm0, $0xb8;
	[tilespmem:$0x18400] =	vst v63  }
0x133: {  	v3 =	vld [tilespmem:$0x280];
	_ =	sdelay $0x4  }
0x134: {  	v61 =	vshrl.u32 v3, $0x3  }
0x135: {  	v4 =	vmul.u32 $0x30, v61  }
0x136: {  	v3 =	vand.u32 $0x7, v3  }
0x137: {  	v3 =	vor.u32 v3, v4  }
0x138: {  	v4 =	vperm.xlane v3, v0;
	_ =	sdelay $0x1  }
0x139: {  	v4 =	vadd.s32 v1, v4;
	_ =	sdelay $0x3  }
0x13a: {  	v3 =	vperm.xlane v3, v2  }
0x13b: {  	[tilespmem:s20], [sflag:$0x1] =	stream.indirect_vreg.gather [hbm4b:s3+s2], $0x80, v4, vm0, $0xb8;
	[tilespmem:$0x18400] =	vst v63  }
0x13c: {  	v3 =	vadd.s32 v1, v3  }
0x13d: {  	[tilespmem:s21], [sflag:$0x1] =	stream.indirect_vreg.gather [hbm4b:s5+s2], $0x80, v4, vm0, $0xb8;
	[tilespmem:$0x18400] =	vst v63  }
0x13e: {  	_ = 	snop  }
0x13f: {  	[tilespmem:s22], [sflag:$0x1] =	stream.indirect_vreg.gather [hbm4b:s6+s2], $0x80, v4, vm0, $0xb8;
	[tilespmem:$0x18400] =	vst v63  }
0x140: {  	_ = 	snop  }
0x141: {  	[tilespmem:s23], [sflag:$0x1] =	stream.indirect_vreg.gather [hbm4b:s3+s2], $0x80, v3, vm0, $0xb8;
	[tilespmem:$0x18400] =	vst v63  }
0x142: {  	_ = 	snop  }
0x143: {  	[tilespmem:s24], [sflag:$0x1] =	stream.indirect_vreg.gather [hbm4b:s5+s2], $0x80, v3, vm0, $0xb8;
	[tilespmem:$0x18400] =	vst v63  }
0x144: {  	_ = 	snop  }
0x145: {  	[tilespmem:s25], [sflag:$0x1] =	stream.indirect_vreg.gather [hbm4b:s6+s2], $0x80, v3, vm0, $0xb8;
	[tilespmem:$0x18400] =	vst v63  }
0x146: {  	v3 =	vld [tilespmem:$0x300];
	_ =	sdelay $0x4  }
0x147: {  	v62 =	vshrl.u32 v3, $0x3  }
0x148: {  	v4 =	vmul.u32 $0x30, v62  }
0x149: {  	v3 =	vand.u32 $0x7, v3  }
0x14a: {  	v3 =	vor.u32 v3, v4  }
0x14b: {  	v4 =	vperm.xlane v3, v0;
	_ =	sdelay $0x1  }
0x14c: {  	v4 =	vadd.s32 v1, v4;
	_ =	sdelay $0x3  }
0x14d: {  	v3 =	vperm.xlane v3, v2  }
0x14e: {  	[tilespmem:s26], [sflag:$0x1] =	stream.indirect_vreg.gather [hbm4b:s3+s2], $0x80, v4, vm0, $0xb8;
	[tilespmem:$0x18400] =	vst v63  }
0x14f: {  	v3 =	vadd.s32 v1, v3  }
0x150: {  	[tilespmem:s28], [sflag:$0x1] =	stream.indirect_vreg.gather [hbm4b:s5+s2], $0x80, v4, vm0, $0xb8;
	[tilespmem:$0x18400] =	vst v63  }
0x151: {  	_ = 	snop  }
0x152: {  	[tilespmem:s29], [sflag:$0x1] =	stream.indirect_vreg.gather [hbm4b:s6+s2], $0x80, v4, vm0, $0xb8;
	[tilespmem:$0x18400] =	vst v63  }
0x153: {  	_ = 	snop  }
0x154: {  	[tilespmem:s30], [sflag:$0x1] =	stream.indirect_vreg.gather [hbm4b:s3+s2], $0x80, v3, vm0, $0xb8;
	[tilespmem:$0x18400] =	vst v63  }
0x155: {  	_ = 	snop  }
0x156: {  	[tilespmem:s31], [sflag:$0x1] =	stream.indirect_vreg.gather [hbm4b:s5+s2], $0x80, v3, vm0, $0xb8;
	[tilespmem:$0x18400] =	vst v63  }
0x157: {  	_ = 	snop  }
0x158: {  	[tilespmem:s0], [sflag:$0x1] =	stream.indirect_vreg.gather [hbm4b:s6+s2], $0x80, v3, vm0, $0xb8;
	[tilespmem:$0x18400] =	vst v63  }
0x159: {  	v3 =	vld [tilespmem:$0x380];
	_ =	sdelay $0x4  }
0x15a: {  	v63 =	vshrl.u32 v3, $0x3  }
0x15b: {  	v4 =	vmul.u32 $0x30, v63  }
0x15c: {  	v3 =	vand.u32 $0x7, v3  }
0x15d: {  	v3 =	vor.u32 v3, v4  }
0x15e: {  	v4 =	vperm.xlane v3, v0;
	_ =	sdelay $0x1  }
0x15f: {  	v4 =	vadd.s32 v1, v4;
	_ =	sdelay $0x3  }
0x160: {  	v3 =	vperm.xlane v3, v2  }
0x161: {  	[tilespmem:s1], [sflag:$0x1] =	stream.indirect_vreg.gather [hbm4b:s3+s2], $0x80, v4, vm0, $0xb8;
	[tilespmem:$0x18400] =	vst v63  }
0x162: {  	v3 =	vadd.s32 v1, v3  }
0x163: {  	[tilespmem:s8], [sflag:$0x1] =	stream.indirect_vreg.gather [hbm4b:s5+s2], $0x80, v4, vm0, $0xb8;
	[tilespmem:$0x18400] =	vst v63  }
0x164: {  	_ = 	snop  }
0x165: {  	[tilespmem:s9], [sflag:$0x1] =	stream.indirect_vreg.gather [hbm4b:s6+s2], $0x80, v4, vm0, $0xb8;
	[tilespmem:$0x18400] =	vst v63  }
0x166: {  	_ = 	snop  }
0x167: {  	[tilespmem:s13], [sflag:$0x1] =	stream.indirect_vreg.gather [hbm4b:s3+s2], $0x80, v3, vm0, $0xb8;
	[tilespmem:$0x18400] =	vst v63  }
0x168: {  	_ = 	snop  }
0x169: {  	[tilespmem:s14], [sflag:$0x1] =	stream.indirect_vreg.gather [hbm4b:s5+s2], $0x80, v3, vm0, $0xb8;
	[tilespmem:$0x18400] =	vst v63  }
0x16a: {  	_ = 	snop  }
0x16b: {  	[tilespmem:s15], [sflag:$0x1] =	stream.indirect_vreg.gather [hbm4b:s6+s2], $0x80, v3, vm0, $0xb8;
	[tilespmem:$0x18400] =	vst v63  }
0x16c: {  	_ =	swait.ge [sflag:s16], $0x3000  }
0x16d: {  	[sflag:s16] =	ssyncset.done $0x0  }
0x16e: {  	[sflag:s16] =	ssyncadd.s32 $0xFFFFD000  }
0x16f: {  	_ =	swait.ge [sflag:s16], $0x3000  }
0x170: {  	[sflag:s16] =	ssyncset.done $0x0  }
0x171: {  	[sflag:s16] =	ssyncadd.s32 $0xFFFFD000  }
0x172: {  	_ =	swait.ge [sflag:s16], $0x3000  }
0x173: {  	[sflag:s16] =	ssyncset.done $0x0  }
0x174: {  	[sflag:s16] =	ssyncadd.s32 $0xFFFFD000  }
0x175: {  	_ =	swait.ge [sflag:s16], $0x3000  }
0x176: {  	[sflag:s16] =	ssyncset.done $0x0  }
0x177: {  	[sflag:s16] =	ssyncadd.s32 $0xFFFFD000  }
0x178: {  	_ =	swait.ge [sflag:s16], $0x3000  }
0x179: {  	[sflag:s16] =	ssyncset.done $0x0  }
0x17a: {  	[sflag:s16] =	ssyncadd.s32 $0xFFFFD000  }
0x17b: {  	_ =	swait.ge [sflag:s16], $0x3000  }
0x17c: {  	[sflag:s16] =	ssyncset.done $0x0  }
0x17d: {  	[sflag:s16] =	ssyncadd.s32 $0xFFFFD000  }
0x17e: {  	_ =	swait.ge [sflag:s16], $0x3000  }
0x17f: {  	[sflag:s16] =	ssyncset.done $0x0  }
0x180: {  	[sflag:s16] =	ssyncadd.s32 $0xFFFFD000  }
0x181: {  	_ =	swait.ge [sflag:s16], $0x3000  }
0x182: {  	[sflag:s16] =	ssyncset.done $0x0  }
.Ltmp3:
0x183: {  	s17 =	rddreg [dreg:$0x4];
	[sflag:s16] =	ssyncadd.s32 $0xFFFFD000;
	(pc) =	sbr.rel .LBB2_3-.Ltmp3, $4  }
0x184: {  	[hbm4b:s17+s2] =	stream.linear.scatter [tilespmem:s12], [sflag:$0x2], $0x18000, $0x38;
	[tilespmem:$0x18400] =	vst v63  }
0x185: {  	_ =	swait.ge [sflag:s11], $0x18000  }
0x186: {  	[sflag:s11] =	ssyncset.done $0x0  }
0x187: {  	[sflag:s11] =	ssyncadd.s32 $0xFFFE8000  }
.LBB2_4:
0x188: {  	_ =	sfence.sel $0x180000  }
0x189: {  	[bflag:$0x0] =	sbarrier.arrive $0xFFFF  }
0x18a: {  	_ =	strace $0x90000047  }
0x18b: {  	s0 =	stileid.u32;
	[bflag:$0x2] =	sbarrier.arrive $0xFFFF  }
0x18c: {  	p0 =	sne.s32 s0, $0x0;
	s0 =	rddreg [dreg:$0x2]  }
0x18d: {  	s0 =	sadd.s32 @!p0 $0x100000, s0  }
0x18e: {  	[sflag:s0] =	ssyncadd.tile.s32 @!p0 $0x1;
	_ =	shalt  }
.Lfunc_end2:
_tile_overlayer_lowered:
.L_overlay_start_2:
0x18f: {  	(tag) =	ssettag $0x2  }
0x190: {  	s0 =	rddreg [dreg:$0x0];
	s2 =	stileid.u32  }
0x191: {  	s1 =	rddreg [dreg:$0x1];
	p0 =	sne.s32 s2, $0x0  }
0x192: {  	s3 =	rddreg [dreg:$0x2];
	[bflag:$0x3] =	sbarrier.arrive $0xFFFF;
	s2 =	simm.s32 @!p0 $0x1C02  }
0x193: {  	[timem:s3], [sflag:s2] =	dma.local @!p0 [hbm:s0], s1  }
0x194: {  	s0 =	simm.s32 @!p0 $0x2  }
0x195: {  	_ =	swait.ge @!p0 [sflag:s0], s1  }
0x196: {  	s1 =	ssub.s32 @!p0 $0x0, s1;
	[sflag:s0] =	ssyncset.done @!p0 $0x0  }
0x197: {  	[sflag:s0] =	ssyncadd.s32 @!p0 s1  }
0x198: {  	[bflag:$0x3] =	sbarrier.arrive $0xFFFF  }
0x199: {  	_ =	shalt  }

// kernel: kernel.9.cloned.1.call-start
scs
__scs_entry_jumppad:
0x0: {  	(pc) =	sbr.rel $0x88, $3  }
0x1: {  	(tag) =	ssettag $0x0;
	lr =	simm.s32 $0x1  }
0x2: {  	[smem:$0x3F9C] =	sst lr;
	_ =	strace $0xD0000000  }
0x3: {  	_ = 	snop  }
0x4: {  	_ = 	snop  }
0x5: {  	_ = 	snop  }
0x6: {  	_ = 	snop  }
0x7: {  	_ = 	snop  }
__scs_overlays_trampoline_lowered:
0x8: {  	[smem:$0x3FAB] =	sst s0  }
0x9: {  	[smem:$0x3FAC] =	sst s1  }
0xa: {  	[smem:$0x3FAD] =	sst s2  }
0xb: {  	[smem:$0x3FAE] =	sst s3  }
0xc: {  	[smem:$0x3FAF] =	sst s4  }
0xd: {  	[smem:$0x3FB0] =	sst s5  }
0xe: {  	[smem:$0x3FB1] =	sst s6  }
0xf: {  	[smem:$0x3FB2] =	sst s7  }
0x10: {  	[smem:$0x3FB3] =	sst s8  }
0x11: {  	[smem:$0x3FB4] =	sst s9;
	s0 =	simm.s32 @!p0 $0x0  }
0x12: {  	s1 =	sld [smem:$0x3F9A];
	s0 =	simm.s32 @p0 $0x1  }
0x13: {  	[smem:$0x3FB5] =	sst s0;
	s0 =	simm.s32 @!p1 $0x0  }
0x14: {  	s2 =	sld [smem:$0x3F99];
	s0 =	simm.s32 @p1 $0x1  }
0x15: {  	[smem:$0x3FB6] =	sst s0;
	s0 =	simm.s32 @!p2 $0x0  }
0x16: {  	s3 =	sld [smem:$0x3FDB];
	s0 =	simm.s32 @p2 $0x1  }
0x17: {  	s4 =	simm.s32 $0x1BF5;
	[smem:$0x3FB8] =	sst s0  }
0x18: {  	s0 =	sld [smem:$0x3F9B];
	_ =	swait.ge [sflag:s4], $0x0  }
0x19: {  	s7 =	sld [smem:$0x3F9C]  }
0x1a: {  	s8 =	sadd.s32 $0xFFFFE003, lr  }
0x1b: {  	s9 =	sadd.s32 $0xFFFFFEF7, lr;
	s5 =	simm.s32 $0xFFFFFFFF;
	p2 =	slt.u32 s8, $0xFFFFF086  }
0x1c: {  	p1 =	slt.u32 s9, $0xF7A;
	s5 =	simm.s32 @!p2 $0x0  }
0x1d: {  	s5 =	simm.s32 @p1 $0x1;
	p0 =	seq.s32 s7, s2  }
0x1e: {  	s7 =	smul.u32 @!p0 $0xF7A, s2;
	p2 =	seq.s32 @!p0 s5, $0x0  }
0x1f: {  	s9 =	smul.u32 $0xF7A, s1;
	s8 =	simm.s32 @!p0 $0x1BF5;
	p2 =	por !p2, p0  }
0x20: {  	[sflag:s8] =	ssyncset.s32 @!p0 $0xFFFFF086;
	s6 =	sadd.s32 @!p0 s3, s7;
	s7 =	simm.s32 @!p0 $0x108  }
0x21: {  	s3 =	sadd.s32 s3, s9;
	s6 =	sadd.s32 @!p0 $0x88, s6;
	s7 =	simm.s32 @p2 $0x1082  }
0x22: {  	[simem:s7], [sflag:s8] =	dma.local @!p0 [hbm:s6], $0xF7A  }
0x23: {  	s9 =	sor.u32 $0xD0000000, s2;
	s6 =	simm.s32 $0x108;
	_ =	swait.ge @!p0 [sflag:s8], $0x0  }
0x24: {  	s3 =	sadd.s32 $0x88, s3;
	s6 =	simm.s32 @!p1 $0x1082;
	[sflag:s4] =	ssyncset.s32 $0xFFFFF086  }
0x25: {  	[simem:s6], [sflag:s4] =	dma.local [hbm:s3], $0xF7A  }
0x26: {  	[smem:$0x3F9C] =	sst s1;
	(tag) =	ssettag s2;
	_ =	strace s9  }
0x27: {  	s1 =	sld [smem:$0x3FAC]  }
0x28: {  	s2 =	sld [smem:$0x3FAD]  }
0x29: {  	s4 =	sld [smem:$0x3FAF]  }
0x2a: {  	p0 =	seq.s32 s5, $0x0;
	s5 =	sld [smem:$0x3FB0]  }
0x2b: {  	s6 =	sld [smem:$0x3FB1]  }
0x2c: {  	s7 =	sld [smem:$0x3FB2]  }
0x2d: {  	s3 =	simm.s32 $0x108;
	s8 =	sld [smem:$0x3FB3]  }
0x2e: {  	s3 =	simm.s32 @!p0 $0x1082;
	s9 =	sld [smem:$0x3FB4]  }
0x2f: {  	lr =	sadd.s32 s0, s3;
	s0 =	sld [smem:$0x3FAB]  }
0x30: {  	s3 =	sld [smem:$0x3FAE]  }
0x31: {  	[smem:$0x3FB7] =	sst s10  }
0x32: {  	s10 =	sld [smem:$0x3FB5];
	_ =	sdelay $0x3  }
0x33: {  	p0 =	seq.s32 s10, $0x1;
	s10 =	sld [smem:$0x3FB7];
	_ =	sdelay $0x3  }
0x34: {  	[smem:$0x3FB7] =	sst s10  }
0x35: {  	s10 =	sld [smem:$0x3FB6];
	_ =	sdelay $0x3  }
0x36: {  	p1 =	seq.s32 s10, $0x1;
	s10 =	sld [smem:$0x3FB7];
	_ =	sdelay $0x3  }
0x37: {  	[smem:$0x3FB7] =	sst s10  }
0x38: {  	s10 =	sld [smem:$0x3FB8]  }
0x39: {  	_ = 	snop;
	(pc) =	sbr.ind lr, $3  }
0x3a: {  	_ = 	snop  }
0x3b: {  	_ = 	snop  }
0x3c: {  	p2 =	seq.s32 s10, $0x1;
	s10 =	sld [smem:$0x3FB7]  }
0x3d: {  	_ =	shalt  }
0x3e: {  	_ =	shalt  }
0x3f: {  	_ =	shalt  }
0x40: {  	_ =	shalt  }
0x41: {  	_ =	shalt  }
0x42: {  	_ =	shalt  }
0x43: {  	_ =	shalt  }
0x44: {  	_ =	shalt  }
0x45: {  	_ =	shalt  }
0x46: {  	_ =	shalt  }
0x47: {  	_ =	shalt  }
0x48: {  	_ =	shalt  }
0x49: {  	_ =	shalt  }
0x4a: {  	_ =	shalt  }
0x4b: {  	_ =	shalt  }
0x4c: {  	_ =	shalt  }
0x4d: {  	_ =	shalt  }
0x4e: {  	_ =	shalt  }
0x4f: {  	_ =	shalt  }
0x50: {  	_ =	shalt  }
0x51: {  	_ =	shalt  }
0x52: {  	_ =	shalt  }
0x53: {  	_ =	shalt  }
0x54: {  	_ =	shalt  }
0x55: {  	_ =	shalt  }
0x56: {  	_ =	shalt  }
0x57: {  	_ =	shalt  }
0x58: {  	_ =	shalt  }
0x59: {  	_ =	shalt  }
0x5a: {  	_ =	shalt  }
0x5b: {  	_ =	shalt  }
0x5c: {  	_ =	shalt  }
0x5d: {  	_ =	shalt  }
0x5e: {  	_ =	shalt  }
0x5f: {  	_ =	shalt  }
0x60: {  	_ =	shalt  }
0x61: {  	_ =	shalt  }
0x62: {  	_ =	shalt  }
0x63: {  	_ =	shalt  }
0x64: {  	_ =	shalt  }
0x65: {  	_ =	shalt  }
0x66: {  	_ =	shalt  }
0x67: {  	_ =	shalt  }
0x68: {  	_ =	shalt  }
0x69: {  	_ =	shalt  }
0x6a: {  	_ =	shalt  }
0x6b: {  	_ =	shalt  }
0x6c: {  	_ =	shalt  }
0x6d: {  	_ =	shalt  }
0x6e: {  	_ =	shalt  }
0x6f: {  	_ =	shalt  }
0x70: {  	_ =	shalt  }
0x71: {  	_ =	shalt  }
0x72: {  	_ =	shalt  }
0x73: {  	_ =	shalt  }
0x74: {  	_ =	shalt  }
0x75: {  	_ =	shalt  }
0x76: {  	_ =	shalt  }
0x77: {  	_ =	shalt  }
0x78: {  	_ =	shalt  }
0x79: {  	_ =	shalt  }
0x7a: {  	_ =	shalt  }
0x7b: {  	_ =	shalt  }
0x7c: {  	_ =	shalt  }
0x7d: {  	_ =	shalt  }
0x7e: {  	_ =	shalt  }
0x7f: {  	_ =	shalt  }
0x80: {  	_ =	shalt  }
0x81: {  	_ =	shalt  }
0x82: {  	_ =	shalt  }
0x83: {  	_ =	shalt  }
0x84: {  	_ =	shalt  }
0x85: {  	_ =	shalt  }
0x86: {  	_ =	shalt  }
0x87: {  	_ =	shalt  }
.Lfunc_end0:
.L_simem_size_0:
called_computation.1_lowered:
.L_overlay_start_0:
0x88: {  	s2 =	sld [smem:$0x3FD9]  }
0x89: {  	s3 =	sld [smem:$0x3FFE];
	_ =	sdelay $0x1  }
0x8a: {  	s1 =	srdreg.scid  }
0x8b: {  	s0 =	sand.u32 $0x1, s1  }
0x8c: {  	s14 =	sshll.u32 s0, $0xA;
	s2 =	sadd.s32 s3, s2  }
0x8d: {  	s2 =	sadd.s32 s2, s14  }
0x8e: {  	[smem:$0x3FC3] =	sst s2  }
0x8f: {  	_ = 	snop  }
0x90: {  	s2 =	sld [smem:$0x3FD0];
	_ =	sdelay $0x2  }
0x91: {  	s15 =	simm.s32 $0xA;
	s4 =	simm.s32 $0x10  }
0x92: {  	[smem:s4], [sflag:s15] =	dma.local [hbm:s2], $0x1  }
0x93: {  	_ =	swait.eq [sflag:s15], $0x1  }
0x94: {  	[sflag:s15] =	ssyncset.done $0x0  }
0x95: {  	[sflag:s15] =	ssyncadd.s32 $0xFFFFFFFF  }
0x96: {  	s16 =	sld [smem:$0x10];
	(tm) =	ssettm $0x1  }
0x97: {  	s17 =	sld [smem:$0x3FFB];
	_ =	sdelay $0x3  }
0x98: {  	_ =	strace s17  }
0x99: {  	s3 =	sld [smem:$0x3FFC];
	_ =	sdelay $0x3  }
0x9a: {  	_ =	strace s3  }
0x9b: {  	s3 =	sld [smem:$0x3FFD];
	_ =	sdelay $0x3  }
0x9c: {  	_ =	strace s3  }
0x9d: {  	_ =	strace $0x8FFFFFFF  }
0x9e: {  	s18 =	sld [smem:$0x3FDB];
	_ =	sdelay $0x1  }
0x9f: {  	s19 =	simm.s32 $_scs_section_size  }
0xa0: {  	s5 =	simm.s32 $_size__tile_overlayer_lowered;
	s6 =	simm.s32 $_tile_overlayer_lowered  }
0xa1: {  	s22 =	simm.s32 $0x1BFF;
	s21 =	sshll.u32 s6, $0x1;
	s3 =	sadd.s32 s19, s18  }
0xa2: {  	s7 =	simm.s32 $0x0;
	s20 =	sshll.u32 s5, $0x1;
	s5 =	sadd.s32 s21, s3  }
0xa3: {  	[timem:s7], [sflag:s22] =	dma.local [hbm:s5], s20  }
0xa4: {  	_ =	swait.ge [sflag:s22], s20  }
0xa5: {  	s4 =	ssub.s32 $0x0, s20;
	[sflag:s22] =	ssyncset.done $0x0  }
0xa6: {  	[sflag:s22] =	ssyncadd.s32 s4;
	_ =	sdelay $0x1  }
0xa7: {  	s23 =	simm.s32 $0x1B8B  }
0xa8: {  	_ =	swait.ge [sflag:s23], $0x1  }
0xa9: {  	[sflag:s23] =	ssyncset.done $0x0  }
0xaa: {  	s25 =	simm.s32 $0x1B8E;
	s24 =	sld [smem:$0x3FFE];
	[sflag:s23] =	ssyncadd.s32 $0xFFFFFFFF  }
0xab: {  	s26 =	simm.s32 $execute0_lowered;
	[smem:$0x3FD2] =	sst s25  }
0xac: {  	s5 =	sshll.u32 s26, $0x1;
	_ =	strace $0x80000049;
	[dreg:$0x1] =	wrdreg $0xFFFFFFFF  }
0xad: {  	s28 =	simm.s32 $_size_execute0_lowered;
	s3 =	sadd.s32 s3, s5;
	[dreg:$0x0] =	wrdreg $0x0  }
0xae: {  	s5 =	sshll.u32 s28, $0x1;
	[dreg:$0x2] =	wrdreg s3  }
0xaf: {  	[dreg:$0x3] =	wrdreg s5  }
0xb0: {  	[dreg:$0x4] =	wrdreg $0xC0  }
0xb1: {  	_ =	task [dreg:s7], $0x5FFFF  }
0xb2: {  	[dreg:$0x1] =	wrdreg $0xFFFFFFFF  }
0xb3: {  	[dreg:$0x0] =	wrdreg $0x60  }
0xb4: {  	[dreg:$0x2] =	wrdreg s24  }
0xb5: {  	[dreg:$0x3] =	wrdreg s16  }
0xb6: {  	[dreg:$0x4] =	wrdreg $0x9  }
0xb7: {  	_ =	task.clear_ibuf [dreg:s7], $0x5FFFF;
	_ =	strace $0x90000049  }
0xb8: {  	s29 =	simm.s32 $0x9;
	_ =	strace $0x8000004B  }
0xb9: {  	_ =	swait.ge [sflag:s29], $0x1  }
0xba: {  	[sflag:s29] =	ssyncadd.s32 $0xFFFFFFFF  }
0xbb: {  	_ =	strace $0x9000004B  }
0xbc: {  	_ =	sfence  }
0xbd: {  	s30 =	sld [smem:$0x0];
	_ =	sdelay $0x2  }
0xbe: {  	s31 =	sshll.u32 s1, $0xD;
	s1 =	sshrl.u32 s1, $0x2  }
0xbf: {  	s3 =	sand.u32 $0x4000, s31;
	s1 =	sadd.s32 s1, s30  }
0xc0: {  	s0 =	sor.u32 s3, s0;
	s1 =	sshll.u32 s1, $0x11  }
0xc1: {  	s0 =	sor.u32 s1, s0  }
0xc2: {  	s0 =	sadd.s32 $0x8F2B, s0  }
0xc3: {  	[sflag:s0] =	ssyncadd.remote.s32 $0x1  }
0xc4: {  	_ =	sfence.sel $0xFFFF  }
0xc5: {  	[dreg:$0x0] =	wrdreg $0xFFFFFFFF;
	(pc) =	sbr.abs _section_cstart, $3  }
0xc6: {  	[dreg:$0x1] =	wrdreg $0xFFFFFFFF  }
0xc7: {  	_ =	task.clear_ibuf [dreg:s7], $0x2FFFF;
	_ =	strace $0x9FFFFFFF  }
0xc8: {  	(tm) =	ssettm $0x7FFFFFFF  }
0xc9: {  	_ =	shalt  }
tec
execute0_lowered:
.L_overlay_start_1:
0x0: {  	(tag) =	ssettag $0x1  }
0x1: {  	s0 =	rddreg [dreg:$0x0]  }
0x2: {  	s1 =	srdreg.scid;
	s2 =	stileid.u32  }
0x3: {  	s8 =	rddreg [dreg:$0x1];
	s11 =	simm.s32 $0x2;
	s12 =	simm.s32 $0x400  }
0x4: {  	s17 =	simm.s32 $0xC00;
	s19 =	simm.s32 $0xEC00;
	s20 =	simm.s32 $0xF400  }
0x5: {  	s21 =	simm.s32 $0xFC00;
	s22 =	simm.s32 $0x10400;
	s23 =	simm.s32 $0x10C00  }
0x6: {  	s24 =	simm.s32 $0x11400;
	s25 =	simm.s32 $0x11C00;
	s26 =	simm.s32 $0x12400  }
0x7: {  	s28 =	simm.s32 $0x12C00;
	s29 =	simm.s32 $0x13400;
	s30 =	simm.s32 $0x13C00  }
0x8: {  	s31 =	simm.s32 $0x14400;
	s13 =	simm.s32 $0x16C00;
	s14 =	simm.s32 $0x17400  }
0x9: {  	s15 =	simm.s32 $0x17C00;
	s16 =	simm.s32 $0x1;
	s1 =	sand.u32 $0x1, s1  }
0xa: {  	s3 =	sshll.u32 s2, $0x1;
	s2 =	simm.s32 $0x0;
	s7 =	sadd.s32 $0x1600, s0  }
0xb: {  	s9 =	sor.u32 s1, s3;
	[smem:$0x7FF] =	sst s2;
	s1 =	ssub.s32 $0x2, s1  }
0xc: {  	s3 =	smul.u32 $0x3000, s9;
	_ =	strace $0x8000004A;
	s4 =	sshrl.u32 s1, $0x1  }
0xd: {  	s6 =	sshll.u32 s9, $0x7;
	p0 =	sne.s32 s9, $0x0;
	s9 =	simm.s32 $0x16400  }
.Ltmp0:
0xe: {  	s1 =	ssub.s32 s1, s4;
	s4 =	sadd.s32 s8, s6;
	(pc) =	sbr.rel .LBB2_1-.Ltmp0, $4  }
0xf: {  	s6 =	sadd.s32 $0x1500, s0;
	s8 =	sadd.s32 $0x1000, s8;
	s5 =	sadd.s32 s3, s0  }
0x10: {  	v2 =	vlaneseq.u32;
	s3 =	sadd.s32 $0x1400, s0;
	[dreg:$0x3] =	wrdreg s8;
	s0 =	sadd.s32 $0xF4800, s0  }
0x11: {  	vm0 =	vmmov $0xffff;
	v1 =	vshrl.u32 v2, $0x3;
	s10 =	smax.u32 s1, $0x1;
	s1 =	simm.s32 $0x14C00;
	s8 =	simm.s32 $0x15C00  }
0x12: {  	v0 =	vand.u32 $0x7, v2;
	v2 =	vor.u32 $0x8, v2;
	v1 =	vmul.u32 $0x8, v1;
	s5 =	sadd.s32 $0x94800, s5;
	[dreg:$0x4] =	wrdreg s0;
	s0 =	simm.s32 $0x15400  }
.LBB2_3:
0x13: {  	s10 =	sadd.s32 $0xFFFFFFFF, s10  }
0x14: {  	p1 =	sne.s32 s10, $0x0  }
.Ltmp1:
0x15: {  	_ = 	snop;
	(pc) =	sbr.rel @!p1 .LBB2_4-.Ltmp1, $1  }
0x16: {  	_ =	sdelay $0x3  }
.LBB2_1:
0x17: {  	[tilespmem:s2], [sflag:$0x2] =	stream.linear.gather [hbm4b:s4+s2], $0x400, $0x38;
	[tilespmem:$0x18400] =	vst v63  }
0x18: {  	_ =	swait.ge [sflag:s11], $0x400  }
0x19: {  	[sflag:s11] =	ssyncset.done $0x0  }
0x1a: {  	[sflag:s11] =	ssyncadd.s32 $0xFFFFFC00  }
0x1b: {  	[tilespmem:s12], [sflag:$0x2] =	stream.linear.gather [hbm4b:s5+s2], $0x18000, $0x38;
	[tilespmem:$0x18400] =	vst v63  }
0x1c: {  	_ =	swait.ge [sflag:s11], $0x18000  }
0x1d: {  	[sflag:s11] =	ssyncset.done $0x0  }
0x1e: {  	[sflag:s11] =	ssyncadd.s32 $0xFFFE8000  }
0x1f: {  	v3 =	vld [tilespmem:$0x0];
	_ =	sdelay $0x4  }
0x20: {  	v4 =	vshrl.u32 v3, $0x3  }
0x21: {  	v4 =	vmul.u32 $0x30, v4  }
0x22: {  	v3 =	vand.u32 $0x7, v3  }
0x23: {  	v3 =	vor.u32 v3, v4  }
0x24: {  	v4 =	vperm.xlane v3, v0;
	_ =	sdelay $0x1  }
0x25: {  	v4 =	vadd.s32 v1, v4;
	_ =	sdelay $0x3  }
0x26: {  	v3 =	vperm.xlane v3, v2  }
0x27: {  	[hbm4b:s3+s2] =	stream.indirect_vreg.scatter [tilespmem:s12], [sflag:$0x1], $0x80, v4, vm0, $0xb8;
	[tilespmem:$0x18400] =	vst v63  }
0x28: {  	v3 =	vadd.s32 v1, v3  }
0x29: {  	[hbm4b:s6+s2] =	stream.indirect_vreg.scatter [tilespmem:s17], [sflag:$0x1], $0x80, v4, vm0, $0xb8;
	[tilespmem:$0x18400] =	vst v63  }
0x2a: {  	s18 =	simm.s32 $0x1400  }
0x2b: {  	[hbm4b:s7+s2] =	stream.indirect_vreg.scatter [tilespmem:s18], [sflag:$0x1], $0x80, v4, vm0, $0xb8;
	[tilespmem:$0x18400] =	vst v63  }
0x2c: {  	s18 =	simm.s32 $0x1C00  }
0x2d: {  	[hbm4b:s3+s2] =	stream.indirect_vreg.scatter [tilespmem:s18], [sflag:$0x1], $0x80, v3, vm0, $0xb8;
	[tilespmem:$0x18400] =	vst v63  }
0x2e: {  	s18 =	simm.s32 $0x2400  }
0x2f: {  	[hbm4b:s6+s2] =	stream.indirect_vreg.scatter [tilespmem:s18], [sflag:$0x1], $0x80, v3, vm0, $0xb8;
	[tilespmem:$0x18400] =	vst v63  }
0x30: {  	s18 =	simm.s32 $0x2C00  }
0x31: {  	[hbm4b:s7+s2] =	stream.indirect_vreg.scatter [tilespmem:s18], [sflag:$0x1], $0x80, v3, vm0, $0xb8;
	[tilespmem:$0x18400] =	vst v63  }
0x32: {  	v3 =	vld [tilespmem:$0x80];
	_ =	sdelay $0x4  }
0x33: {  	v57 =	vshrl.u32 v3, $0x3  }
0x34: {  	v4 =	vmul.u32 $0x30, v57  }
0x35: {  	v3 =	vand.u32 $0x7, v3  }
0x36: {  	v3 =	vor.u32 v3, v4  }
0x37: {  	v4 =	vperm.xlane v3, v0;
	_ =	sdelay $0x1  }
0x38: {  	v4 =	vadd.s32 v1, v4;
	_ =	sdelay $0x3  }
0x39: {  	s18 =	simm.s32 $0x3400;
	v3 =	vperm.xlane v3, v2  }
0x3a: {  	[hbm4b:s3+s2] =	stream.indirect_vreg.scatter [tilespmem:s18], [sflag:$0x1], $0x80, v4, vm0, $0xb8;
	[tilespmem:$0x18400] =	vst v63  }
0x3b: {  	v3 =	vadd.s32 v1, v3;
	s18 =	simm.s32 $0x3C00  }
0x3c: {  	[hbm4b:s6+s2] =	stream.indirect_vreg.scatter [tilespmem:s18], [sflag:$0x1], $0x80, v4, vm0, $0xb8;
	[tilespmem:$0x18400] =	vst v63  }
0x3d: {  	s18 =	simm.s32 $0x4400  }
0x3e: {  	[hbm4b:s7+s2] =	stream.indirect_vreg.scatter [tilespmem:s18], [sflag:$0x1], $0x80, v4, vm0, $0xb8;
	[tilespmem:$0x18400] =	vst v63  }
0x3f: {  	s18 =	simm.s32 $0x4C00  }
0x40: {  	[hbm4b:s3+s2] =	stream.indirect_vreg.scatter [tilespmem:s18], [sflag:$0x1], $0x80, v3, vm0, $0xb8;
	[tilespmem:$0x18400] =	vst v63  }
0x41: {  	s18 =	simm.s32 $0x5400  }
0x42: {  	[hbm4b:s6+s2] =	stream.indirect_vreg.scatter [tilespmem:s18], [sflag:$0x1], $0x80, v3, vm0, $0xb8;
	[tilespmem:$0x18400] =	vst v63  }
0x43: {  	s18 =	simm.s32 $0x5C00  }
0x44: {  	[hbm4b:s7+s2] =	stream.indirect_vreg.scatter [tilespmem:s18], [sflag:$0x1], $0x80, v3, vm0, $0xb8;
	[tilespmem:$0x18400] =	vst v63  }
0x45: {  	v3 =	vld [tilespmem:$0x100];
	_ =	sdelay $0x4  }
0x46: {  	v58 =	vshrl.u32 v3, $0x3  }
0x47: {  	v4 =	vmul.u32 $0x30, v58  }
0x48: {  	v3 =	vand.u32 $0x7, v3  }
0x49: {  	v3 =	vor.u32 v3, v4  }
0x4a: {  	v4 =	vperm.xlane v3, v0;
	_ =	sdelay $0x1  }
0x4b: {  	v4 =	vadd.s32 v1, v4;
	_ =	sdelay $0x3  }
0x4c: {  	s18 =	simm.s32 $0x6400;
	v3 =	vperm.xlane v3, v2  }
0x4d: {  	[hbm4b:s3+s2] =	stream.indirect_vreg.scatter [tilespmem:s18], [sflag:$0x1], $0x80, v4, vm0, $0xb8;
	[tilespmem:$0x18400] =	vst v63  }
0x4e: {  	v3 =	vadd.s32 v1, v3;
	s18 =	simm.s32 $0x6C00  }
0x4f: {  	[hbm4b:s6+s2] =	stream.indirect_vreg.scatter [tilespmem:s18], [sflag:$0x1], $0x80, v4, vm0, $0xb8;
	[tilespmem:$0x18400] =	vst v63  }
0x50: {  	s18 =	simm.s32 $0x7400  }
0x51: {  	[hbm4b:s7+s2] =	stream.indirect_vreg.scatter [tilespmem:s18], [sflag:$0x1], $0x80, v4, vm0, $0xb8;
	[tilespmem:$0x18400] =	vst v63  }
0x52: {  	s18 =	simm.s32 $0x7C00  }
0x53: {  	[hbm4b:s3+s2] =	stream.indirect_vreg.scatter [tilespmem:s18], [sflag:$0x1], $0x80, v3, vm0, $0xb8;
	[tilespmem:$0x18400] =	vst v63  }
0x54: {  	s18 =	simm.s32 $0x8400  }
0x55: {  	[hbm4b:s6+s2] =	stream.indirect_vreg.scatter [tilespmem:s18], [sflag:$0x1], $0x80, v3, vm0, $0xb8;
	[tilespmem:$0x18400] =	vst v63  }
0x56: {  	s18 =	simm.s32 $0x8C00  }
0x57: {  	[hbm4b:s7+s2] =	stream.indirect_vreg.scatter [tilespmem:s18], [sflag:$0x1], $0x80, v3, vm0, $0xb8;
	[tilespmem:$0x18400] =	vst v63  }
0x58: {  	v3 =	vld [tilespmem:$0x180];
	_ =	sdelay $0x4  }
0x59: {  	v59 =	vshrl.u32 v3, $0x3  }
0x5a: {  	v4 =	vmul.u32 $0x30, v59  }
0x5b: {  	v3 =	vand.u32 $0x7, v3  }
0x5c: {  	v3 =	vor.u32 v3, v4  }
0x5d: {  	v4 =	vperm.xlane v3, v0;
	_ =	sdelay $0x1  }
0x5e: {  	v4 =	vadd.s32 v1, v4;
	_ =	sdelay $0x3  }
0x5f: {  	s18 =	simm.s32 $0x9400;
	v3 =	vperm.xlane v3, v2  }
0x60: {  	[hbm4b:s3+s2] =	stream.indirect_vreg.scatter [tilespmem:s18], [sflag:$0x1], $0x80, v4, vm0, $0xb8;
	[tilespmem:$0x18400] =	vst v63  }
0x61: {  	v3 =	vadd.s32 v1, v3;
	s18 =	simm.s32 $0x9C00  }
0x62: {  	[hbm4b:s6+s2] =	stream.indirect_vreg.scatter [tilespmem:s18], [sflag:$0x1], $0x80, v4, vm0, $0xb8;
	[tilespmem:$0x18400] =	vst v63  }
0x63: {  	s18 =	simm.s32 $0xA400  }
0x64: {  	[hbm4b:s7+s2] =	stream.indirect_vreg.scatter [tilespmem:s18], [sflag:$0x1], $0x80, v4, vm0, $0xb8;
	[tilespmem:$0x18400] =	vst v63  }
0x65: {  	s18 =	simm.s32 $0xAC00  }
0x66: {  	[hbm4b:s3+s2] =	stream.indirect_vreg.scatter [tilespmem:s18], [sflag:$0x1], $0x80, v3, vm0, $0xb8;
	[tilespmem:$0x18400] =	vst v63  }
0x67: {  	s18 =	simm.s32 $0xB400  }
0x68: {  	[hbm4b:s6+s2] =	stream.indirect_vreg.scatter [tilespmem:s18], [sflag:$0x1], $0x80, v3, vm0, $0xb8;
	[tilespmem:$0x18400] =	vst v63  }
0x69: {  	s18 =	simm.s32 $0xBC00  }
0x6a: {  	[hbm4b:s7+s2] =	stream.indirect_vreg.scatter [tilespmem:s18], [sflag:$0x1], $0x80, v3, vm0, $0xb8;
	[tilespmem:$0x18400] =	vst v63  }
0x6b: {  	v3 =	vld [tilespmem:$0x200];
	_ =	sdelay $0x4  }
0x6c: {  	v60 =	vshrl.u32 v3, $0x3  }
0x6d: {  	v4 =	vmul.u32 $0x30, v60  }
0x6e: {  	v3 =	vand.u32 $0x7, v3  }
0x6f: {  	v3 =	vor.u32 v3, v4  }
0x70: {  	v4 =	vperm.xlane v3, v0;
	_ =	sdelay $0x1  }
0x71: {  	v4 =	vadd.s32 v1, v4;
	_ =	sdelay $0x3  }
0x72: {  	s18 =	simm.s32 $0xC400;
	v3 =	vperm.xlane v3, v2  }
0x73: {  	[hbm4b:s3+s2] =	stream.indirect_vreg.scatter [tilespmem:s18], [sflag:$0x1], $0x80, v4, vm0, $0xb8;
	[tilespmem:$0x18400] =	vst v63  }
0x74: {  	v3 =	vadd.s32 v1, v3;
	s18 =	simm.s32 $0xCC00  }
0x75: {  	[hbm4b:s6+s2] =	stream.indirect_vreg.scatter [tilespmem:s18], [sflag:$0x1], $0x80, v4, vm0, $0xb8;
	[tilespmem:$0x18400] =	vst v63  }
0x76: {  	s18 =	simm.s32 $0xD400  }
0x77: {  	[hbm4b:s7+s2] =	stream.indirect_vreg.scatter [tilespmem:s18], [sflag:$0x1], $0x80, v4, vm0, $0xb8;
	[tilespmem:$0x18400] =	vst v63  }
0x78: {  	s18 =	simm.s32 $0xDC00  }
0x79: {  	[hbm4b:s3+s2] =	stream.indirect_vreg.scatter [tilespmem:s18], [sflag:$0x1], $0x80, v3, vm0, $0xb8;
	[tilespmem:$0x18400] =	vst v63  }
0x7a: {  	s18 =	simm.s32 $0xE400  }
0x7b: {  	[hbm4b:s6+s2] =	stream.indirect_vreg.scatter [tilespmem:s18], [sflag:$0x1], $0x80, v3, vm0, $0xb8;
	[tilespmem:$0x18400] =	vst v63  }
0x7c: {  	_ = 	snop  }
0x7d: {  	[hbm4b:s7+s2] =	stream.indirect_vreg.scatter [tilespmem:s19], [sflag:$0x1], $0x80, v3, vm0, $0xb8;
	[tilespmem:$0x18400] =	vst v63  }
0x7e: {  	v3 =	vld [tilespmem:$0x280];
	_ =	sdelay $0x4  }
0x7f: {  	v61 =	vshrl.u32 v3, $0x3  }
0x80: {  	v4 =	vmul.u32 $0x30, v61  }
0x81: {  	v3 =	vand.u32 $0x7, v3  }
0x82: {  	v3 =	vor.u32 v3, v4  }
0x83: {  	v4 =	vperm.xlane v3, v0;
	_ =	sdelay $0x1  }
0x84: {  	v4 =	vadd.s32 v1, v4;
	_ =	sdelay $0x3  }
0x85: {  	v3 =	vperm.xlane v3, v2  }
0x86: {  	[hbm4b:s3+s2] =	stream.indirect_vreg.scatter [tilespmem:s20], [sflag:$0x1], $0x80, v4, vm0, $0xb8;
	[tilespmem:$0x18400] =	vst v63  }
0x87: {  	v3 =	vadd.s32 v1, v3  }
0x88: {  	[hbm4b:s6+s2] =	stream.indirect_vreg.scatter [tilespmem:s21], [sflag:$0x1], $0x80, v4, vm0, $0xb8;
	[tilespmem:$0x18400] =	vst v63  }
0x89: {  	_ = 	snop  }
0x8a: {  	[hbm4b:s7+s2] =	stream.indirect_vreg.scatter [tilespmem:s22], [sflag:$0x1], $0x80, v4, vm0, $0xb8;
	[tilespmem:$0x18400] =	vst v63  }
0x8b: {  	_ = 	snop  }
0x8c: {  	[hbm4b:s3+s2] =	stream.indirect_vreg.scatter [tilespmem:s23], [sflag:$0x1], $0x80, v3, vm0, $0xb8;
	[tilespmem:$0x18400] =	vst v63  }
0x8d: {  	_ = 	snop  }
0x8e: {  	[hbm4b:s6+s2] =	stream.indirect_vreg.scatter [tilespmem:s24], [sflag:$0x1], $0x80, v3, vm0, $0xb8;
	[tilespmem:$0x18400] =	vst v63  }
0x8f: {  	_ = 	snop  }
0x90: {  	[hbm4b:s7+s2] =	stream.indirect_vreg.scatter [tilespmem:s25], [sflag:$0x1], $0x80, v3, vm0, $0xb8;
	[tilespmem:$0x18400] =	vst v63  }
0x91: {  	v3 =	vld [tilespmem:$0x300];
	_ =	sdelay $0x4  }
0x92: {  	v62 =	vshrl.u32 v3, $0x3  }
0x93: {  	v4 =	vmul.u32 $0x30, v62  }
0x94: {  	v3 =	vand.u32 $0x7, v3  }
0x95: {  	v3 =	vor.u32 v3, v4  }
0x96: {  	v4 =	vperm.xlane v3, v0;
	_ =	sdelay $0x1  }
0x97: {  	v4 =	vadd.s32 v1, v4;
	_ =	sdelay $0x3  }
0x98: {  	v3 =	vperm.xlane v3, v2  }
0x99: {  	[hbm4b:s3+s2] =	stream.indirect_vreg.scatter [tilespmem:s26], [sflag:$0x1], $0x80, v4, vm0, $0xb8;
	[tilespmem:$0x18400] =	vst v63  }
0x9a: {  	v3 =	vadd.s32 v1, v3  }
0x9b: {  	[hbm4b:s6+s2] =	stream.indirect_vreg.scatter [tilespmem:s28], [sflag:$0x1], $0x80, v4, vm0, $0xb8;
	[tilespmem:$0x18400] =	vst v63  }
0x9c: {  	_ = 	snop  }
0x9d: {  	[hbm4b:s7+s2] =	stream.indirect_vreg.scatter [tilespmem:s29], [sflag:$0x1], $0x80, v4, vm0, $0xb8;
	[tilespmem:$0x18400] =	vst v63  }
0x9e: {  	_ = 	snop  }
0x9f: {  	[hbm4b:s3+s2] =	stream.indirect_vreg.scatter [tilespmem:s30], [sflag:$0x1], $0x80, v3, vm0, $0xb8;
	[tilespmem:$0x18400] =	vst v63  }
0xa0: {  	_ = 	snop  }
0xa1: {  	[hbm4b:s6+s2] =	stream.indirect_vreg.scatter [tilespmem:s31], [sflag:$0x1], $0x80, v3, vm0, $0xb8;
	[tilespmem:$0x18400] =	vst v63  }
0xa2: {  	_ = 	snop  }
0xa3: {  	[hbm4b:s7+s2] =	stream.indirect_vreg.scatter [tilespmem:s1], [sflag:$0x1], $0x80, v3, vm0, $0xb8;
	[tilespmem:$0x18400] =	vst v63  }
0xa4: {  	v3 =	vld [tilespmem:$0x380];
	_ =	sdelay $0x4  }
0xa5: {  	v63 =	vshrl.u32 v3, $0x3  }
0xa6: {  	v4 =	vmul.u32 $0x30, v63  }
0xa7: {  	v3 =	vand.u32 $0x7, v3  }
0xa8: {  	v3 =	vor.u32 v3, v4  }
0xa9: {  	v4 =	vperm.xlane v3, v0;
	_ =	sdelay $0x1  }
0xaa: {  	v4 =	vadd.s32 v1, v4;
	_ =	sdelay $0x3  }
0xab: {  	v3 =	vperm.xlane v3, v2  }
0xac: {  	[hbm4b:s3+s2] =	stream.indirect_vreg.scatter [tilespmem:s0], [sflag:$0x1], $0x80, v4, vm0, $0xb8;
	[tilespmem:$0x18400] =	vst v63  }
0xad: {  	v3 =	vadd.s32 v1, v3  }
0xae: {  	[hbm4b:s6+s2] =	stream.indirect_vreg.scatter [tilespmem:s8], [sflag:$0x1], $0x80, v4, vm0, $0xb8;
	[tilespmem:$0x18400] =	vst v63  }
0xaf: {  	_ = 	snop  }
0xb0: {  	[hbm4b:s7+s2] =	stream.indirect_vreg.scatter [tilespmem:s9], [sflag:$0x1], $0x80, v4, vm0, $0xb8;
	[tilespmem:$0x18400] =	vst v63  }
0xb1: {  	_ = 	snop  }
0xb2: {  	[hbm4b:s3+s2] =	stream.indirect_vreg.scatter [tilespmem:s13], [sflag:$0x1], $0x80, v3, vm0, $0xb8;
	[tilespmem:$0x18400] =	vst v63  }
0xb3: {  	_ = 	snop  }
0xb4: {  	[hbm4b:s6+s2] =	stream.indirect_vreg.scatter [tilespmem:s14], [sflag:$0x1], $0x80, v3, vm0, $0xb8;
	[tilespmem:$0x18400] =	vst v63  }
0xb5: {  	_ = 	snop  }
0xb6: {  	[hbm4b:s7+s2] =	stream.indirect_vreg.scatter [tilespmem:s15], [sflag:$0x1], $0x80, v3, vm0, $0xb8;
	[tilespmem:$0x18400] =	vst v63  }
0xb7: {  	_ =	swait.ge [sflag:s16], $0x3000  }
0xb8: {  	[sflag:s16] =	ssyncset.done $0x0  }
0xb9: {  	[sflag:s16] =	ssyncadd.s32 $0xFFFFD000  }
0xba: {  	_ =	swait.ge [sflag:s16], $0x3000  }
0xbb: {  	[sflag:s16] =	ssyncset.done $0x0  }
0xbc: {  	[sflag:s16] =	ssyncadd.s32 $0xFFFFD000  }
0xbd: {  	_ =	swait.ge [sflag:s16], $0x3000  }
0xbe: {  	[sflag:s16] =	ssyncset.done $0x0  }
0xbf: {  	[sflag:s16] =	ssyncadd.s32 $0xFFFFD000  }
0xc0: {  	_ =	swait.ge [sflag:s16], $0x3000  }
0xc1: {  	[sflag:s16] =	ssyncset.done $0x0  }
0xc2: {  	[sflag:s16] =	ssyncadd.s32 $0xFFFFD000  }
0xc3: {  	_ =	swait.ge [sflag:s16], $0x3000  }
0xc4: {  	[sflag:s16] =	ssyncset.done $0x0  }
0xc5: {  	[sflag:s16] =	ssyncadd.s32 $0xFFFFD000  }
0xc6: {  	_ =	swait.ge [sflag:s16], $0x3000  }
0xc7: {  	[sflag:s16] =	ssyncset.done $0x0  }
0xc8: {  	[sflag:s16] =	ssyncadd.s32 $0xFFFFD000  }
0xc9: {  	_ =	swait.ge [sflag:s16], $0x3000  }
.Ltmp2:
0xca: {  	[sflag:s16] =	ssyncset.done $0x0;
	(pc) =	sbr.rel @p0 .LBB2_3-.Ltmp2, $4  }
0xcb: {  	[sflag:s16] =	ssyncadd.s32 $0xFFFFD000  }
0xcc: {  	_ =	swait.ge [sflag:s16], $0x3000  }
0xcd: {  	[sflag:s16] =	ssyncset.done $0x0  }
0xce: {  	[sflag:s16] =	ssyncadd.s32 $0xFFFFD000  }
0xcf: {  	s17 =	rddreg [dreg:$0x3]  }
0xd0: {  	[tilespmem:s2], [sflag:$0x2] =	stream.linear.gather [hbm4b:s17+s2], $0x400, $0x38;
	[tilespmem:$0x18400] =	vst v63  }
0xd1: {  	_ =	swait.ge [sflag:s11], $0x400  }
0xd2: {  	[sflag:s11] =	ssyncset.done $0x0  }
0xd3: {  	s18 =	rddreg [dreg:$0x4];
	[sflag:s11] =	ssyncadd.s32 $0xFFFFFC00  }
0xd4: {  	[tilespmem:s12], [sflag:$0x2] =	stream.linear.gather [hbm4b:s18+s2], $0x18000, $0x38;
	[tilespmem:$0x18400] =	vst v63  }
0xd5: {  	_ =	swait.ge [sflag:s11], $0x18000  }
0xd6: {  	[sflag:s11] =	ssyncset.done $0x0  }
0xd7: {  	[sflag:s11] =	ssyncadd.s32 $0xFFFE8000  }
0xd8: {  	v3 =	vld [tilespmem:$0x0];
	_ =	sdelay $0x4  }
0xd9: {  	v4 =	vshrl.u32 v3, $0x3  }
0xda: {  	v4 =	vmul.u32 $0x30, v4  }
0xdb: {  	v3 =	vand.u32 $0x7, v3  }
0xdc: {  	v3 =	vor.u32 v3, v4  }
0xdd: {  	v4 =	vperm.xlane v3, v0;
	_ =	sdelay $0x1  }
0xde: {  	v4 =	vadd.s32 v1, v4;
	_ =	sdelay $0x3  }
0xdf: {  	v3 =	vperm.xlane v3, v2  }
0xe0: {  	[hbm4b:s3+s2] =	stream.indirect_vreg.scatter [tilespmem:s12], [sflag:$0x1], $0x80, v4, vm0, $0xb8;
	[tilespmem:$0x18400] =	vst v63  }
0xe1: {  	s17 =	simm.s32 $0xC00;
	v3 =	vadd.s32 v1, v3  }
0xe2: {  	[hbm4b:s6+s2] =	stream.indirect_vreg.scatter [tilespmem:s17], [sflag:$0x1], $0x80, v4, vm0, $0xb8;
	[tilespmem:$0x18400] =	vst v63  }
0xe3: {  	s18 =	simm.s32 $0x1400  }
0xe4: {  	[hbm4b:s7+s2] =	stream.indirect_vreg.scatter [tilespmem:s18], [sflag:$0x1], $0x80, v4, vm0, $0xb8;
	[tilespmem:$0x18400] =	vst v63  }
0xe5: {  	s18 =	simm.s32 $0x1C00  }
0xe6: {  	[hbm4b:s3+s2] =	stream.indirect_vreg.scatter [tilespmem:s18], [sflag:$0x1], $0x80, v3, vm0, $0xb8;
	[tilespmem:$0x18400] =	vst v63  }
0xe7: {  	s18 =	simm.s32 $0x2400  }
0xe8: {  	[hbm4b:s6+s2] =	stream.indirect_vreg.scatter [tilespmem:s18], [sflag:$0x1], $0x80, v3, vm0, $0xb8;
	[tilespmem:$0x18400] =	vst v63  }
0xe9: {  	s18 =	simm.s32 $0x2C00  }
0xea: {  	[hbm4b:s7+s2] =	stream.indirect_vreg.scatter [tilespmem:s18], [sflag:$0x1], $0x80, v3, vm0, $0xb8;
	[tilespmem:$0x18400] =	vst v63  }
0xeb: {  	v3 =	vld [tilespmem:$0x80];
	_ =	sdelay $0x4  }
0xec: {  	v57 =	vshrl.u32 v3, $0x3  }
0xed: {  	v4 =	vmul.u32 $0x30, v57  }
0xee: {  	v3 =	vand.u32 $0x7, v3  }
0xef: {  	v3 =	vor.u32 v3, v4  }
0xf0: {  	v4 =	vperm.xlane v3, v0;
	_ =	sdelay $0x1  }
0xf1: {  	v4 =	vadd.s32 v1, v4;
	_ =	sdelay $0x3  }
0xf2: {  	s18 =	simm.s32 $0x3400;
	v3 =	vperm.xlane v3, v2  }
0xf3: {  	[hbm4b:s3+s2] =	stream.indirect_vreg.scatter [tilespmem:s18], [sflag:$0x1], $0x80, v4, vm0, $0xb8;
	[tilespmem:$0x18400] =	vst v63  }
0xf4: {  	v3 =	vadd.s32 v1, v3;
	s18 =	simm.s32 $0x3C00  }
0xf5: {  	[hbm4b:s6+s2] =	stream.indirect_vreg.scatter [tilespmem:s18], [sflag:$0x1], $0x80, v4, vm0, $0xb8;
	[tilespmem:$0x18400] =	vst v63  }
0xf6: {  	s18 =	simm.s32 $0x4400  }
0xf7: {  	[hbm4b:s7+s2] =	stream.indirect_vreg.scatter [tilespmem:s18], [sflag:$0x1], $0x80, v4, vm0, $0xb8;
	[tilespmem:$0x18400] =	vst v63  }
0xf8: {  	s18 =	simm.s32 $0x4C00  }
0xf9: {  	[hbm4b:s3+s2] =	stream.indirect_vreg.scatter [tilespmem:s18], [sflag:$0x1], $0x80, v3, vm0, $0xb8;
	[tilespmem:$0x18400] =	vst v63  }
0xfa: {  	s18 =	simm.s32 $0x5400  }
0xfb: {  	[hbm4b:s6+s2] =	stream.indirect_vreg.scatter [tilespmem:s18], [sflag:$0x1], $0x80, v3, vm0, $0xb8;
	[tilespmem:$0x18400] =	vst v63  }
0xfc: {  	s18 =	simm.s32 $0x5C00  }
0xfd: {  	[hbm4b:s7+s2] =	stream.indirect_vreg.scatter [tilespmem:s18], [sflag:$0x1], $0x80, v3, vm0, $0xb8;
	[tilespmem:$0x18400] =	vst v63  }
0xfe: {  	v3 =	vld [tilespmem:$0x100];
	_ =	sdelay $0x4  }
0xff: {  	v58 =	vshrl.u32 v3, $0x3  }
0x100: {  	v4 =	vmul.u32 $0x30, v58  }
0x101: {  	v3 =	vand.u32 $0x7, v3  }
0x102: {  	v3 =	vor.u32 v3, v4  }
0x103: {  	v4 =	vperm.xlane v3, v0;
	_ =	sdelay $0x1  }
0x104: {  	v4 =	vadd.s32 v1, v4;
	_ =	sdelay $0x3  }
0x105: {  	s18 =	simm.s32 $0x6400;
	v3 =	vperm.xlane v3, v2  }
0x106: {  	[hbm4b:s3+s2] =	stream.indirect_vreg.scatter [tilespmem:s18], [sflag:$0x1], $0x80, v4, vm0, $0xb8;
	[tilespmem:$0x18400] =	vst v63  }
0x107: {  	v3 =	vadd.s32 v1, v3;
	s18 =	simm.s32 $0x6C00  }
0x108: {  	[hbm4b:s6+s2] =	stream.indirect_vreg.scatter [tilespmem:s18], [sflag:$0x1], $0x80, v4, vm0, $0xb8;
	[tilespmem:$0x18400] =	vst v63  }
0x109: {  	s18 =	simm.s32 $0x7400  }
0x10a: {  	[hbm4b:s7+s2] =	stream.indirect_vreg.scatter [tilespmem:s18], [sflag:$0x1], $0x80, v4, vm0, $0xb8;
	[tilespmem:$0x18400] =	vst v63  }
0x10b: {  	s18 =	simm.s32 $0x7C00  }
0x10c: {  	[hbm4b:s3+s2] =	stream.indirect_vreg.scatter [tilespmem:s18], [sflag:$0x1], $0x80, v3, vm0, $0xb8;
	[tilespmem:$0x18400] =	vst v63  }
0x10d: {  	s18 =	simm.s32 $0x8400  }
0x10e: {  	[hbm4b:s6+s2] =	stream.indirect_vreg.scatter [tilespmem:s18], [sflag:$0x1], $0x80, v3, vm0, $0xb8;
	[tilespmem:$0x18400] =	vst v63  }
0x10f: {  	s18 =	simm.s32 $0x8C00  }
0x110: {  	[hbm4b:s7+s2] =	stream.indirect_vreg.scatter [tilespmem:s18], [sflag:$0x1], $0x80, v3, vm0, $0xb8;
	[tilespmem:$0x18400] =	vst v63  }
0x111: {  	v3 =	vld [tilespmem:$0x180];
	_ =	sdelay $0x4  }
0x112: {  	v59 =	vshrl.u32 v3, $0x3  }
0x113: {  	v4 =	vmul.u32 $0x30, v59  }
0x114: {  	v3 =	vand.u32 $0x7, v3  }
0x115: {  	v3 =	vor.u32 v3, v4  }
0x116: {  	v4 =	vperm.xlane v3, v0;
	_ =	sdelay $0x1  }
0x117: {  	v4 =	vadd.s32 v1, v4;
	_ =	sdelay $0x3  }
0x118: {  	s18 =	simm.s32 $0x9400;
	v3 =	vperm.xlane v3, v2  }
0x119: {  	[hbm4b:s3+s2] =	stream.indirect_vreg.scatter [tilespmem:s18], [sflag:$0x1], $0x80, v4, vm0, $0xb8;
	[tilespmem:$0x18400] =	vst v63  }
0x11a: {  	v3 =	vadd.s32 v1, v3;
	s18 =	simm.s32 $0x9C00  }
0x11b: {  	[hbm4b:s6+s2] =	stream.indirect_vreg.scatter [tilespmem:s18], [sflag:$0x1], $0x80, v4, vm0, $0xb8;
	[tilespmem:$0x18400] =	vst v63  }
0x11c: {  	s18 =	simm.s32 $0xA400  }
0x11d: {  	[hbm4b:s7+s2] =	stream.indirect_vreg.scatter [tilespmem:s18], [sflag:$0x1], $0x80, v4, vm0, $0xb8;
	[tilespmem:$0x18400] =	vst v63  }
0x11e: {  	s18 =	simm.s32 $0xAC00  }
0x11f: {  	[hbm4b:s3+s2] =	stream.indirect_vreg.scatter [tilespmem:s18], [sflag:$0x1], $0x80, v3, vm0, $0xb8;
	[tilespmem:$0x18400] =	vst v63  }
0x120: {  	s18 =	simm.s32 $0xB400  }
0x121: {  	[hbm4b:s6+s2] =	stream.indirect_vreg.scatter [tilespmem:s18], [sflag:$0x1], $0x80, v3, vm0, $0xb8;
	[tilespmem:$0x18400] =	vst v63  }
0x122: {  	s18 =	simm.s32 $0xBC00  }
0x123: {  	[hbm4b:s7+s2] =	stream.indirect_vreg.scatter [tilespmem:s18], [sflag:$0x1], $0x80, v3, vm0, $0xb8;
	[tilespmem:$0x18400] =	vst v63  }
0x124: {  	v3 =	vld [tilespmem:$0x200];
	_ =	sdelay $0x4  }
0x125: {  	v60 =	vshrl.u32 v3, $0x3  }
0x126: {  	v4 =	vmul.u32 $0x30, v60  }
0x127: {  	v3 =	vand.u32 $0x7, v3  }
0x128: {  	v3 =	vor.u32 v3, v4  }
0x129: {  	v4 =	vperm.xlane v3, v0;
	_ =	sdelay $0x1  }
0x12a: {  	v4 =	vadd.s32 v1, v4;
	_ =	sdelay $0x3  }
0x12b: {  	s18 =	simm.s32 $0xC400;
	v3 =	vperm.xlane v3, v2  }
0x12c: {  	[hbm4b:s3+s2] =	stream.indirect_vreg.scatter [tilespmem:s18], [sflag:$0x1], $0x80, v4, vm0, $0xb8;
	[tilespmem:$0x18400] =	vst v63  }
0x12d: {  	v3 =	vadd.s32 v1, v3;
	s18 =	simm.s32 $0xCC00  }
0x12e: {  	[hbm4b:s6+s2] =	stream.indirect_vreg.scatter [tilespmem:s18], [sflag:$0x1], $0x80, v4, vm0, $0xb8;
	[tilespmem:$0x18400] =	vst v63  }
0x12f: {  	s18 =	simm.s32 $0xD400  }
0x130: {  	[hbm4b:s7+s2] =	stream.indirect_vreg.scatter [tilespmem:s18], [sflag:$0x1], $0x80, v4, vm0, $0xb8;
	[tilespmem:$0x18400] =	vst v63  }
0x131: {  	s18 =	simm.s32 $0xDC00  }
0x132: {  	[hbm4b:s3+s2] =	stream.indirect_vreg.scatter [tilespmem:s18], [sflag:$0x1], $0x80, v3, vm0, $0xb8;
	[tilespmem:$0x18400] =	vst v63  }
0x133: {  	s18 =	simm.s32 $0xE400  }
0x134: {  	[hbm4b:s6+s2] =	stream.indirect_vreg.scatter [tilespmem:s18], [sflag:$0x1], $0x80, v3, vm0, $0xb8;
	[tilespmem:$0x18400] =	vst v63  }
0x135: {  	_ = 	snop  }
0x136: {  	[hbm4b:s7+s2] =	stream.indirect_vreg.scatter [tilespmem:s19], [sflag:$0x1], $0x80, v3, vm0, $0xb8;
	[tilespmem:$0x18400] =	vst v63  }
0x137: {  	v3 =	vld [tilespmem:$0x280];
	_ =	sdelay $0x4  }
0x138: {  	v61 =	vshrl.u32 v3, $0x3  }
0x139: {  	v4 =	vmul.u32 $0x30, v61  }
0x13a: {  	v3 =	vand.u32 $0x7, v3  }
0x13b: {  	v3 =	vor.u32 v3, v4  }
0x13c: {  	v4 =	vperm.xlane v3, v0;
	_ =	sdelay $0x1  }
0x13d: {  	v4 =	vadd.s32 v1, v4;
	_ =	sdelay $0x3  }
0x13e: {  	v3 =	vperm.xlane v3, v2  }
0x13f: {  	[hbm4b:s3+s2] =	stream.indirect_vreg.scatter [tilespmem:s20], [sflag:$0x1], $0x80, v4, vm0, $0xb8;
	[tilespmem:$0x18400] =	vst v63  }
0x140: {  	v3 =	vadd.s32 v1, v3  }
0x141: {  	[hbm4b:s6+s2] =	stream.indirect_vreg.scatter [tilespmem:s21], [sflag:$0x1], $0x80, v4, vm0, $0xb8;
	[tilespmem:$0x18400] =	vst v63  }
0x142: {  	_ = 	snop  }
0x143: {  	[hbm4b:s7+s2] =	stream.indirect_vreg.scatter [tilespmem:s22], [sflag:$0x1], $0x80, v4, vm0, $0xb8;
	[tilespmem:$0x18400] =	vst v63  }
0x144: {  	_ = 	snop  }
0x145: {  	[hbm4b:s3+s2] =	stream.indirect_vreg.scatter [tilespmem:s23], [sflag:$0x1], $0x80, v3, vm0, $0xb8;
	[tilespmem:$0x18400] =	vst v63  }
0x146: {  	_ = 	snop  }
0x147: {  	[hbm4b:s6+s2] =	stream.indirect_vreg.scatter [tilespmem:s24], [sflag:$0x1], $0x80, v3, vm0, $0xb8;
	[tilespmem:$0x18400] =	vst v63  }
0x148: {  	_ = 	snop  }
0x149: {  	[hbm4b:s7+s2] =	stream.indirect_vreg.scatter [tilespmem:s25], [sflag:$0x1], $0x80, v3, vm0, $0xb8;
	[tilespmem:$0x18400] =	vst v63  }
0x14a: {  	v3 =	vld [tilespmem:$0x300];
	_ =	sdelay $0x4  }
0x14b: {  	v62 =	vshrl.u32 v3, $0x3  }
0x14c: {  	v4 =	vmul.u32 $0x30, v62  }
0x14d: {  	v3 =	vand.u32 $0x7, v3  }
0x14e: {  	v3 =	vor.u32 v3, v4  }
0x14f: {  	v4 =	vperm.xlane v3, v0;
	_ =	sdelay $0x1  }
0x150: {  	v4 =	vadd.s32 v1, v4;
	_ =	sdelay $0x3  }
0x151: {  	v3 =	vperm.xlane v3, v2  }
0x152: {  	[hbm4b:s3+s2] =	stream.indirect_vreg.scatter [tilespmem:s26], [sflag:$0x1], $0x80, v4, vm0, $0xb8;
	[tilespmem:$0x18400] =	vst v63  }
0x153: {  	v3 =	vadd.s32 v1, v3  }
0x154: {  	[hbm4b:s6+s2] =	stream.indirect_vreg.scatter [tilespmem:s28], [sflag:$0x1], $0x80, v4, vm0, $0xb8;
	[tilespmem:$0x18400] =	vst v63  }
0x155: {  	_ = 	snop  }
0x156: {  	[hbm4b:s7+s2] =	stream.indirect_vreg.scatter [tilespmem:s29], [sflag:$0x1], $0x80, v4, vm0, $0xb8;
	[tilespmem:$0x18400] =	vst v63  }
0x157: {  	_ = 	snop  }
0x158: {  	[hbm4b:s3+s2] =	stream.indirect_vreg.scatter [tilespmem:s30], [sflag:$0x1], $0x80, v3, vm0, $0xb8;
	[tilespmem:$0x18400] =	vst v63  }
0x159: {  	_ = 	snop  }
0x15a: {  	[hbm4b:s6+s2] =	stream.indirect_vreg.scatter [tilespmem:s31], [sflag:$0x1], $0x80, v3, vm0, $0xb8;
	[tilespmem:$0x18400] =	vst v63  }
0x15b: {  	_ = 	snop  }
0x15c: {  	[hbm4b:s7+s2] =	stream.indirect_vreg.scatter [tilespmem:s1], [sflag:$0x1], $0x80, v3, vm0, $0xb8;
	[tilespmem:$0x18400] =	vst v63  }
0x15d: {  	v3 =	vld [tilespmem:$0x380];
	_ =	sdelay $0x4  }
0x15e: {  	v63 =	vshrl.u32 v3, $0x3  }
0x15f: {  	v4 =	vmul.u32 $0x30, v63  }
0x160: {  	v3 =	vand.u32 $0x7, v3  }
0x161: {  	v3 =	vor.u32 v3, v4  }
0x162: {  	v4 =	vperm.xlane v3, v0;
	_ =	sdelay $0x1  }
0x163: {  	v4 =	vadd.s32 v1, v4;
	_ =	sdelay $0x3  }
0x164: {  	v3 =	vperm.xlane v3, v2  }
0x165: {  	[hbm4b:s3+s2] =	stream.indirect_vreg.scatter [tilespmem:s0], [sflag:$0x1], $0x80, v4, vm0, $0xb8;
	[tilespmem:$0x18400] =	vst v63  }
0x166: {  	v3 =	vadd.s32 v1, v3  }
0x167: {  	[hbm4b:s6+s2] =	stream.indirect_vreg.scatter [tilespmem:s8], [sflag:$0x1], $0x80, v4, vm0, $0xb8;
	[tilespmem:$0x18400] =	vst v63  }
0x168: {  	_ = 	snop  }
0x169: {  	[hbm4b:s7+s2] =	stream.indirect_vreg.scatter [tilespmem:s9], [sflag:$0x1], $0x80, v4, vm0, $0xb8;
	[tilespmem:$0x18400] =	vst v63  }
0x16a: {  	_ = 	snop  }
0x16b: {  	[hbm4b:s3+s2] =	stream.indirect_vreg.scatter [tilespmem:s13], [sflag:$0x1], $0x80, v3, vm0, $0xb8;
	[tilespmem:$0x18400] =	vst v63  }
0x16c: {  	_ = 	snop  }
0x16d: {  	[hbm4b:s6+s2] =	stream.indirect_vreg.scatter [tilespmem:s14], [sflag:$0x1], $0x80, v3, vm0, $0xb8;
	[tilespmem:$0x18400] =	vst v63  }
0x16e: {  	_ = 	snop  }
0x16f: {  	[hbm4b:s7+s2] =	stream.indirect_vreg.scatter [tilespmem:s15], [sflag:$0x1], $0x80, v3, vm0, $0xb8;
	[tilespmem:$0x18400] =	vst v63  }
0x170: {  	_ =	swait.ge [sflag:s16], $0x3000  }
0x171: {  	[sflag:s16] =	ssyncset.done $0x0  }
0x172: {  	[sflag:s16] =	ssyncadd.s32 $0xFFFFD000  }
0x173: {  	_ =	swait.ge [sflag:s16], $0x3000  }
0x174: {  	[sflag:s16] =	ssyncset.done $0x0  }
0x175: {  	[sflag:s16] =	ssyncadd.s32 $0xFFFFD000  }
0x176: {  	_ =	swait.ge [sflag:s16], $0x3000  }
0x177: {  	[sflag:s16] =	ssyncset.done $0x0  }
0x178: {  	[sflag:s16] =	ssyncadd.s32 $0xFFFFD000  }
0x179: {  	_ =	swait.ge [sflag:s16], $0x3000  }
0x17a: {  	[sflag:s16] =	ssyncset.done $0x0  }
0x17b: {  	[sflag:s16] =	ssyncadd.s32 $0xFFFFD000  }
0x17c: {  	_ =	swait.ge [sflag:s16], $0x3000  }
0x17d: {  	[sflag:s16] =	ssyncset.done $0x0  }
0x17e: {  	[sflag:s16] =	ssyncadd.s32 $0xFFFFD000  }
0x17f: {  	_ =	swait.ge [sflag:s16], $0x3000  }
0x180: {  	[sflag:s16] =	ssyncset.done $0x0  }
0x181: {  	[sflag:s16] =	ssyncadd.s32 $0xFFFFD000  }
0x182: {  	_ =	swait.ge [sflag:s16], $0x3000  }
.Ltmp3:
0x183: {  	[sflag:s16] =	ssyncset.done $0x0;
	(pc) =	sbr.rel .LBB2_3-.Ltmp3, $4  }
0x184: {  	[sflag:s16] =	ssyncadd.s32 $0xFFFFD000  }
0x185: {  	_ =	swait.ge [sflag:s16], $0x3000  }
0x186: {  	[sflag:s16] =	ssyncset.done $0x0  }
0x187: {  	[sflag:s16] =	ssyncadd.s32 $0xFFFFD000  }
.LBB2_4:
0x188: {  	_ =	sfence.sel $0x180000  }
0x189: {  	[bflag:$0x0] =	sbarrier.arrive $0xFFFF  }
0x18a: {  	_ =	strace $0x9000004A  }
0x18b: {  	s0 =	stileid.u32;
	[bflag:$0x2] =	sbarrier.arrive $0xFFFF  }
0x18c: {  	p0 =	sne.s32 s0, $0x0;
	s0 =	rddreg [dreg:$0x2]  }
0x18d: {  	s0 =	sadd.s32 @!p0 $0x100000, s0  }
0x18e: {  	[sflag:s0] =	ssyncadd.tile.s32 @!p0 $0x1;
	_ =	shalt  }
.Lfunc_end2:
_tile_overlayer_lowered:
.L_overlay_start_2:
0x18f: {  	(tag) =	ssettag $0x2  }
0x190: {  	s0 =	rddreg [dreg:$0x0];
	s2 =	stileid.u32  }
0x191: {  	s1 =	rddreg [dreg:$0x1];
	p0 =	sne.s32 s2, $0x0  }
0x192: {  	s3 =	rddreg [dreg:$0x2];
	[bflag:$0x3] =	sbarrier.arrive $0xFFFF;
	s2 =	simm.s32 @!p0 $0x1C02  }
0x193: {  	[timem:s3], [sflag:s2] =	dma.local @!p0 [hbm:s0], s1  }
0x194: {  	s0 =	simm.s32 @!p0 $0x2  }
0x195: {  	_ =	swait.ge @!p0 [sflag:s0], s1  }
0x196: {  	s1 =	ssub.s32 @!p0 $0x0, s1;
	[sflag:s0] =	ssyncset.done @!p0 $0x0  }
0x197: {  	[sflag:s0] =	ssyncadd.s32 @!p0 s1  }
0x198: {  	[bflag:$0x3] =	sbarrier.arrive $0xFFFF  }
0x199: {  	_ =	shalt  }

</sc_bundles>
